<compile_context>
chip_gen: v7x
topology: tpu7x:2x2x1
jax: 0.10.2.dev20260603
libtpu: 0.0.44.dev20260713+nightly
codegen_flags: <defaults>
</compile_context>

<pallas_src>
import functools

import jax
import jax.numpy as jnp
from jax import lax
from jax.experimental import pallas as pl
from jax.experimental.pallas import tpu as pltpu
from jax.experimental.pallas import tpu_sc as plsc

NC = 2
NS = 16
NW = NC * NS
L = 16


def _sc_mesh():
    return plsc.VectorSubcoreMesh(core_axis_name="c", subcore_axis_name="s",
                                  num_cores=NC, num_subcores=NS)


def _sc_params():
    return pltpu.CompilerParams(needs_layout_passes=False)


def _make_degree_kernel(E, NPAD):
    CE = E // NW
    CW = 2 * NPAD // NS

    @functools.partial(
        pl.kernel,
        out_type=jax.ShapeDtypeStruct((NC, 1, 2 * NPAD), jnp.float32),
        mesh=_sc_mesh(),
        compiler_params=_sc_params(),
        scratch_types=[
            pltpu.VMEM((2, CE), jnp.int32),
            pltpu.VMEM((2 * NPAD,), jnp.float32),
            pltpu.VMEM((CW,), jnp.float32),
            pltpu.VMEM((CW,), jnp.float32),
            pltpu.VMEM_SHARED((NS, 2 * NPAD), jnp.float32),
        ],
    )
    def deg_k(edges, out, idx_v, hist_v, acc_v, tmp_v, hist_sh):
        c = lax.axis_index("c")
        s = lax.axis_index("s")
        wid = c * NS + s

        zeros = jnp.zeros((L,), jnp.float32)

        def zero_body(i, _):
            hist_v[pl.ds(i * L, L)] = zeros
            return _

        lax.fori_loop(0, 2 * NPAD // L, zero_body, None)

        pltpu.sync_copy(edges.at[0, wid], idx_v.at[0])
        pltpu.sync_copy(edges.at[1, wid], idx_v.at[1])

        ones = jnp.ones((L,), jnp.float32)
        off = jnp.full((L,), NPAD, jnp.int32)

        @plsc.parallel_loop(0, CE // L, unroll=8)
        def _(i):
            sv = idx_v[0, pl.ds(i * L, L)]
            dv = idx_v[1, pl.ds(i * L, L)]
            plsc.addupdate_scatter(hist_v, [sv], ones)
            plsc.addupdate_scatter(hist_v, [dv + off], ones)

        pltpu.sync_copy(hist_v, hist_sh.at[s])
        plsc.subcore_barrier()

        def zacc(i, _):
            acc_v[pl.ds(i * L, L)] = zeros
            return _

        lax.fori_loop(0, CW // L, zacc, None)

        def red_tile(t, _):
            pltpu.sync_copy(hist_sh.at[t, pl.ds(s * CW, CW)], tmp_v)

            @plsc.parallel_loop(0, CW // L, unroll=8)
            def _(i):
                acc_v[pl.ds(i * L, L)] += tmp_v[pl.ds(i * L, L)]
            return _

        lax.fori_loop(0, NS, red_tile, None)
        pltpu.sync_copy(acc_v, out.at[c, 0, pl.ds(s * CW, CW)])

    return deg_k


def _make_agg_kernel(NP, E, D, KB, CHB):
    CE = E // NW
    NB = CE // KB
    NCH = NB // CHB
    assert NB % CHB == 0
    NR = NP // NS
    assert NR % KB == 0 and NR % 8 == 0 and KB % 8 == 0

    @functools.partial(
        pl.kernel,
        out_type=jax.ShapeDtypeStruct((NC, NP, D), jnp.float32),
        mesh=_sc_mesh(),
        compiler_params=_sc_params(),
        scratch_types=[
            pltpu.VMEM((CHB, KB), jnp.int32),
            pltpu.VMEM((CHB, KB), jnp.int32),
            pltpu.VMEM((KB, D), jnp.float32),
            pltpu.VMEM((KB, D), jnp.float32),
            pltpu.VMEM((KB, D), jnp.float32),
            pltpu.VMEM_SHARED((NP, D), jnp.float32),
        ] + [pltpu.SemaphoreType.DMA] * 6,
    )
    def agg_k(edges, table, out, src_v, dst_v, rows0_v, rows1_v, rows2_v,
              agg_sh, gsem0, gsem1, gsem2, ssem0, ssem1, ssem2):
        c = lax.axis_index("c")
        s = lax.axis_index("s")
        wid = c * NS + s

        zeros = jnp.zeros((L,), jnp.float32)
        DL = D // L

        def zero_body(i, _):
            rows0_v[i // DL, pl.ds((i % DL) * L, L)] = zeros
            return _

        lax.fori_loop(0, KB * DL, zero_body, None)

        def zero_dma(k, _):
            pltpu.sync_copy(rows0_v, agg_sh.at[pl.ds(s * NR + k * KB, KB)])
            return _

        lax.fori_loop(0, NR // KB, zero_dma, None)
        plsc.subcore_barrier()

        R = 3
        bufs = (rows0_v, rows1_v, rows2_v)
        gsems = (gsem0, gsem1, gsem2)
        ssems = (ssem0, ssem1, ssem2)

        def gather(j, p):
            return pltpu.make_async_copy(table.at[src_v.at[j]], bufs[p],
                                         gsems[p])

        def scat_wait(j, p):
            return pltpu.make_async_copy(bufs[p], agg_sh.at[dst_v.at[j]],
                                         ssems[p])

        def chunk_body(ch, _):
            pltpu.sync_copy(edges.at[0, wid, ch], src_v)
            pltpu.sync_copy(edges.at[1, wid, ch], dst_v)
            for k in range(R - 1):
                gather(k, k).start()

            def blk_body(j, _):
                for p in range(R):
                    @pl.when(j % R == p)
                    def _():
                        gather(j, p).wait()
                        pltpu.async_copy(bufs[p], agg_sh.at[dst_v.at[j]],
                                         ssems[p], add=True)

                        @pl.when(j + R - 1 < CHB)
                        def _():
                            q = (p + R - 1) % R
                            @pl.when(j > 0)
                            def _():
                                scat_wait(j - 1, q).wait()
                            gather(j + R - 1, q).start()
                return _

            lax.fori_loop(0, CHB, blk_body, None)
            for t in range(CHB - R, CHB):
                scat_wait(t, t % R).wait()
            return _

        lax.fori_loop(0, NCH, chunk_body, None)
        plsc.subcore_barrier()

        pltpu.sync_copy(agg_sh.at[pl.ds(s * NR, NR)],
                        out.at[c, pl.ds(s * NR, NR)])

    return agg_k


def _make_agg_cols_kernel(NP, E, DO, CED):
    EC = E // NC
    NCH = EC // CED
    assert EC % CED == 0 and DO == NS

    @functools.partial(
        pl.kernel,
        out_type=jax.ShapeDtypeStruct((NC, DO, 1, NP), jnp.float32),
        mesh=_sc_mesh(),
        compiler_params=_sc_params(),
        scratch_types=[
            pltpu.VMEM((NP,), jnp.float32),
            pltpu.VMEM((NP,), jnp.float32),
            pltpu.VMEM((2, CED), jnp.int32),
            pltpu.VMEM((2, CED), jnp.int32),
            pltpu.SemaphoreType.DMA,
            pltpu.SemaphoreType.DMA,
        ],
    )
    def aggc_k(tableT, edges, out, col_v, acc_v, idxA_v, idxB_v, semA, semB):
        c = lax.axis_index("c")
        s = lax.axis_index("s")

        zeros = jnp.zeros((L,), jnp.float32)

        def zero_body(i, _):
            acc_v[pl.ds(i * L, L)] = zeros
            return _

        lax.fori_loop(0, NP // L, zero_body, None)

        pltpu.sync_copy(tableT.at[s, 0], col_v)

        ibufs = (idxA_v, idxB_v)
        isems = (semA, semB)

        def idx_load(ch, p):
            def one(r):
                return pltpu.make_async_copy(
                    edges.at[r, c, ch, 0], ibufs[p].at[r], isems[p])
            return one

        idx_load(0, 0)(0).start()
        idx_load(0, 0)(1).start()

        def chunk_body(ch, _):
            for p in range(2):
                @pl.when(ch % 2 == p)
                def _():
                    idx_load(ch, p)(0).wait()
                    idx_load(ch, p)(1).wait()

                    @pl.when(ch < NCH - 1)
                    def _():
                        idx_load(ch + 1, 1 - p)(0).start()
                        idx_load(ch + 1, 1 - p)(1).start()

                    @plsc.parallel_loop(0, CED // L, unroll=16)
                    def _(k):
                        sv = ibufs[p][0, pl.ds(k * L, L)]
                        dv = ibufs[p][1, pl.ds(k * L, L)]
                        vals = plsc.load_gather(col_v, [sv])
                        plsc.addupdate_scatter(acc_v, [dv], vals)
            return _

        lax.fori_loop(0, NCH, chunk_body, None)

        pltpu.sync_copy(acc_v, out.at[c, s, 0])

    return aggc_k


def _make_tc_layer1(N, NPAD, DIN, DH, BN):
    def body(hist_ref, feat_ref, w_ref, out_ref):
        h = hist_ref[...]
        deg_out = jnp.sum(h[:, :NC], axis=1, keepdims=True)
        ns = lax.rsqrt(jnp.maximum(deg_out, 1.0))
        x = feat_ref[...] * ns
        out_ref[...] = jnp.dot(x, w_ref[...], preferred_element_type=jnp.float32)

    return pl.pallas_call(
        body,
        grid=(NPAD // BN,),
        in_specs=[
            pl.BlockSpec((BN, 2 * NC), lambda i: (i, 0)),
            pl.BlockSpec((BN, DIN), lambda i: (i, 0)),
            pl.BlockSpec((DIN, DH), lambda i: (0, 0)),
        ],
        out_specs=pl.BlockSpec((BN, DH), lambda i: (i, 0)),
        out_shape=jax.ShapeDtypeStruct((N, DH), jnp.float32),
    )


def _make_tc_mid(N, NPAD, DH, DO, BN):
    def body(hist_ref, aggp_ref, b1_ref, w2_ref, out_ref):
        h = hist_ref[...]
        deg_out = jnp.sum(h[:, :NC], axis=1, keepdims=True)
        deg_in = jnp.sum(h[:, NC:], axis=1, keepdims=True)
        ns = lax.rsqrt(jnp.maximum(deg_out, 1.0))
        nd = lax.rsqrt(jnp.maximum(deg_in, 1.0))
        agg = aggp_ref[0] + aggp_ref[1]
        out1 = jnp.maximum(agg * nd + b1_ref[...], 0.0)
        res = jnp.dot(out1, w2_ref[...],
                      preferred_element_type=jnp.float32) * ns
        out_ref[...] = res.T

    return pl.pallas_call(
        body,
        grid=(NPAD // BN,),
        in_specs=[
            pl.BlockSpec((BN, 2 * NC), lambda i: (i, 0)),
            pl.BlockSpec((NC, BN, DH), lambda i: (0, i, 0)),
            pl.BlockSpec((1, DH), lambda i: (0, 0)),
            pl.BlockSpec((DH, DO), lambda i: (0, 0)),
        ],
        out_specs=pl.BlockSpec((DO, BN), lambda i: (0, i)),
        out_shape=jax.ShapeDtypeStruct((DO, NPAD), jnp.float32),
    )


def _make_tc_final(N, NPAD, DO, BN):
    def body(hist_ref, aggp_ref, b2_ref, out_ref):
        h = hist_ref[...]
        deg_in = jnp.sum(h[:, NC:], axis=1, keepdims=True)
        nd = lax.rsqrt(jnp.maximum(deg_in, 1.0))
        agg = aggp_ref[0, :, 0] + aggp_ref[1, :, 0]
        out_ref[...] = agg.T * nd + b2_ref[...]

    return pl.pallas_call(
        body,
        grid=(NPAD // BN,),
        in_specs=[
            pl.BlockSpec((BN, 2 * NC), lambda i: (i, 0)),
            pl.BlockSpec((NC, DO, 1, BN), lambda i: (0, 0, 0, i)),
            pl.BlockSpec((1, DO), lambda i: (0, 0)),
        ],
        out_specs=pl.BlockSpec((BN, DO), lambda i: (i, 0)),
        out_shape=jax.ShapeDtypeStruct((N, DO), jnp.float32),
    )


def kernel(features, edge_index, W1, b1, W2, b2):
    N, DIN = features.shape
    E = edge_index.shape[1]
    DH = W1.shape[1]
    DO = W2.shape[1]

    KB = 80
    CHB = 25
    CED = 10000
    assert E % (NW * KB * CHB) == 0 and N % NS == 0 and E % (NC * CED) == 0
    CE = E // NW
    NB = CE // KB
    BN = 1024
    NPAD = -(-N // BN) * BN

    edges_deg = edge_index.reshape(2, NW, CE)
    edges_blk = edge_index.reshape(2, NW, NB // CHB, CHB, KB)
    edges_half = edge_index.reshape(2, NC, E // (NC * CED), 1, CED)

    histp = _make_degree_kernel(E, NPAD)(edges_deg)
    hist_t = (histp.reshape(NC, 2, NPAD)
              .transpose(2, 1, 0).reshape(NPAD, 2 * NC))

    h1s = _make_tc_layer1(N, NPAD, DIN, DH, BN)(hist_t, features, W1)
    aggp1 = _make_agg_kernel(NPAD, E, DH, KB, CHB)(edges_blk, h1s)
    h2sT = _make_tc_mid(N, NPAD, DH, DO, BN)(
        hist_t, aggp1, b1.reshape(1, DH), W2)

    aggp2 = _make_agg_cols_kernel(NPAD, E, DO, CED)(
        h2sT.reshape(DO, 1, NPAD), edges_half)

    out = _make_tc_final(N, NPAD, DO, BN)(
        hist_t, aggp2, b2.reshape(1, DO))
    return out

# --- scband reference (transcript-rebuilt; emitter-appended) ---
"""Pipeline reference for scband-gcn-60129542534 (READ-ONLY COPY).

The authoritative reference and input builder live on the scoring server;
editing this copy changes nothing except your own understanding.
"""

import jax, jax.numpy as jnp
import numpy as np

N = 10000
E = 320000
D_IN = 128
D_HID = 128
N_CLASSES = 16


def setup_inputs(seed: int = 0) -> dict:
    key = jax.random.key(seed)
    k1, k2, k3, k4, k5, k6 = jax.random.split(key, 6)
    features = jax.random.normal(k1, (N, D_IN), dtype=jnp.float32)
    edge_index = jax.random.randint(k2, (2, E), 0, N, dtype=jnp.int32)
    # GraphConv layer 1: in_feats -> n_hidden (glorot-ish init)
    W1 = jax.random.normal(k3, (D_IN, D_HID), dtype=jnp.float32) * (1.0 / np.sqrt(D_IN))
    b1 = jnp.zeros((D_HID,), dtype=jnp.float32)
    # GraphConv layer 2: n_hidden -> n_classes
    W2 = jax.random.normal(k4, (D_HID, N_CLASSES), dtype=jnp.float32) * (1.0 / np.sqrt(D_HID))
    b2 = jnp.zeros((N_CLASSES,), dtype=jnp.float32)
    return {"features": features, "edge_index": edge_index, "W1": W1, "b1": b1, "W2": W2, "b2": b2}


def _graph_conv(h, src, dst, W, b):
    # DGL GraphConv with norm='both', allow_zero_in_degree=True:
    #   h' = D_in^{-1/2} * A^T * (D_out^{-1/2} * h) * W + b
    # degrees clamped to min 1 (DGL behavior)
    n = h.shape[0]
    ones = jnp.ones((src.shape[0],), dtype=h.dtype)
    deg_out = jnp.zeros((n,), dtype=h.dtype).at[src].add(ones)
    deg_in = jnp.zeros((n,), dtype=h.dtype).at[dst].add(ones)
    norm_src = jnp.power(jnp.maximum(deg_out, 1.0), -0.5)
    norm_dst = jnp.power(jnp.maximum(deg_in, 1.0), -0.5)
    h = h * norm_src[:, None]
    h = h @ W  # mult W first (math-equivalent; DGL does this when in>=out)
    msgs = jnp.take(h, src, axis=0)                      # gather over edges
    agg = jnp.zeros((n, W.shape[1]), dtype=h.dtype).at[dst].add(msgs)  # scatter-add
    return agg * norm_dst[:, None] + b


def reference(features, edge_index, W1, b1, W2, b2):
    src = edge_index[0]
    dst = edge_index[1]
    h = _graph_conv(features, src, dst, W1, b1)
    h = jax.nn.relu(h)  # activation between layers; dropout rate is 0.0 (identity)
    h = _graph_conv(h, src, dst, W2, b2)
    return h

if __name__ == "__main__":
    import jax
    _d = setup_inputs()
    print(jax.jit(kernel)(*tuple(_d.values())))

</pallas_src>

<mosaic_0001>
#map = affine_map<(d0, d1) -> (0, 0, 0, 0, 0)>
#map1 = affine_map<(d0, d1) -> (0, 0)>
#map2 = affine_map<(d0, d1) -> (0, 0, 0)>
module attributes {stable_mosaic.version = 14 : i64} {
  func.func @agg_k(%arg0: i32, %arg1: i32, %arg2: memref<2x32x5x25x80xi32, #tpu.memory_space<hbm>>, %arg3: memref<10000x128xf32, #tpu.memory_space<hbm>>, %arg4: memref<2x10240x128xf32, #tpu.memory_space<hbm>>, %arg5: memref<25x80xi32, #tpu.memory_space<vmem>>, %arg6: memref<25x80xi32, #tpu.memory_space<vmem>>, %arg7: memref<80x128xf32, #tpu.memory_space<vmem>>, %arg8: memref<80x128xf32, #tpu.memory_space<vmem>>, %arg9: memref<80x128xf32, #tpu.memory_space<vmem>>, %arg10: memref<10240x128xf32, #tpu.memory_space<vmem_shared>>, %arg11: memref<!tpu.dma_semaphore, #tpu.memory_space<semaphore_mem>>, %arg12: memref<!tpu.dma_semaphore, #tpu.memory_space<semaphore_mem>>, %arg13: memref<!tpu.dma_semaphore, #tpu.memory_space<semaphore_mem>>, %arg14: memref<!tpu.dma_semaphore, #tpu.memory_space<semaphore_mem>>, %arg15: memref<!tpu.dma_semaphore, #tpu.memory_space<semaphore_mem>>, %arg16: memref<!tpu.dma_semaphore, #tpu.memory_space<semaphore_mem>>) attributes {dimension_semantics = [#tpu.dimension_semantics<core_parallel>, #tpu.dimension_semantics<subcore_parallel>], iteration_bounds = array<i64: 2, 16>, scalar_prefetch = 0 : i64, scratch_operands = 12 : i64, tpu.core_type = #tpu.core_type<sc_vector_subcore>, window_params = [{transform_indices = #map}, {transform_indices = #map1}, {transform_indices = #map2}]} {
    %mul3A = arith.constant 16 : i32
    %mul3A_0 = arith.muli %arg0, %mul3A : i32
    %add3A = arith.addi %mul3A_0, %arg1 : i32
    %broadcast_in_dim3A = arith.constant 0.000000e+00 : f32
    %broadcast_in_dim3A_1 = vector.broadcast %broadcast_in_dim3A : f32 to vector<16xf32>
    %scan3A = arith.constant 0 : i32
    %scan3A_2 = arith.constant 640 : i32
    %scan3A_3 = arith.addi %scan3A, %scan3A_2 : i32
    %scan3A_4 = arith.constant 1 : i32
    scf.for %scan3A_21 = %scan3A to %scan3A_3 step %scan3A_4  : i32 {
      %jit3A = arith.constant 8 : i32
      %div3A = arith.divsi %scan3A_21, %jit3A : i32
      %sign3A = arith.constant 0 : i32
      %sign3A_22 = arith.cmpi sgt, %scan3A_21, %sign3A : i32
      %sign3A_23 = arith.extui %sign3A_22 : i1 to i32
      %sign3A_24 = arith.constant 0 : i32
      %sign3A_25 = arith.cmpi slt, %scan3A_21, %sign3A_24 : i32
      %sign3A_26 = arith.extui %sign3A_25 : i1 to i32
      %sign3A_27 = arith.subi %sign3A_23, %sign3A_26 : i32
      %sign3A_28 = arith.constant 0 : i32
      %sign3A_29 = arith.cmpi sgt, %jit3A, %sign3A_28 : i32
      %sign3A_30 = arith.extui %sign3A_29 : i1 to i32
      %sign3A_31 = arith.constant 0 : i32
      %sign3A_32 = arith.cmpi slt, %jit3A, %sign3A_31 : i32
      %sign3A_33 = arith.extui %sign3A_32 : i1 to i32
      %sign3A_34 = arith.subi %sign3A_30, %sign3A_33 : i32
      %ne3A = arith.cmpi ne, %sign3A_27, %sign3A_34 : i32
      %rem3A = arith.remsi %scan3A_21, %jit3A : i32
      %ne3A_35 = arith.constant 0 : i32
      %ne3A_36 = arith.cmpi ne, %rem3A, %ne3A_35 : i32
      %and3A = arith.andi %ne3A, %ne3A_36 : i1
      %sub3A = arith.constant 1 : i32
      %sub3A_37 = arith.subi %div3A, %sub3A : i32
      %select_n3A = arith.select %and3A, %sub3A_37, %div3A : i32
      %jit3A_38 = arith.constant 8 : i32
      %eq3A = arith.constant 0 : i32
      %eq3A_39 = arith.cmpi eq, %jit3A_38, %eq3A : i32
      %jit3A_40 = arith.constant 1 : i32
      %select_n3A_41 = arith.select %eq3A_39, %jit3A_40, %jit3A_38 : i32
      %rem3A_42 = arith.remsi %scan3A_21, %select_n3A_41 : i32
      %ne3A_43 = arith.constant 0 : i32
      %ne3A_44 = arith.cmpi ne, %rem3A_42, %ne3A_43 : i32
      %lt3A = arith.constant 0 : i32
      %lt3A_45 = arith.cmpi slt, %rem3A_42, %lt3A : i32
      %lt3A_46 = arith.constant 0 : i32
      %lt3A_47 = arith.cmpi slt, %select_n3A_41, %lt3A_46 : i32
      %ne3A_48 = arith.xori %lt3A_45, %lt3A_47 : i1
      %and3A_49 = arith.andi %ne3A_48, %ne3A_44 : i1
      %add3A_50 = arith.addi %rem3A_42, %select_n3A_41 : i32
      %select_n3A_51 = arith.select %and3A_49, %add3A_50, %rem3A_42 : i32
      %mul3A_52 = arith.constant 16 : i32
      %mul3A_53 = arith.muli %select_n3A_51, %mul3A_52 : i32
      %swap3A = arith.index_cast %select_n3A : i32 to index
      %swap3A_54 = arith.index_cast %mul3A_53 : i32 to index
      %swap3A_55 = tpu.vector_load %arg7[%swap3A, %swap3A_54] {strides = array<i32>} : memref<80x128xf32, #tpu.memory_space<vmem>>, vector<16xf32>,
      tpu.vector_store %arg7[%swap3A, %swap3A_54], %broadcast_in_dim3A_1 {strides = array<i32>} : memref<80x128xf32, #tpu.memory_space<vmem>>, vector<16xf32>,
    }
    %scan3A_5 = arith.constant 640 : i32
    %scan3A_6 = arith.constant 0 : i32
    %scan3A_7 = arith.constant 8 : i32
    %scan3A_8 = arith.addi %scan3A_6, %scan3A_7 : i32
    %scan3A_9 = arith.constant 1 : i32
    scf.for %scan3A_21 = %scan3A_6 to %scan3A_8 step %scan3A_9  : i32 {
      %mul3A_22 = arith.constant 640 : i32
      %mul3A_23 = arith.muli %arg1, %mul3A_22 : i32
      %mul3A_24 = arith.constant 80 : i32
      %mul3A_25 = arith.muli %scan3A_21, %mul3A_24 : i32
      %add3A_26 = arith.addi %mul3A_23, %mul3A_25 : i32
      "tpu.region"() ({
        %run_scoped3A = tpu.sem_alloc : memref<!tpu.dma_semaphore, #tpu.memory_space<semaphore_mem>>
        %dma_start3A = arith.constant 0 : i32
        %dma_start3A_27 = tpu.memref_slice %arg10[%add3A_26, %dma_start3A] : memref<10240x128xf32, #tpu.memory_space<vmem_shared>> -> memref<80x128xf32, #tpu.memory_space<vmem_shared>>
        %dma_start3A_28 = arith.constant 0 : i32
        %dma_start3A_29 = tpu.memref_slice %arg10[%add3A_26, %dma_start3A_28] : memref<10240x128xf32, #tpu.memory_space<vmem_shared>> -> memref<80x128xf32, #tpu.memory_space<vmem_shared>>
        tpu.enqueue_dma source(%arg7 : memref<80x128xf32, #tpu.memory_space<vmem>>) target(%dma_start3A_29 : memref<80x128xf32, #tpu.memory_space<vmem_shared>>) target_semaphore(%run_scoped3A : memref<!tpu.dma_semaphore, #tpu.memory_space<semaphore_mem>>)
        %dma_wait3A = arith.constant 0 : i32
        %dma_wait3A_30 = tpu.memref_slice %arg10[%add3A_26, %dma_wait3A] : memref<10240x128xf32, #tpu.memory_space<vmem_shared>> -> memref<80x128xf32, #tpu.memory_space<vmem_shared>>
        %dma_wait3A_31 = arith.constant 0 : i32
        %dma_wait3A_32 = tpu.memref_slice %arg10[%add3A_26, %dma_wait3A_31] : memref<10240x128xf32, #tpu.memory_space<vmem_shared>> -> memref<80x128xf32, #tpu.memory_space<vmem_shared>>
        tpu.wait_dma2 semaphore(%run_scoped3A : memref<!tpu.dma_semaphore, #tpu.memory_space<semaphore_mem>>) src(%arg7 : memref<80x128xf32, #tpu.memory_space<vmem>>) dst(%dma_wait3A_32 : memref<80x128xf32, #tpu.memory_space<vmem_shared>>)
        tpu.yield
      }) : () -> ()
    }
    %scan3A_10 = arith.constant 8 : i32
    %barrier3A = arith.constant 0 : index
    tpu.barrier barrier_id(%barrier3A)
    %scan3A_11 = arith.constant 0 : i32
    %scan3A_12 = arith.constant 5 : i32
    %scan3A_13 = arith.addi %scan3A_11, %scan3A_12 : i32
    %scan3A_14 = arith.constant 1 : i32
    scf.for %scan3A_21 = %scan3A_11 to %scan3A_13 step %scan3A_14  : i32 {
      %run_scoped3A = arith.constant 0 : i32
      "tpu.region"() ({
        %run_scoped3A_61 = tpu.sem_alloc : memref<!tpu.dma_semaphore, #tpu.memory_space<semaphore_mem>>
        %dma_start3A_62 = arith.constant 0 : i32
        %dma_start3A_63 = arith.constant 0 : i32
        %dma_start3A_64 = tpu.memref_slice %arg2[%run_scoped3A, %add3A, %scan3A_21, %dma_start3A_62, %dma_start3A_63] : memref<2x32x5x25x80xi32, #tpu.memory_space<hbm>> -> memref<1x1x1x25x80xi32, #tpu.memory_space<hbm>>
        %dma_start3A_65 = tpu.memref_squeeze %dma_start3A_64 : memref<1x1x1x25x80xi32, #tpu.memory_space<hbm>> -> memref<25x80xi32, #tpu.memory_space<hbm>>
        %dma_start3A_66 = arith.constant 0 : i32
        %dma_start3A_67 = arith.constant 0 : i32
        %dma_start3A_68 = tpu.memref_slice %arg2[%run_scoped3A, %add3A, %scan3A_21, %dma_start3A_66, %dma_start3A_67] : memref<2x32x5x25x80xi32, #tpu.memory_space<hbm>> -> memref<1x1x1x25x80xi32, #tpu.memory_space<hbm>>
        %dma_start3A_69 = tpu.memref_squeeze %dma_start3A_68 : memref<1x1x1x25x80xi32, #tpu.memory_space<hbm>> -> memref<25x80xi32, #tpu.memory_space<hbm>>
        tpu.enqueue_dma source(%dma_start3A_69 : memref<25x80xi32, #tpu.memory_space<hbm>>) target(%arg5 : memref<25x80xi32, #tpu.memory_space<vmem>>) target_semaphore(%run_scoped3A_61 : memref<!tpu.dma_semaphore, #tpu.memory_space<semaphore_mem>>)
        %dma_wait3A_70 = arith.constant 0 : i32
        %dma_wait3A_71 = arith.constant 0 : i32
        %dma_wait3A_72 = tpu.memref_slice %arg2[%run_scoped3A, %add3A, %scan3A_21, %dma_wait3A_70, %dma_wait3A_71] : memref<2x32x5x25x80xi32, #tpu.memory_space<hbm>> -> memref<1x1x1x25x80xi32, #tpu.memory_space<hbm>>
        %dma_wait3A_73 = tpu.memref_squeeze %dma_wait3A_72 : memref<1x1x1x25x80xi32, #tpu.memory_space<hbm>> -> memref<25x80xi32, #tpu.memory_space<hbm>>
        %dma_wait3A_74 = arith.constant 0 : i32
        %dma_wait3A_75 = arith.constant 0 : i32
        %dma_wait3A_76 = tpu.memref_slice %arg2[%run_scoped3A, %add3A, %scan3A_21, %dma_wait3A_74, %dma_wait3A_75] : memref<2x32x5x25x80xi32, #tpu.memory_space<hbm>> -> memref<1x1x1x25x80xi32, #tpu.memory_space<hbm>>
        %dma_wait3A_77 = tpu.memref_squeeze %dma_wait3A_76 : memref<1x1x1x25x80xi32, #tpu.memory_space<hbm>> -> memref<25x80xi32, #tpu.memory_space<hbm>>
        tpu.wait_dma2 semaphore(%run_scoped3A_61 : memref<!tpu.dma_semaphore, #tpu.memory_space<semaphore_mem>>) src(%dma_wait3A_77 : memref<25x80xi32, #tpu.memory_space<hbm>>) dst(%arg5 : memref<25x80xi32, #tpu.memory_space<vmem>>)
        tpu.yield
      }) : () -> ()
      %run_scoped3A_22 = arith.constant 1 : i32
      "tpu.region"() ({
        %run_scoped3A_61 = tpu.sem_alloc : memref<!tpu.dma_semaphore, #tpu.memory_space<semaphore_mem>>
        %dma_start3A_62 = arith.constant 0 : i32
        %dma_start3A_63 = arith.constant 0 : i32
        %dma_start3A_64 = tpu.memref_slice %arg2[%run_scoped3A_22, %add3A, %scan3A_21, %dma_start3A_62, %dma_start3A_63] : memref<2x32x5x25x80xi32, #tpu.memory_space<hbm>> -> memref<1x1x1x25x80xi32, #tpu.memory_space<hbm>>
        %dma_start3A_65 = tpu.memref_squeeze %dma_start3A_64 : memref<1x1x1x25x80xi32, #tpu.memory_space<hbm>> -> memref<25x80xi32, #tpu.memory_space<hbm>>
        %dma_start3A_66 = arith.constant 0 : i32
        %dma_start3A_67 = arith.constant 0 : i32
        %dma_start3A_68 = tpu.memref_slice %arg2[%run_scoped3A_22, %add3A, %scan3A_21, %dma_start3A_66, %dma_start3A_67] : memref<2x32x5x25x80xi32, #tpu.memory_space<hbm>> -> memref<1x1x1x25x80xi32, #tpu.memory_space<hbm>>
        %dma_start3A_69 = tpu.memref_squeeze %dma_start3A_68 : memref<1x1x1x25x80xi32, #tpu.memory_space<hbm>> -> memref<25x80xi32, #tpu.memory_space<hbm>>
        tpu.enqueue_dma source(%dma_start3A_69 : memref<25x80xi32, #tpu.memory_space<hbm>>) target(%arg6 : memref<25x80xi32, #tpu.memory_space<vmem>>) target_semaphore(%run_scoped3A_61 : memref<!tpu.dma_semaphore, #tpu.memory_space<semaphore_mem>>)
        %dma_wait3A_70 = arith.constant 0 : i32
        %dma_wait3A_71 = arith.constant 0 : i32
        %dma_wait3A_72 = tpu.memref_slice %arg2[%run_scoped3A_22, %add3A, %scan3A_21, %dma_wait3A_70, %dma_wait3A_71] : memref<2x32x5x25x80xi32, #tpu.memory_space<hbm>> -> memref<1x1x1x25x80xi32, #tpu.memory_space<hbm>>
        %dma_wait3A_73 = tpu.memref_squeeze %dma_wait3A_72 : memref<1x1x1x25x80xi32, #tpu.memory_space<hbm>> -> memref<25x80xi32, #tpu.memory_space<hbm>>
        %dma_wait3A_74 = arith.constant 0 : i32
        %dma_wait3A_75 = arith.constant 0 : i32
        %dma_wait3A_76 = tpu.memref_slice %arg2[%run_scoped3A_22, %add3A, %scan3A_21, %dma_wait3A_74, %dma_wait3A_75] : memref<2x32x5x25x80xi32, #tpu.memory_space<hbm>> -> memref<1x1x1x25x80xi32, #tpu.memory_space<hbm>>
        %dma_wait3A_77 = tpu.memref_squeeze %dma_wait3A_76 : memref<1x1x1x25x80xi32, #tpu.memory_space<hbm>> -> memref<25x80xi32, #tpu.memory_space<hbm>>
        tpu.wait_dma2 semaphore(%run_scoped3A_61 : memref<!tpu.dma_semaphore, #tpu.memory_space<semaphore_mem>>) src(%dma_wait3A_77 : memref<25x80xi32, #tpu.memory_space<hbm>>) dst(%arg6 : memref<25x80xi32, #tpu.memory_space<vmem>>)
        tpu.yield
      }) : () -> ()
      %dma_start3A = arith.constant 0 : i32
      %dma_start3A_23 = arith.constant 0 : i32
      %dma_start3A_24 = tpu.memref_slice %arg5[%dma_start3A, %dma_start3A_23] : memref<25x80xi32, #tpu.memory_space<vmem>> -> memref<1x80xi32, #tpu.memory_space<vmem>>
      %dma_start3A_25 = tpu.memref_squeeze %dma_start3A_24 : memref<1x80xi32, #tpu.memory_space<vmem>> -> memref<80xi32, #tpu.memory_space<vmem>>
      %dma_start3A_26 = arith.constant 0 : i32
      %dma_start3A_27 = arith.constant 0 : i32
      %dma_start3A_28 = tpu.memref_slice %arg3[%dma_start3A_26, %dma_start3A_27] : memref<10000x128xf32, #tpu.memory_space<hbm>> -> memref<10000x128xf32, #tpu.memory_space<hbm>>
      tpu.enqueue_indirect_dma source(%dma_start3A_28 : memref<10000x128xf32, #tpu.memory_space<hbm>>) target(%arg7 : memref<80x128xf32, #tpu.memory_space<vmem>>) offsets(%dma_start3A_25 : memref<80xi32, #tpu.memory_space<vmem>>) semaphore(%arg11 : memref<!tpu.dma_semaphore, #tpu.memory_space<semaphore_mem>>)
      %dma_start3A_29 = arith.constant 1 : i32
      %dma_start3A_30 = arith.constant 0 : i32
      %dma_start3A_31 = tpu.memref_slice %arg5[%dma_start3A_29, %dma_start3A_30] : memref<25x80xi32, #tpu.memory_space<vmem>> -> memref<1x80xi32, #tpu.memory_space<vmem>>
      %dma_start3A_32 = tpu.memref_squeeze %dma_start3A_31 : memref<1x80xi32, #tpu.memory_space<vmem>> -> memref<80xi32, #tpu.memory_space<vmem>>
      %dma_start3A_33 = arith.constant 0 : i32
      %dma_start3A_34 = arith.constant 0 : i32
      %dma_start3A_35 = tpu.memref_slice %arg3[%dma_start3A_33, %dma_start3A_34] : memref<10000x128xf32, #tpu.memory_space<hbm>> -> memref<10000x128xf32, #tpu.memory_space<hbm>>
      tpu.enqueue_indirect_dma source(%dma_start3A_35 : memref<10000x128xf32, #tpu.memory_space<hbm>>) target(%arg8 : memref<80x128xf32, #tpu.memory_space<vmem>>) offsets(%dma_start3A_32 : memref<80xi32, #tpu.memory_space<vmem>>) semaphore(%arg12 : memref<!tpu.dma_semaphore, #tpu.memory_space<semaphore_mem>>)
      %scan3A_36 = arith.constant 0 : i32
      %scan3A_37 = arith.constant 25 : i32
      %scan3A_38 = arith.addi %scan3A_36, %scan3A_37 : i32
      %scan3A_39 = arith.constant 1 : i32
      scf.for %scan3A_61 = %scan3A_36 to %scan3A_38 step %scan3A_39  : i32 {
        %jit3A = arith.constant 3 : i32
        %eq3A = arith.constant 0 : i32
        %eq3A_62 = arith.cmpi eq, %jit3A, %eq3A : i32
        %jit3A_63 = arith.constant 1 : i32
        %select_n3A = arith.select %eq3A_62, %jit3A_63, %jit3A : i32
        %rem3A = arith.remsi %scan3A_61, %select_n3A : i32
        %ne3A = arith.constant 0 : i32
        %ne3A_64 = arith.cmpi ne, %rem3A, %ne3A : i32
        %lt3A = arith.constant 0 : i32
        %lt3A_65 = arith.cmpi slt, %rem3A, %lt3A : i32
        %lt3A_66 = arith.constant 0 : i32
        %lt3A_67 = arith.cmpi slt, %select_n3A, %lt3A_66 : i32
        %ne3A_68 = arith.xori %lt3A_65, %lt3A_67 : i1
        %and3A = arith.andi %ne3A_68, %ne3A_64 : i1
        %add3A_69 = arith.addi %rem3A, %select_n3A : i32
        %select_n3A_70 = arith.select %and3A, %add3A_69, %rem3A : i32
        %eq3A_71 = arith.constant 0 : i32
        %eq3A_72 = arith.cmpi eq, %select_n3A_70, %eq3A_71 : i32
        %convert_element_type3A = arith.extui %eq3A_72 : i1 to i32
        %cond3A = arith.constant 0 : i32
        %cond3A_73 = arith.cmpi ne, %convert_element_type3A, %cond3A : i32
        scf.if %cond3A_73 {
          %dma_wait3A_116 = arith.constant 0 : i32
          %dma_wait3A_117 = tpu.memref_slice %arg5[%scan3A_61, %dma_wait3A_116] : memref<25x80xi32, #tpu.memory_space<vmem>> -> memref<1x80xi32, #tpu.memory_space<vmem>>
          %dma_wait3A_118 = tpu.memref_squeeze %dma_wait3A_117 : memref<1x80xi32, #tpu.memory_space<vmem>> -> memref<80xi32, #tpu.memory_space<vmem>>
          %dma_wait3A_119 = arith.constant 0 : i32
          %dma_wait3A_120 = arith.constant 0 : i32
          %dma_wait3A_121 = tpu.memref_slice %arg3[%dma_wait3A_119, %dma_wait3A_120] : memref<10000x128xf32, #tpu.memory_space<hbm>> -> memref<10000x128xf32, #tpu.memory_space<hbm>>
          tpu.wait_indirect_dma semaphore(%arg11 : memref<!tpu.dma_semaphore, #tpu.memory_space<semaphore_mem>>) src(%dma_wait3A_121 : memref<10000x128xf32, #tpu.memory_space<hbm>>) dst(%arg7 : memref<80x128xf32, #tpu.memory_space<vmem>>)
          %dma_start3A_122 = arith.constant 0 : i32
          %dma_start3A_123 = tpu.memref_slice %arg6[%scan3A_61, %dma_start3A_122] : memref<25x80xi32, #tpu.memory_space<vmem>> -> memref<1x80xi32, #tpu.memory_space<vmem>>
          %dma_start3A_124 = tpu.memref_squeeze %dma_start3A_123 : memref<1x80xi32, #tpu.memory_space<vmem>> -> memref<80xi32, #tpu.memory_space<vmem>>
          %dma_start3A_125 = arith.constant 0 : i32
          %dma_start3A_126 = arith.constant 0 : i32
          %dma_start3A_127 = tpu.memref_slice %arg10[%dma_start3A_125, %dma_start3A_126] : memref<10240x128xf32, #tpu.memory_space<vmem_shared>> -> memref<10240x128xf32, #tpu.memory_space<vmem_shared>>
          tpu.enqueue_indirect_dma source(%arg7 : memref<80x128xf32, #tpu.memory_space<vmem>>) target(%dma_start3A_127 : memref<10240x128xf32, #tpu.memory_space<vmem_shared>>) offsets(%dma_start3A_124 : memref<80xi32, #tpu.memory_space<vmem>>) semaphore(%arg14 : memref<!tpu.dma_semaphore, #tpu.memory_space<semaphore_mem>>) {add = true}
          %add3A_128 = arith.constant 3 : i32
          %add3A_129 = arith.addi %scan3A_61, %add3A_128 : i32
          %sub3A = arith.constant 1 : i32
          %sub3A_130 = arith.subi %add3A_129, %sub3A : i32
          %lt3A_131 = arith.constant 25 : i32
          %lt3A_132 = arith.cmpi slt, %sub3A_130, %lt3A_131 : i32
          %convert_element_type3A_133 = arith.extui %lt3A_132 : i1 to i32
          %cond3A_134 = arith.constant 0 : i32
          %cond3A_135 = arith.cmpi ne, %convert_element_type3A_133, %cond3A_134 : i32
          scf.if %cond3A_135 {
            %gt3A = arith.constant 0 : i32
            %gt3A_136 = arith.cmpi sgt, %scan3A_61, %gt3A : i32
            %convert_element_type3A_137 = arith.extui %gt3A_136 : i1 to i32
            %cond3A_138 = arith.constant 0 : i32
            %cond3A_139 = arith.cmpi ne, %convert_element_type3A_137, %cond3A_138 : i32
            scf.if %cond3A_139 {
              %sub3A_150 = arith.constant 1 : i32
              %sub3A_151 = arith.subi %scan3A_61, %sub3A_150 : i32
              %dma_wait3A_152 = arith.constant 0 : i32
              %dma_wait3A_153 = tpu.memref_slice %arg6[%sub3A_151, %dma_wait3A_152] : memref<25x80xi32, #tpu.memory_space<vmem>> -> memref<1x80xi32, #tpu.memory_space<vmem>>
              %dma_wait3A_154 = tpu.memref_squeeze %dma_wait3A_153 : memref<1x80xi32, #tpu.memory_space<vmem>> -> memref<80xi32, #tpu.memory_space<vmem>>
              %dma_wait3A_155 = arith.constant 0 : i32
              %dma_wait3A_156 = arith.constant 0 : i32
              %dma_wait3A_157 = tpu.memref_slice %arg10[%dma_wait3A_155, %dma_wait3A_156] : memref<10240x128xf32, #tpu.memory_space<vmem_shared>> -> memref<10240x128xf32, #tpu.memory_space<vmem_shared>>
              tpu.wait_indirect_dma semaphore(%arg16 : memref<!tpu.dma_semaphore, #tpu.memory_space<semaphore_mem>>) src(%arg9 : memref<80x128xf32, #tpu.memory_space<vmem>>) dst(%dma_wait3A_157 : memref<10240x128xf32, #tpu.memory_space<vmem_shared>>)
            } else {
            }
            %add3A_140 = arith.constant 3 : i32
            %add3A_141 = arith.addi %scan3A_61, %add3A_140 : i32
            %sub3A_142 = arith.constant 1 : i32
            %sub3A_143 = arith.subi %add3A_141, %sub3A_142 : i32
            %dma_start3A_144 = arith.constant 0 : i32
            %dma_start3A_145 = tpu.memref_slice %arg5[%sub3A_143, %dma_start3A_144] : memref<25x80xi32, #tpu.memory_space<vmem>> -> memref<1x80xi32, #tpu.memory_space<vmem>>
            %dma_start3A_146 = tpu.memref_squeeze %dma_start3A_145 : memref<1x80xi32, #tpu.memory_space<vmem>> -> memref<80xi32, #tpu.memory_space<vmem>>
            %dma_start3A_147 = arith.constant 0 : i32
            %dma_start3A_148 = arith.constant 0 : i32
            %dma_start3A_149 = tpu.memref_slice %arg3[%dma_start3A_147, %dma_start3A_148] : memref<10000x128xf32, #tpu.memory_space<hbm>> -> memref<10000x128xf32, #tpu.memory_space<hbm>>
            tpu.enqueue_indirect_dma source(%dma_start3A_149 : memref<10000x128xf32, #tpu.memory_space<hbm>>) target(%arg9 : memref<80x128xf32, #tpu.memory_space<vmem>>) offsets(%dma_start3A_146 : memref<80xi32, #tpu.memory_space<vmem>>) semaphore(%arg13 : memref<!tpu.dma_semaphore, #tpu.memory_space<semaphore_mem>>)
          } else {
          }
        } else {
        }
        %jit3A_74 = arith.constant 3 : i32
        %eq3A_75 = arith.constant 0 : i32
        %eq3A_76 = arith.cmpi eq, %jit3A_74, %eq3A_75 : i32
        %jit3A_77 = arith.constant 1 : i32
        %select_n3A_78 = arith.select %eq3A_76, %jit3A_77, %jit3A_74 : i32
        %rem3A_79 = arith.remsi %scan3A_61, %select_n3A_78 : i32
        %ne3A_80 = arith.constant 0 : i32
        %ne3A_81 = arith.cmpi ne, %rem3A_79, %ne3A_80 : i32
        %lt3A_82 = arith.constant 0 : i32
        %lt3A_83 = arith.cmpi slt, %rem3A_79, %lt3A_82 : i32
        %lt3A_84 = arith.constant 0 : i32
        %lt3A_85 = arith.cmpi slt, %select_n3A_78, %lt3A_84 : i32
        %ne3A_86 = arith.xori %lt3A_83, %lt3A_85 : i1
        %and3A_87 = arith.andi %ne3A_86, %ne3A_81 : i1
        %add3A_88 = arith.addi %rem3A_79, %select_n3A_78 : i32
        %select_n3A_89 = arith.select %and3A_87, %add3A_88, %rem3A_79 : i32
        %eq3A_90 = arith.constant 1 : i32
        %eq3A_91 = arith.cmpi eq, %select_n3A_89, %eq3A_90 : i32
        %convert_element_type3A_92 = arith.extui %eq3A_91 : i1 to i32
        %cond3A_93 = arith.constant 0 : i32
        %cond3A_94 = arith.cmpi ne, %convert_element_type3A_92, %cond3A_93 : i32
        scf.if %cond3A_94 {
          %dma_wait3A_116 = arith.constant 0 : i32
          %dma_wait3A_117 = tpu.memref_slice %arg5[%scan3A_61, %dma_wait3A_116] : memref<25x80xi32, #tpu.memory_space<vmem>> -> memref<1x80xi32, #tpu.memory_space<vmem>>
          %dma_wait3A_118 = tpu.memref_squeeze %dma_wait3A_117 : memref<1x80xi32, #tpu.memory_space<vmem>> -> memref<80xi32, #tpu.memory_space<vmem>>
          %dma_wait3A_119 = arith.constant 0 : i32
          %dma_wait3A_120 = arith.constant 0 : i32
          %dma_wait3A_121 = tpu.memref_slice %arg3[%dma_wait3A_119, %dma_wait3A_120] : memref<10000x128xf32, #tpu.memory_space<hbm>> -> memref<10000x128xf32, #tpu.memory_space<hbm>>
          tpu.wait_indirect_dma semaphore(%arg12 : memref<!tpu.dma_semaphore, #tpu.memory_space<semaphore_mem>>) src(%dma_wait3A_121 : memref<10000x128xf32, #tpu.memory_space<hbm>>) dst(%arg8 : memref<80x128xf32, #tpu.memory_space<vmem>>)
          %dma_start3A_122 = arith.constant 0 : i32
          %dma_start3A_123 = tpu.memref_slice %arg6[%scan3A_61, %dma_start3A_122] : memref<25x80xi32, #tpu.memory_space<vmem>> -> memref<1x80xi32, #tpu.memory_space<vmem>>
          %dma_start3A_124 = tpu.memref_squeeze %dma_start3A_123 : memref<1x80xi32, #tpu.memory_space<vmem>> -> memref<80xi32, #tpu.memory_space<vmem>>
          %dma_start3A_125 = arith.constant 0 : i32
          %dma_start3A_126 = arith.constant 0 : i32
          %dma_start3A_127 = tpu.memref_slice %arg10[%dma_start3A_125, %dma_start3A_126] : memref<10240x128xf32, #tpu.memory_space<vmem_shared>> -> memref<10240x128xf32, #tpu.memory_space<vmem_shared>>
          tpu.enqueue_indirect_dma source(%arg8 : memref<80x128xf32, #tpu.memory_space<vmem>>) target(%dma_start3A_127 : memref<10240x128xf32, #tpu.memory_space<vmem_shared>>) offsets(%dma_start3A_124 : memref<80xi32, #tpu.memory_space<vmem>>) semaphore(%arg15 : memref<!tpu.dma_semaphore, #tpu.memory_space<semaphore_mem>>) {add = true}
          %add3A_128 = arith.constant 3 : i32
          %add3A_129 = arith.addi %scan3A_61, %add3A_128 : i32
          %sub3A = arith.constant 1 : i32
          %sub3A_130 = arith.subi %add3A_129, %sub3A : i32
          %lt3A_131 = arith.constant 25 : i32
          %lt3A_132 = arith.cmpi slt, %sub3A_130, %lt3A_131 : i32
          %convert_element_type3A_133 = arith.extui %lt3A_132 : i1 to i32
          %cond3A_134 = arith.constant 0 : i32
          %cond3A_135 = arith.cmpi ne, %convert_element_type3A_133, %cond3A_134 : i32
          scf.if %cond3A_135 {
            %gt3A = arith.constant 0 : i32
            %gt3A_136 = arith.cmpi sgt, %scan3A_61, %gt3A : i32
            %convert_element_type3A_137 = arith.extui %gt3A_136 : i1 to i32
            %cond3A_138 = arith.constant 0 : i32
            %cond3A_139 = arith.cmpi ne, %convert_element_type3A_137, %cond3A_138 : i32
            scf.if %cond3A_139 {
              %sub3A_150 = arith.constant 1 : i32
              %sub3A_151 = arith.subi %scan3A_61, %sub3A_150 : i32
              %dma_wait3A_152 = arith.constant 0 : i32
              %dma_wait3A_153 = tpu.memref_slice %arg6[%sub3A_151, %dma_wait3A_152] : memref<25x80xi32, #tpu.memory_space<vmem>> -> memref<1x80xi32, #tpu.memory_space<vmem>>
              %dma_wait3A_154 = tpu.memref_squeeze %dma_wait3A_153 : memref<1x80xi32, #tpu.memory_space<vmem>> -> memref<80xi32, #tpu.memory_space<vmem>>
              %dma_wait3A_155 = arith.constant 0 : i32
              %dma_wait3A_156 = arith.constant 0 : i32
              %dma_wait3A_157 = tpu.memref_slice %arg10[%dma_wait3A_155, %dma_wait3A_156] : memref<10240x128xf32, #tpu.memory_space<vmem_shared>> -> memref<10240x128xf32, #tpu.memory_space<vmem_shared>>
              tpu.wait_indirect_dma semaphore(%arg14 : memref<!tpu.dma_semaphore, #tpu.memory_space<semaphore_mem>>) src(%arg7 : memref<80x128xf32, #tpu.memory_space<vmem>>) dst(%dma_wait3A_157 : memref<10240x128xf32, #tpu.memory_space<vmem_shared>>)
            } else {
            }
            %add3A_140 = arith.constant 3 : i32
            %add3A_141 = arith.addi %scan3A_61, %add3A_140 : i32
            %sub3A_142 = arith.constant 1 : i32
            %sub3A_143 = arith.subi %add3A_141, %sub3A_142 : i32
            %dma_start3A_144 = arith.constant 0 : i32
            %dma_start3A_145 = tpu.memref_slice %arg5[%sub3A_143, %dma_start3A_144] : memref<25x80xi32, #tpu.memory_space<vmem>> -> memref<1x80xi32, #tpu.memory_space<vmem>>
            %dma_start3A_146 = tpu.memref_squeeze %dma_start3A_145 : memref<1x80xi32, #tpu.memory_space<vmem>> -> memref<80xi32, #tpu.memory_space<vmem>>
            %dma_start3A_147 = arith.constant 0 : i32
            %dma_start3A_148 = arith.constant 0 : i32
            %dma_start3A_149 = tpu.memref_slice %arg3[%dma_start3A_147, %dma_start3A_148] : memref<10000x128xf32, #tpu.memory_space<hbm>> -> memref<10000x128xf32, #tpu.memory_space<hbm>>
            tpu.enqueue_indirect_dma source(%dma_start3A_149 : memref<10000x128xf32, #tpu.memory_space<hbm>>) target(%arg7 : memref<80x128xf32, #tpu.memory_space<vmem>>) offsets(%dma_start3A_146 : memref<80xi32, #tpu.memory_space<vmem>>) semaphore(%arg11 : memref<!tpu.dma_semaphore, #tpu.memory_space<semaphore_mem>>)
          } else {
          }
        } else {
        }
        %jit3A_95 = arith.constant 3 : i32
        %eq3A_96 = arith.constant 0 : i32
        %eq3A_97 = arith.cmpi eq, %jit3A_95, %eq3A_96 : i32
        %jit3A_98 = arith.constant 1 : i32
        %select_n3A_99 = arith.select %eq3A_97, %jit3A_98, %jit3A_95 : i32
        %rem3A_100 = arith.remsi %scan3A_61, %select_n3A_99 : i32
        %ne3A_101 = arith.constant 0 : i32
        %ne3A_102 = arith.cmpi ne, %rem3A_100, %ne3A_101 : i32
        %lt3A_103 = arith.constant 0 : i32
        %lt3A_104 = arith.cmpi slt, %rem3A_100, %lt3A_103 : i32
        %lt3A_105 = arith.constant 0 : i32
        %lt3A_106 = arith.cmpi slt, %select_n3A_99, %lt3A_105 : i32
        %ne3A_107 = arith.xori %lt3A_104, %lt3A_106 : i1
        %and3A_108 = arith.andi %ne3A_107, %ne3A_102 : i1
        %add3A_109 = arith.addi %rem3A_100, %select_n3A_99 : i32
        %select_n3A_110 = arith.select %and3A_108, %add3A_109, %rem3A_100 : i32
        %eq3A_111 = arith.constant 2 : i32
        %eq3A_112 = arith.cmpi eq, %select_n3A_110, %eq3A_111 : i32
        %convert_element_type3A_113 = arith.extui %eq3A_112 : i1 to i32
        %cond3A_114 = arith.constant 0 : i32
        %cond3A_115 = arith.cmpi ne, %convert_element_type3A_113, %cond3A_114 : i32
        scf.if %cond3A_115 {
          %dma_wait3A_116 = arith.constant 0 : i32
          %dma_wait3A_117 = tpu.memref_slice %arg5[%scan3A_61, %dma_wait3A_116] : memref<25x80xi32, #tpu.memory_space<vmem>> -> memref<1x80xi32, #tpu.memory_space<vmem>>
          %dma_wait3A_118 = tpu.memref_squeeze %dma_wait3A_117 : memref<1x80xi32, #tpu.memory_space<vmem>> -> memref<80xi32, #tpu.memory_space<vmem>>
          %dma_wait3A_119 = arith.constant 0 : i32
          %dma_wait3A_120 = arith.constant 0 : i32
          %dma_wait3A_121 = tpu.memref_slice %arg3[%dma_wait3A_119, %dma_wait3A_120] : memref<10000x128xf32, #tpu.memory_space<hbm>> -> memref<10000x128xf32, #tpu.memory_space<hbm>>
          tpu.wait_indirect_dma semaphore(%arg13 : memref<!tpu.dma_semaphore, #tpu.memory_space<semaphore_mem>>) src(%dma_wait3A_121 : memref<10000x128xf32, #tpu.memory_space<hbm>>) dst(%arg9 : memref<80x128xf32, #tpu.memory_space<vmem>>)
          %dma_start3A_122 = arith.constant 0 : i32
          %dma_start3A_123 = tpu.memref_slice %arg6[%scan3A_61, %dma_start3A_122] : memref<25x80xi32, #tpu.memory_space<vmem>> -> memref<1x80xi32, #tpu.memory_space<vmem>>
          %dma_start3A_124 = tpu.memref_squeeze %dma_start3A_123 : memref<1x80xi32, #tpu.memory_space<vmem>> -> memref<80xi32, #tpu.memory_space<vmem>>
          %dma_start3A_125 = arith.constant 0 : i32
          %dma_start3A_126 = arith.constant 0 : i32
          %dma_start3A_127 = tpu.memref_slice %arg10[%dma_start3A_125, %dma_start3A_126] : memref<10240x128xf32, #tpu.memory_space<vmem_shared>> -> memref<10240x128xf32, #tpu.memory_space<vmem_shared>>
          tpu.enqueue_indirect_dma source(%arg9 : memref<80x128xf32, #tpu.memory_space<vmem>>) target(%dma_start3A_127 : memref<10240x128xf32, #tpu.memory_space<vmem_shared>>) offsets(%dma_start3A_124 : memref<80xi32, #tpu.memory_space<vmem>>) semaphore(%arg16 : memref<!tpu.dma_semaphore, #tpu.memory_space<semaphore_mem>>) {add = true}
          %add3A_128 = arith.constant 3 : i32
          %add3A_129 = arith.addi %scan3A_61, %add3A_128 : i32
          %sub3A = arith.constant 1 : i32
          %sub3A_130 = arith.subi %add3A_129, %sub3A : i32
          %lt3A_131 = arith.constant 25 : i32
          %lt3A_132 = arith.cmpi slt, %sub3A_130, %lt3A_131 : i32
          %convert_element_type3A_133 = arith.extui %lt3A_132 : i1 to i32
          %cond3A_134 = arith.constant 0 : i32
          %cond3A_135 = arith.cmpi ne, %convert_element_type3A_133, %cond3A_134 : i32
          scf.if %cond3A_135 {
            %gt3A = arith.constant 0 : i32
            %gt3A_136 = arith.cmpi sgt, %scan3A_61, %gt3A : i32
            %convert_element_type3A_137 = arith.extui %gt3A_136 : i1 to i32
            %cond3A_138 = arith.constant 0 : i32
            %cond3A_139 = arith.cmpi ne, %convert_element_type3A_137, %cond3A_138 : i32
            scf.if %cond3A_139 {
              %sub3A_150 = arith.constant 1 : i32
              %sub3A_151 = arith.subi %scan3A_61, %sub3A_150 : i32
              %dma_wait3A_152 = arith.constant 0 : i32
              %dma_wait3A_153 = tpu.memref_slice %arg6[%sub3A_151, %dma_wait3A_152] : memref<25x80xi32, #tpu.memory_space<vmem>> -> memref<1x80xi32, #tpu.memory_space<vmem>>
              %dma_wait3A_154 = tpu.memref_squeeze %dma_wait3A_153 : memref<1x80xi32, #tpu.memory_space<vmem>> -> memref<80xi32, #tpu.memory_space<vmem>>
              %dma_wait3A_155 = arith.constant 0 : i32
              %dma_wait3A_156 = arith.constant 0 : i32
              %dma_wait3A_157 = tpu.memref_slice %arg10[%dma_wait3A_155, %dma_wait3A_156] : memref<10240x128xf32, #tpu.memory_space<vmem_shared>> -> memref<10240x128xf32, #tpu.memory_space<vmem_shared>>
              tpu.wait_indirect_dma semaphore(%arg15 : memref<!tpu.dma_semaphore, #tpu.memory_space<semaphore_mem>>) src(%arg8 : memref<80x128xf32, #tpu.memory_space<vmem>>) dst(%dma_wait3A_157 : memref<10240x128xf32, #tpu.memory_space<vmem_shared>>)
            } else {
            }
            %add3A_140 = arith.constant 3 : i32
            %add3A_141 = arith.addi %scan3A_61, %add3A_140 : i32
            %sub3A_142 = arith.constant 1 : i32
            %sub3A_143 = arith.subi %add3A_141, %sub3A_142 : i32
            %dma_start3A_144 = arith.constant 0 : i32
            %dma_start3A_145 = tpu.memref_slice %arg5[%sub3A_143, %dma_start3A_144] : memref<25x80xi32, #tpu.memory_space<vmem>> -> memref<1x80xi32, #tpu.memory_space<vmem>>
            %dma_start3A_146 = tpu.memref_squeeze %dma_start3A_145 : memref<1x80xi32, #tpu.memory_space<vmem>> -> memref<80xi32, #tpu.memory_space<vmem>>
            %dma_start3A_147 = arith.constant 0 : i32
            %dma_start3A_148 = arith.constant 0 : i32
            %dma_start3A_149 = tpu.memref_slice %arg3[%dma_start3A_147, %dma_start3A_148] : memref<10000x128xf32, #tpu.memory_space<hbm>> -> memref<10000x128xf32, #tpu.memory_space<hbm>>
            tpu.enqueue_indirect_dma source(%dma_start3A_149 : memref<10000x128xf32, #tpu.memory_space<hbm>>) target(%arg8 : memref<80x128xf32, #tpu.memory_space<vmem>>) offsets(%dma_start3A_146 : memref<80xi32, #tpu.memory_space<vmem>>) semaphore(%arg12 : memref<!tpu.dma_semaphore, #tpu.memory_space<semaphore_mem>>)
          } else {
          }
        } else {
        }
      }
      %scan3A_40 = arith.constant 25 : i32
      %dma_wait3A = arith.constant 22 : i32
      %dma_wait3A_41 = arith.constant 0 : i32
      %dma_wait3A_42 = tpu.memref_slice %arg6[%dma_wait3A, %dma_wait3A_41] : memref<25x80xi32, #tpu.memory_space<vmem>> -> memref<1x80xi32, #tpu.memory_space<vmem>>
      %dma_wait3A_43 = tpu.memref_squeeze %dma_wait3A_42 : memref<1x80xi32, #tpu.memory_space<vmem>> -> memref<80xi32, #tpu.memory_space<vmem>>
      %dma_wait3A_44 = arith.constant 0 : i32
      %dma_wait3A_45 = arith.constant 0 : i32
      %dma_wait3A_46 = tpu.memref_slice %arg10[%dma_wait3A_44, %dma_wait3A_45] : memref<10240x128xf32, #tpu.memory_space<vmem_shared>> -> memref<10240x128xf32, #tpu.memory_space<vmem_shared>>
      tpu.wait_indirect_dma semaphore(%arg15 : memref<!tpu.dma_semaphore, #tpu.memory_space<semaphore_mem>>) src(%arg8 : memref<80x128xf32, #tpu.memory_space<vmem>>) dst(%dma_wait3A_46 : memref<10240x128xf32, #tpu.memory_space<vmem_shared>>)
      %dma_wait3A_47 = arith.constant 23 : i32
      %dma_wait3A_48 = arith.constant 0 : i32
      %dma_wait3A_49 = tpu.memref_slice %arg6[%dma_wait3A_47, %dma_wait3A_48] : memref<25x80xi32, #tpu.memory_space<vmem>> -> memref<1x80xi32, #tpu.memory_space<vmem>>
      %dma_wait3A_50 = tpu.memref_squeeze %dma_wait3A_49 : memref<1x80xi32, #tpu.memory_space<vmem>> -> memref<80xi32, #tpu.memory_space<vmem>>
      %dma_wait3A_51 = arith.constant 0 : i32
      %dma_wait3A_52 = arith.constant 0 : i32
      %dma_wait3A_53 = tpu.memref_slice %arg10[%dma_wait3A_51, %dma_wait3A_52] : memref<10240x128xf32, #tpu.memory_space<vmem_shared>> -> memref<10240x128xf32, #tpu.memory_space<vmem_shared>>
      tpu.wait_indirect_dma semaphore(%arg16 : memref<!tpu.dma_semaphore, #tpu.memory_space<semaphore_mem>>) src(%arg9 : memref<80x128xf32, #tpu.memory_space<vmem>>) dst(%dma_wait3A_53 : memref<10240x128xf32, #tpu.memory_space<vmem_shared>>)
      %dma_wait3A_54 = arith.constant 24 : i32
      %dma_wait3A_55 = arith.constant 0 : i32
      %dma_wait3A_56 = tpu.memref_slice %arg6[%dma_wait3A_54, %dma_wait3A_55] : memref<25x80xi32, #tpu.memory_space<vmem>> -> memref<1x80xi32, #tpu.memory_space<vmem>>
      %dma_wait3A_57 = tpu.memref_squeeze %dma_wait3A_56 : memref<1x80xi32, #tpu.memory_space<vmem>> -> memref<80xi32, #tpu.memory_space<vmem>>
      %dma_wait3A_58 = arith.constant 0 : i32
      %dma_wait3A_59 = arith.constant 0 : i32
      %dma_wait3A_60 = tpu.memref_slice %arg10[%dma_wait3A_58, %dma_wait3A_59] : memref<10240x128xf32, #tpu.memory_space<vmem_shared>> -> memref<10240x128xf32, #tpu.memory_space<vmem_shared>>
      tpu.wait_indirect_dma semaphore(%arg14 : memref<!tpu.dma_semaphore, #tpu.memory_space<semaphore_mem>>) src(%arg7 : memref<80x128xf32, #tpu.memory_space<vmem>>) dst(%dma_wait3A_60 : memref<10240x128xf32, #tpu.memory_space<vmem_shared>>)
    }
    %scan3A_15 = arith.constant 5 : i32
    %barrier3A_16 = arith.constant 0 : index
    tpu.barrier barrier_id(%barrier3A_16)
    %mul3A_17 = arith.constant 640 : i32
    %mul3A_18 = arith.muli %arg1, %mul3A_17 : i32
    %mul3A_19 = arith.constant 640 : i32
    %mul3A_20 = arith.muli %arg1, %mul3A_19 : i32
    "tpu.region"() ({
      %run_scoped3A = tpu.sem_alloc : memref<!tpu.dma_semaphore, #tpu.memory_space<semaphore_mem>>
      %dma_start3A = arith.constant 0 : i32
      %dma_start3A_21 = tpu.memref_slice %arg4[%arg0, %mul3A_20, %dma_start3A] : memref<2x10240x128xf32, #tpu.memory_space<hbm>> -> memref<1x640x128xf32, #tpu.memory_space<hbm>>
      %dma_start3A_22 = tpu.memref_squeeze %dma_start3A_21 : memref<1x640x128xf32, #tpu.memory_space<hbm>> -> memref<640x128xf32, #tpu.memory_space<hbm>>
      %dma_start3A_23 = arith.constant 0 : i32
      %dma_start3A_24 = tpu.memref_slice %arg10[%mul3A_18, %dma_start3A_23] : memref<10240x128xf32, #tpu.memory_space<vmem_shared>> -> memref<640x128xf32, #tpu.memory_space<vmem_shared>>
      tpu.enqueue_dma source(%dma_start3A_24 : memref<640x128xf32, #tpu.memory_space<vmem_shared>>) target(%dma_start3A_22 : memref<640x128xf32, #tpu.memory_space<hbm>>) target_semaphore(%run_scoped3A : memref<!tpu.dma_semaphore, #tpu.memory_space<semaphore_mem>>)
      %dma_wait3A = arith.constant 0 : i32
      %dma_wait3A_25 = tpu.memref_slice %arg4[%arg0, %mul3A_20, %dma_wait3A] : memref<2x10240x128xf32, #tpu.memory_space<hbm>> -> memref<1x640x128xf32, #tpu.memory_space<hbm>>
      %dma_wait3A_26 = tpu.memref_squeeze %dma_wait3A_25 : memref<1x640x128xf32, #tpu.memory_space<hbm>> -> memref<640x128xf32, #tpu.memory_space<hbm>>
      %dma_wait3A_27 = arith.constant 0 : i32
      %dma_wait3A_28 = tpu.memref_slice %arg10[%mul3A_18, %dma_wait3A_27] : memref<10240x128xf32, #tpu.memory_space<vmem_shared>> -> memref<640x128xf32, #tpu.memory_space<vmem_shared>>
      tpu.wait_dma2 semaphore(%run_scoped3A : memref<!tpu.dma_semaphore, #tpu.memory_space<semaphore_mem>>) src(%dma_wait3A_28 : memref<640x128xf32, #tpu.memory_space<vmem_shared>>) dst(%dma_wait3A_26 : memref<640x128xf32, #tpu.memory_space<hbm>>)
      tpu.yield
    }) : () -> ()
    return
  }
}

#map = affine_map<(d0, d1) -> (0, 0, 0)>
module attributes {stable_mosaic.version = 14 : i64} {
  func.func @deg_k(%arg0: i32, %arg1: i32, %arg2: memref<2x32x10000xi32, #tpu.memory_space<hbm>>, %arg3: memref<2x1x20480xf32, #tpu.memory_space<hbm>>, %arg4: memref<2x10000xi32, #tpu.memory_space<vmem>>, %arg5: memref<20480xf32, #tpu.memory_space<vmem>>, %arg6: memref<1280xf32, #tpu.memory_space<vmem>>, %arg7: memref<1280xf32, #tpu.memory_space<vmem>>, %arg8: memref<16x20480xf32, #tpu.memory_space<vmem_shared>>) attributes {dimension_semantics = [#tpu.dimension_semantics<core_parallel>, #tpu.dimension_semantics<subcore_parallel>], iteration_bounds = array<i64: 2, 16>, scalar_prefetch = 0 : i64, scratch_operands = 5 : i64, tpu.core_type = #tpu.core_type<sc_vector_subcore>, window_params = [{transform_indices = #map}, {transform_indices = #map}]} {
    %mul3A = arith.constant 16 : i32
    %mul3A_0 = arith.muli %arg0, %mul3A : i32
    %add3A = arith.addi %mul3A_0, %arg1 : i32
    %broadcast_in_dim3A = arith.constant 0.000000e+00 : f32
    %broadcast_in_dim3A_1 = vector.broadcast %broadcast_in_dim3A : f32 to vector<16xf32>
    %scan3A = arith.constant 0 : i32
    %scan3A_2 = arith.constant 1280 : i32
    %scan3A_3 = arith.addi %scan3A, %scan3A_2 : i32
    %scan3A_4 = arith.constant 1 : i32
    scf.for %scan3A_28 = %scan3A to %scan3A_3 step %scan3A_4  : i32 {
      %mul3A_29 = arith.constant 16 : i32
      %mul3A_30 = arith.muli %scan3A_28, %mul3A_29 : i32
      %swap3A = arith.index_cast %mul3A_30 : i32 to index
      %swap3A_31 = tpu.vector_load %arg5[%swap3A] {strides = array<i32>} : memref<20480xf32, #tpu.memory_space<vmem>>, vector<16xf32>,
      tpu.vector_store %arg5[%swap3A], %broadcast_in_dim3A_1 {strides = array<i32>} : memref<20480xf32, #tpu.memory_space<vmem>>, vector<16xf32>,
    }
    %scan3A_5 = arith.constant 1280 : i32
    %run_scoped3A = arith.constant 0 : i32
    %run_scoped3A_6 = arith.constant 0 : i32
    "tpu.region"() ({
      %run_scoped3A_28 = tpu.sem_alloc : memref<!tpu.dma_semaphore, #tpu.memory_space<semaphore_mem>>
      %dma_start3A = arith.constant 0 : i32
      %dma_start3A_29 = tpu.memref_slice %arg4[%run_scoped3A_6, %dma_start3A] : memref<2x10000xi32, #tpu.memory_space<vmem>> -> memref<1x10000xi32, #tpu.memory_space<vmem>>
      %dma_start3A_30 = tpu.memref_squeeze %dma_start3A_29 : memref<1x10000xi32, #tpu.memory_space<vmem>> -> memref<10000xi32, #tpu.memory_space<vmem>>
      %dma_start3A_31 = arith.constant 0 : i32
      %dma_start3A_32 = tpu.memref_slice %arg2[%run_scoped3A, %add3A, %dma_start3A_31] : memref<2x32x10000xi32, #tpu.memory_space<hbm>> -> memref<1x1x10000xi32, #tpu.memory_space<hbm>>
      %dma_start3A_33 = tpu.memref_squeeze %dma_start3A_32 : memref<1x1x10000xi32, #tpu.memory_space<hbm>> -> memref<10000xi32, #tpu.memory_space<hbm>>
      %dma_start3A_34 = arith.constant 0 : i32
      %dma_start3A_35 = tpu.memref_slice %arg4[%run_scoped3A_6, %dma_start3A_34] : memref<2x10000xi32, #tpu.memory_space<vmem>> -> memref<1x10000xi32, #tpu.memory_space<vmem>>
      %dma_start3A_36 = tpu.memref_squeeze %dma_start3A_35 : memref<1x10000xi32, #tpu.memory_space<vmem>> -> memref<10000xi32, #tpu.memory_space<vmem>>
      %dma_start3A_37 = arith.constant 0 : i32
      %dma_start3A_38 = tpu.memref_slice %arg2[%run_scoped3A, %add3A, %dma_start3A_37] : memref<2x32x10000xi32, #tpu.memory_space<hbm>> -> memref<1x1x10000xi32, #tpu.memory_space<hbm>>
      %dma_start3A_39 = tpu.memref_squeeze %dma_start3A_38 : memref<1x1x10000xi32, #tpu.memory_space<hbm>> -> memref<10000xi32, #tpu.memory_space<hbm>>
      tpu.enqueue_dma source(%dma_start3A_39 : memref<10000xi32, #tpu.memory_space<hbm>>) target(%dma_start3A_36 : memref<10000xi32, #tpu.memory_space<vmem>>) target_semaphore(%run_scoped3A_28 : memref<!tpu.dma_semaphore, #tpu.memory_space<semaphore_mem>>)
      %dma_wait3A = arith.constant 0 : i32
      %dma_wait3A_40 = tpu.memref_slice %arg4[%run_scoped3A_6, %dma_wait3A] : memref<2x10000xi32, #tpu.memory_space<vmem>> -> memref<1x10000xi32, #tpu.memory_space<vmem>>
      %dma_wait3A_41 = tpu.memref_squeeze %dma_wait3A_40 : memref<1x10000xi32, #tpu.memory_space<vmem>> -> memref<10000xi32, #tpu.memory_space<vmem>>
      %dma_wait3A_42 = arith.constant 0 : i32
      %dma_wait3A_43 = tpu.memref_slice %arg2[%run_scoped3A, %add3A, %dma_wait3A_42] : memref<2x32x10000xi32, #tpu.memory_space<hbm>> -> memref<1x1x10000xi32, #tpu.memory_space<hbm>>
      %dma_wait3A_44 = tpu.memref_squeeze %dma_wait3A_43 : memref<1x1x10000xi32, #tpu.memory_space<hbm>> -> memref<10000xi32, #tpu.memory_space<hbm>>
      %dma_wait3A_45 = arith.constant 0 : i32
      %dma_wait3A_46 = tpu.memref_slice %arg4[%run_scoped3A_6, %dma_wait3A_45] : memref<2x10000xi32, #tpu.memory_space<vmem>> -> memref<1x10000xi32, #tpu.memory_space<vmem>>
      %dma_wait3A_47 = tpu.memref_squeeze %dma_wait3A_46 : memref<1x10000xi32, #tpu.memory_space<vmem>> -> memref<10000xi32, #tpu.memory_space<vmem>>
      %dma_wait3A_48 = arith.constant 0 : i32
      %dma_wait3A_49 = tpu.memref_slice %arg2[%run_scoped3A, %add3A, %dma_wait3A_48] : memref<2x32x10000xi32, #tpu.memory_space<hbm>> -> memref<1x1x10000xi32, #tpu.memory_space<hbm>>
      %dma_wait3A_50 = tpu.memref_squeeze %dma_wait3A_49 : memref<1x1x10000xi32, #tpu.memory_space<hbm>> -> memref<10000xi32, #tpu.memory_space<hbm>>
      tpu.wait_dma2 semaphore(%run_scoped3A_28 : memref<!tpu.dma_semaphore, #tpu.memory_space<semaphore_mem>>) src(%dma_wait3A_50 : memref<10000xi32, #tpu.memory_space<hbm>>) dst(%dma_wait3A_47 : memref<10000xi32, #tpu.memory_space<vmem>>)
      tpu.yield
    }) : () -> ()
    %run_scoped3A_7 = arith.constant 1 : i32
    %run_scoped3A_8 = arith.constant 1 : i32
    "tpu.region"() ({
      %run_scoped3A_28 = tpu.sem_alloc : memref<!tpu.dma_semaphore, #tpu.memory_space<semaphore_mem>>
      %dma_start3A = arith.constant 0 : i32
      %dma_start3A_29 = tpu.memref_slice %arg4[%run_scoped3A_8, %dma_start3A] : memref<2x10000xi32, #tpu.memory_space<vmem>> -> memref<1x10000xi32, #tpu.memory_space<vmem>>
      %dma_start3A_30 = tpu.memref_squeeze %dma_start3A_29 : memref<1x10000xi32, #tpu.memory_space<vmem>> -> memref<10000xi32, #tpu.memory_space<vmem>>
      %dma_start3A_31 = arith.constant 0 : i32
      %dma_start3A_32 = tpu.memref_slice %arg2[%run_scoped3A_7, %add3A, %dma_start3A_31] : memref<2x32x10000xi32, #tpu.memory_space<hbm>> -> memref<1x1x10000xi32, #tpu.memory_space<hbm>>
      %dma_start3A_33 = tpu.memref_squeeze %dma_start3A_32 : memref<1x1x10000xi32, #tpu.memory_space<hbm>> -> memref<10000xi32, #tpu.memory_space<hbm>>
      %dma_start3A_34 = arith.constant 0 : i32
      %dma_start3A_35 = tpu.memref_slice %arg4[%run_scoped3A_8, %dma_start3A_34] : memref<2x10000xi32, #tpu.memory_space<vmem>> -> memref<1x10000xi32, #tpu.memory_space<vmem>>
      %dma_start3A_36 = tpu.memref_squeeze %dma_start3A_35 : memref<1x10000xi32, #tpu.memory_space<vmem>> -> memref<10000xi32, #tpu.memory_space<vmem>>
      %dma_start3A_37 = arith.constant 0 : i32
      %dma_start3A_38 = tpu.memref_slice %arg2[%run_scoped3A_7, %add3A, %dma_start3A_37] : memref<2x32x10000xi32, #tpu.memory_space<hbm>> -> memref<1x1x10000xi32, #tpu.memory_space<hbm>>
      %dma_start3A_39 = tpu.memref_squeeze %dma_start3A_38 : memref<1x1x10000xi32, #tpu.memory_space<hbm>> -> memref<10000xi32, #tpu.memory_space<hbm>>
      tpu.enqueue_dma source(%dma_start3A_39 : memref<10000xi32, #tpu.memory_space<hbm>>) target(%dma_start3A_36 : memref<10000xi32, #tpu.memory_space<vmem>>) target_semaphore(%run_scoped3A_28 : memref<!tpu.dma_semaphore, #tpu.memory_space<semaphore_mem>>)
      %dma_wait3A = arith.constant 0 : i32
      %dma_wait3A_40 = tpu.memref_slice %arg4[%run_scoped3A_8, %dma_wait3A] : memref<2x10000xi32, #tpu.memory_space<vmem>> -> memref<1x10000xi32, #tpu.memory_space<vmem>>
      %dma_wait3A_41 = tpu.memref_squeeze %dma_wait3A_40 : memref<1x10000xi32, #tpu.memory_space<vmem>> -> memref<10000xi32, #tpu.memory_space<vmem>>
      %dma_wait3A_42 = arith.constant 0 : i32
      %dma_wait3A_43 = tpu.memref_slice %arg2[%run_scoped3A_7, %add3A, %dma_wait3A_42] : memref<2x32x10000xi32, #tpu.memory_space<hbm>> -> memref<1x1x10000xi32, #tpu.memory_space<hbm>>
      %dma_wait3A_44 = tpu.memref_squeeze %dma_wait3A_43 : memref<1x1x10000xi32, #tpu.memory_space<hbm>> -> memref<10000xi32, #tpu.memory_space<hbm>>
      %dma_wait3A_45 = arith.constant 0 : i32
      %dma_wait3A_46 = tpu.memref_slice %arg4[%run_scoped3A_8, %dma_wait3A_45] : memref<2x10000xi32, #tpu.memory_space<vmem>> -> memref<1x10000xi32, #tpu.memory_space<vmem>>
      %dma_wait3A_47 = tpu.memref_squeeze %dma_wait3A_46 : memref<1x10000xi32, #tpu.memory_space<vmem>> -> memref<10000xi32, #tpu.memory_space<vmem>>
      %dma_wait3A_48 = arith.constant 0 : i32
      %dma_wait3A_49 = tpu.memref_slice %arg2[%run_scoped3A_7, %add3A, %dma_wait3A_48] : memref<2x32x10000xi32, #tpu.memory_space<hbm>> -> memref<1x1x10000xi32, #tpu.memory_space<hbm>>
      %dma_wait3A_50 = tpu.memref_squeeze %dma_wait3A_49 : memref<1x1x10000xi32, #tpu.memory_space<hbm>> -> memref<10000xi32, #tpu.memory_space<hbm>>
      tpu.wait_dma2 semaphore(%run_scoped3A_28 : memref<!tpu.dma_semaphore, #tpu.memory_space<semaphore_mem>>) src(%dma_wait3A_50 : memref<10000xi32, #tpu.memory_space<hbm>>) dst(%dma_wait3A_47 : memref<10000xi32, #tpu.memory_space<vmem>>)
      tpu.yield
    }) : () -> ()
    %broadcast_in_dim3A_9 = arith.constant 1.000000e+00 : f32
    %broadcast_in_dim3A_10 = vector.broadcast %broadcast_in_dim3A_9 : f32 to vector<16xf32>
    %broadcast_in_dim3A_11 = arith.constant 10240 : i32
    %broadcast_in_dim3A_12 = vector.broadcast %broadcast_in_dim3A_11 : i32 to vector<16xi32>
    %parallel_loop3A = arith.constant 0 : i32
    %parallel_loop3A_13 = arith.constant 625 : i32
    %parallel_loop3A_14 = arith.constant 1 : i32
    scf.for %parallel_loop3A_28 = %parallel_loop3A to %parallel_loop3A_13 step %parallel_loop3A_14  : i32 {
      %parallel_loop3A_29 = arith.constant 16 : i32
      %parallel_loop3A_30 = arith.muli %parallel_loop3A_28, %parallel_loop3A_29 : i32
      %parallel_loop3A_31 = arith.constant 0 : i32
      %parallel_loop3A_32 = arith.index_cast %parallel_loop3A_31 : i32 to index
      %parallel_loop3A_33 = arith.index_cast %parallel_loop3A_30 : i32 to index
      %parallel_loop3A_34 = tpu.vector_load %arg4[%parallel_loop3A_32, %parallel_loop3A_33] {strides = array<i32>} : memref<2x10000xi32, #tpu.memory_space<vmem>>, vector<16xi32>,
      %parallel_loop3A_35 = arith.constant 16 : i32
      %parallel_loop3A_36 = arith.muli %parallel_loop3A_28, %parallel_loop3A_35 : i32
      %parallel_loop3A_37 = arith.constant 1 : i32
      %parallel_loop3A_38 = arith.index_cast %parallel_loop3A_37 : i32 to index
      %parallel_loop3A_39 = arith.index_cast %parallel_loop3A_36 : i32 to index
      %parallel_loop3A_40 = tpu.vector_load %arg4[%parallel_loop3A_38, %parallel_loop3A_39] {strides = array<i32>} : memref<2x10000xi32, #tpu.memory_space<vmem>>, vector<16xi32>,
      tpu.vector_store_idx %arg5[%parallel_loop3A_34], %broadcast_in_dim3A_10 {add = true} : memref<20480xf32, #tpu.memory_space<vmem>>[vector<16xi32>], vector<16xf32>,
      %parallel_loop3A_41 = arith.addi %parallel_loop3A_40, %broadcast_in_dim3A_12 : vector<16xi32>
      tpu.vector_store_idx %arg5[%parallel_loop3A_41], %broadcast_in_dim3A_10 {add = true} : memref<20480xf32, #tpu.memory_space<vmem>>[vector<16xi32>], vector<16xf32>,
    } {sc.loop_unroll_factor = 8 : i64, sc.parallel_access}
    "tpu.region"() ({
      %run_scoped3A_28 = tpu.sem_alloc : memref<!tpu.dma_semaphore, #tpu.memory_space<semaphore_mem>>
      %dma_start3A = arith.constant 0 : i32
      %dma_start3A_29 = tpu.memref_slice %arg8[%arg1, %dma_start3A] : memref<16x20480xf32, #tpu.memory_space<vmem_shared>> -> memref<1x20480xf32, #tpu.memory_space<vmem_shared>>
      %dma_start3A_30 = tpu.memref_squeeze %dma_start3A_29 : memref<1x20480xf32, #tpu.memory_space<vmem_shared>> -> memref<20480xf32, #tpu.memory_space<vmem_shared>>
      %dma_start3A_31 = arith.constant 0 : i32
      %dma_start3A_32 = tpu.memref_slice %arg8[%arg1, %dma_start3A_31] : memref<16x20480xf32, #tpu.memory_space<vmem_shared>> -> memref<1x20480xf32, #tpu.memory_space<vmem_shared>>
      %dma_start3A_33 = tpu.memref_squeeze %dma_start3A_32 : memref<1x20480xf32, #tpu.memory_space<vmem_shared>> -> memref<20480xf32, #tpu.memory_space<vmem_shared>>
      tpu.enqueue_dma source(%arg5 : memref<20480xf32, #tpu.memory_space<vmem>>) target(%dma_start3A_33 : memref<20480xf32, #tpu.memory_space<vmem_shared>>) target_semaphore(%run_scoped3A_28 : memref<!tpu.dma_semaphore, #tpu.memory_space<semaphore_mem>>)
      %dma_wait3A = arith.constant 0 : i32
      %dma_wait3A_34 = tpu.memref_slice %arg8[%arg1, %dma_wait3A] : memref<16x20480xf32, #tpu.memory_space<vmem_shared>> -> memref<1x20480xf32, #tpu.memory_space<vmem_shared>>
      %dma_wait3A_35 = tpu.memref_squeeze %dma_wait3A_34 : memref<1x20480xf32, #tpu.memory_space<vmem_shared>> -> memref<20480xf32, #tpu.memory_space<vmem_shared>>
      %dma_wait3A_36 = arith.constant 0 : i32
      %dma_wait3A_37 = tpu.memref_slice %arg8[%arg1, %dma_wait3A_36] : memref<16x20480xf32, #tpu.memory_space<vmem_shared>> -> memref<1x20480xf32, #tpu.memory_space<vmem_shared>>
      %dma_wait3A_38 = tpu.memref_squeeze %dma_wait3A_37 : memref<1x20480xf32, #tpu.memory_space<vmem_shared>> -> memref<20480xf32, #tpu.memory_space<vmem_shared>>
      tpu.wait_dma2 semaphore(%run_scoped3A_28 : memref<!tpu.dma_semaphore, #tpu.memory_space<semaphore_mem>>) src(%arg5 : memref<20480xf32, #tpu.memory_space<vmem>>) dst(%dma_wait3A_38 : memref<20480xf32, #tpu.memory_space<vmem_shared>>)
      tpu.yield
    }) : () -> ()
    %barrier3A = arith.constant 0 : index
    tpu.barrier barrier_id(%barrier3A)
    %scan3A_15 = arith.constant 0 : i32
    %scan3A_16 = arith.constant 80 : i32
    %scan3A_17 = arith.addi %scan3A_15, %scan3A_16 : i32
    %scan3A_18 = arith.constant 1 : i32
    scf.for %scan3A_28 = %scan3A_15 to %scan3A_17 step %scan3A_18  : i32 {
      %mul3A_29 = arith.constant 16 : i32
      %mul3A_30 = arith.muli %scan3A_28, %mul3A_29 : i32
      %swap3A = arith.index_cast %mul3A_30 : i32 to index
      %swap3A_31 = tpu.vector_load %arg6[%swap3A] {strides = array<i32>} : memref<1280xf32, #tpu.memory_space<vmem>>, vector<16xf32>,
      tpu.vector_store %arg6[%swap3A], %broadcast_in_dim3A_1 {strides = array<i32>} : memref<1280xf32, #tpu.memory_space<vmem>>, vector<16xf32>,
    }
    %scan3A_19 = arith.constant 80 : i32
    %scan3A_20 = arith.constant 0 : i32
    %scan3A_21 = arith.constant 16 : i32
    %scan3A_22 = arith.addi %scan3A_20, %scan3A_21 : i32
    %scan3A_23 = arith.constant 1 : i32
    scf.for %scan3A_28 = %scan3A_20 to %scan3A_22 step %scan3A_23  : i32 {
      %mul3A_29 = arith.constant 1280 : i32
      %mul3A_30 = arith.muli %arg1, %mul3A_29 : i32
      "tpu.region"() ({
        %run_scoped3A_34 = tpu.sem_alloc : memref<!tpu.dma_semaphore, #tpu.memory_space<semaphore_mem>>
        %dma_start3A = tpu.memref_slice %arg8[%scan3A_28, %mul3A_30] : memref<16x20480xf32, #tpu.memory_space<vmem_shared>> -> memref<1x1280xf32, #tpu.memory_space<vmem_shared>>
        %dma_start3A_35 = tpu.memref_squeeze %dma_start3A : memref<1x1280xf32, #tpu.memory_space<vmem_shared>> -> memref<1280xf32, #tpu.memory_space<vmem_shared>>
        %dma_start3A_36 = tpu.memref_slice %arg8[%scan3A_28, %mul3A_30] : memref<16x20480xf32, #tpu.memory_space<vmem_shared>> -> memref<1x1280xf32, #tpu.memory_space<vmem_shared>>
        %dma_start3A_37 = tpu.memref_squeeze %dma_start3A_36 : memref<1x1280xf32, #tpu.memory_space<vmem_shared>> -> memref<1280xf32, #tpu.memory_space<vmem_shared>>
        tpu.enqueue_dma source(%dma_start3A_37 : memref<1280xf32, #tpu.memory_space<vmem_shared>>) target(%arg7 : memref<1280xf32, #tpu.memory_space<vmem>>) target_semaphore(%run_scoped3A_34 : memref<!tpu.dma_semaphore, #tpu.memory_space<semaphore_mem>>)
        %dma_wait3A = tpu.memref_slice %arg8[%scan3A_28, %mul3A_30] : memref<16x20480xf32, #tpu.memory_space<vmem_shared>> -> memref<1x1280xf32, #tpu.memory_space<vmem_shared>>
        %dma_wait3A_38 = tpu.memref_squeeze %dma_wait3A : memref<1x1280xf32, #tpu.memory_space<vmem_shared>> -> memref<1280xf32, #tpu.memory_space<vmem_shared>>
        %dma_wait3A_39 = tpu.memref_slice %arg8[%scan3A_28, %mul3A_30] : memref<16x20480xf32, #tpu.memory_space<vmem_shared>> -> memref<1x1280xf32, #tpu.memory_space<vmem_shared>>
        %dma_wait3A_40 = tpu.memref_squeeze %dma_wait3A_39 : memref<1x1280xf32, #tpu.memory_space<vmem_shared>> -> memref<1280xf32, #tpu.memory_space<vmem_shared>>
        tpu.wait_dma2 semaphore(%run_scoped3A_34 : memref<!tpu.dma_semaphore, #tpu.memory_space<semaphore_mem>>) src(%dma_wait3A_40 : memref<1280xf32, #tpu.memory_space<vmem_shared>>) dst(%arg7 : memref<1280xf32, #tpu.memory_space<vmem>>)
        tpu.yield
      }) : () -> ()
      %parallel_loop3A_31 = arith.constant 0 : i32
      %parallel_loop3A_32 = arith.constant 80 : i32
      %parallel_loop3A_33 = arith.constant 1 : i32
      scf.for %parallel_loop3A_34 = %parallel_loop3A_31 to %parallel_loop3A_32 step %parallel_loop3A_33  : i32 {
        %parallel_loop3A_35 = arith.constant 16 : i32
        %parallel_loop3A_36 = arith.muli %parallel_loop3A_34, %parallel_loop3A_35 : i32
        %parallel_loop3A_37 = arith.index_cast %parallel_loop3A_36 : i32 to index
        %parallel_loop3A_38 = tpu.vector_load %arg6[%parallel_loop3A_37] {strides = array<i32>} : memref<1280xf32, #tpu.memory_space<vmem>>, vector<16xf32>,
        %parallel_loop3A_39 = arith.constant 16 : i32
        %parallel_loop3A_40 = arith.muli %parallel_loop3A_34, %parallel_loop3A_39 : i32
        %parallel_loop3A_41 = arith.index_cast %parallel_loop3A_40 : i32 to index
        %parallel_loop3A_42 = tpu.vector_load %arg7[%parallel_loop3A_41] {strides = array<i32>} : memref<1280xf32, #tpu.memory_space<vmem>>, vector<16xf32>,
        %parallel_loop3A_43 = arith.addf %parallel_loop3A_38, %parallel_loop3A_42 : vector<16xf32>
        %parallel_loop3A_44 = arith.index_cast %parallel_loop3A_36 : i32 to index
        %parallel_loop3A_45 = tpu.vector_load %arg6[%parallel_loop3A_44] {strides = array<i32>} : memref<1280xf32, #tpu.memory_space<vmem>>, vector<16xf32>,
        tpu.vector_store %arg6[%parallel_loop3A_44], %parallel_loop3A_43 {strides = array<i32>} : memref<1280xf32, #tpu.memory_space<vmem>>, vector<16xf32>,
      } {sc.loop_unroll_factor = 8 : i64, sc.parallel_access}
    }
    %scan3A_24 = arith.constant 16 : i32
    %mul3A_25 = arith.constant 1280 : i32
    %mul3A_26 = arith.muli %arg1, %mul3A_25 : i32
    %run_scoped3A_27 = arith.constant 0 : i32
    "tpu.region"() ({
      %run_scoped3A_28 = tpu.sem_alloc : memref<!tpu.dma_semaphore, #tpu.memory_space<semaphore_mem>>
      %dma_start3A = tpu.memref_slice %arg3[%arg0, %run_scoped3A_27, %mul3A_26] : memref<2x1x20480xf32, #tpu.memory_space<hbm>> -> memref<1x1x1280xf32, #tpu.memory_space<hbm>>
      %dma_start3A_29 = tpu.memref_squeeze %dma_start3A : memref<1x1x1280xf32, #tpu.memory_space<hbm>> -> memref<1280xf32, #tpu.memory_space<hbm>>
      %dma_start3A_30 = tpu.memref_slice %arg3[%arg0, %run_scoped3A_27, %mul3A_26] : memref<2x1x20480xf32, #tpu.memory_space<hbm>> -> memref<1x1x1280xf32, #tpu.memory_space<hbm>>
      %dma_start3A_31 = tpu.memref_squeeze %dma_start3A_30 : memref<1x1x1280xf32, #tpu.memory_space<hbm>> -> memref<1280xf32, #tpu.memory_space<hbm>>
      tpu.enqueue_dma source(%arg6 : memref<1280xf32, #tpu.memory_space<vmem>>) target(%dma_start3A_31 : memref<1280xf32, #tpu.memory_space<hbm>>) target_semaphore(%run_scoped3A_28 : memref<!tpu.dma_semaphore, #tpu.memory_space<semaphore_mem>>)
      %dma_wait3A = tpu.memref_slice %arg3[%arg0, %run_scoped3A_27, %mul3A_26] : memref<2x1x20480xf32, #tpu.memory_space<hbm>> -> memref<1x1x1280xf32, #tpu.memory_space<hbm>>
      %dma_wait3A_32 = tpu.memref_squeeze %dma_wait3A : memref<1x1x1280xf32, #tpu.memory_space<hbm>> -> memref<1280xf32, #tpu.memory_space<hbm>>
      %dma_wait3A_33 = tpu.memref_slice %arg3[%arg0, %run_scoped3A_27, %mul3A_26] : memref<2x1x20480xf32, #tpu.memory_space<hbm>> -> memref<1x1x1280xf32, #tpu.memory_space<hbm>>
      %dma_wait3A_34 = tpu.memref_squeeze %dma_wait3A_33 : memref<1x1x1280xf32, #tpu.memory_space<hbm>> -> memref<1280xf32, #tpu.memory_space<hbm>>
      tpu.wait_dma2 semaphore(%run_scoped3A_28 : memref<!tpu.dma_semaphore, #tpu.memory_space<semaphore_mem>>) src(%arg6 : memref<1280xf32, #tpu.memory_space<vmem>>) dst(%dma_wait3A_34 : memref<1280xf32, #tpu.memory_space<hbm>>)
      tpu.yield
    }) : () -> ()
    return
  }
}

#map = affine_map<(d0, d1) -> (0, 0, 0)>
#map1 = affine_map<(d0, d1) -> (0, 0, 0, 0, 0)>
#map2 = affine_map<(d0, d1) -> (0, 0, 0, 0)>
module attributes {stable_mosaic.version = 14 : i64} {
  func.func @aggc_k(%arg0: i32, %arg1: i32, %arg2: memref<16x1x10240xf32, #tpu.memory_space<hbm>>, %arg3: memref<2x2x16x1x10000xi32, #tpu.memory_space<hbm>>, %arg4: memref<2x16x1x10240xf32, #tpu.memory_space<hbm>>, %arg5: memref<10240xf32, #tpu.memory_space<vmem>>, %arg6: memref<10240xf32, #tpu.memory_space<vmem>>, %arg7: memref<2x10000xi32, #tpu.memory_space<vmem>>, %arg8: memref<2x10000xi32, #tpu.memory_space<vmem>>, %arg9: memref<!tpu.dma_semaphore, #tpu.memory_space<semaphore_mem>>, %arg10: memref<!tpu.dma_semaphore, #tpu.memory_space<semaphore_mem>>) attributes {dimension_semantics = [#tpu.dimension_semantics<core_parallel>, #tpu.dimension_semantics<subcore_parallel>], iteration_bounds = array<i64: 2, 16>, scalar_prefetch = 0 : i64, scratch_operands = 6 : i64, tpu.core_type = #tpu.core_type<sc_vector_subcore>, window_params = [{transform_indices = #map}, {transform_indices = #map1}, {transform_indices = #map2}]} {
    %broadcast_in_dim3A = arith.constant 0.000000e+00 : f32
    %broadcast_in_dim3A_0 = vector.broadcast %broadcast_in_dim3A : f32 to vector<16xf32>
    %scan3A = arith.constant 0 : i32
    %scan3A_1 = arith.constant 640 : i32
    %scan3A_2 = arith.addi %scan3A, %scan3A_1 : i32
    %scan3A_3 = arith.constant 1 : i32
    scf.for %scan3A_42 = %scan3A to %scan3A_2 step %scan3A_3  : i32 {
      %mul3A = arith.constant 16 : i32
      %mul3A_43 = arith.muli %scan3A_42, %mul3A : i32
      %swap3A = arith.index_cast %mul3A_43 : i32 to index
      %swap3A_44 = tpu.vector_load %arg6[%swap3A] {strides = array<i32>} : memref<10240xf32, #tpu.memory_space<vmem>>, vector<16xf32>,
      tpu.vector_store %arg6[%swap3A], %broadcast_in_dim3A_0 {strides = array<i32>} : memref<10240xf32, #tpu.memory_space<vmem>>, vector<16xf32>,
    }
    %scan3A_4 = arith.constant 640 : i32
    %run_scoped3A = arith.constant 0 : i32
    "tpu.region"() ({
      %run_scoped3A_42 = tpu.sem_alloc : memref<!tpu.dma_semaphore, #tpu.memory_space<semaphore_mem>>
      %dma_start3A_43 = arith.constant 0 : i32
      %dma_start3A_44 = tpu.memref_slice %arg2[%arg1, %run_scoped3A, %dma_start3A_43] : memref<16x1x10240xf32, #tpu.memory_space<hbm>> -> memref<1x1x10240xf32, #tpu.memory_space<hbm>>
      %dma_start3A_45 = tpu.memref_squeeze %dma_start3A_44 : memref<1x1x10240xf32, #tpu.memory_space<hbm>> -> memref<10240xf32, #tpu.memory_space<hbm>>
      %dma_start3A_46 = arith.constant 0 : i32
      %dma_start3A_47 = tpu.memref_slice %arg2[%arg1, %run_scoped3A, %dma_start3A_46] : memref<16x1x10240xf32, #tpu.memory_space<hbm>> -> memref<1x1x10240xf32, #tpu.memory_space<hbm>>
      %dma_start3A_48 = tpu.memref_squeeze %dma_start3A_47 : memref<1x1x10240xf32, #tpu.memory_space<hbm>> -> memref<10240xf32, #tpu.memory_space<hbm>>
      tpu.enqueue_dma source(%dma_start3A_48 : memref<10240xf32, #tpu.memory_space<hbm>>) target(%arg5 : memref<10240xf32, #tpu.memory_space<vmem>>) target_semaphore(%run_scoped3A_42 : memref<!tpu.dma_semaphore, #tpu.memory_space<semaphore_mem>>)
      %dma_wait3A = arith.constant 0 : i32
      %dma_wait3A_49 = tpu.memref_slice %arg2[%arg1, %run_scoped3A, %dma_wait3A] : memref<16x1x10240xf32, #tpu.memory_space<hbm>> -> memref<1x1x10240xf32, #tpu.memory_space<hbm>>
      %dma_wait3A_50 = tpu.memref_squeeze %dma_wait3A_49 : memref<1x1x10240xf32, #tpu.memory_space<hbm>> -> memref<10240xf32, #tpu.memory_space<hbm>>
      %dma_wait3A_51 = arith.constant 0 : i32
      %dma_wait3A_52 = tpu.memref_slice %arg2[%arg1, %run_scoped3A, %dma_wait3A_51] : memref<16x1x10240xf32, #tpu.memory_space<hbm>> -> memref<1x1x10240xf32, #tpu.memory_space<hbm>>
      %dma_wait3A_53 = tpu.memref_squeeze %dma_wait3A_52 : memref<1x1x10240xf32, #tpu.memory_space<hbm>> -> memref<10240xf32, #tpu.memory_space<hbm>>
      tpu.wait_dma2 semaphore(%run_scoped3A_42 : memref<!tpu.dma_semaphore, #tpu.memory_space<semaphore_mem>>) src(%dma_wait3A_53 : memref<10240xf32, #tpu.memory_space<hbm>>) dst(%arg5 : memref<10240xf32, #tpu.memory_space<vmem>>)
      tpu.yield
    }) : () -> ()
    %dma_start3A = arith.constant 0 : i32
    %dma_start3A_5 = arith.constant 0 : i32
    %dma_start3A_6 = arith.constant 0 : i32
    %dma_start3A_7 = arith.constant 0 : i32
    %dma_start3A_8 = arith.constant 0 : i32
    %dma_start3A_9 = tpu.memref_slice %arg7[%dma_start3A_7, %dma_start3A_8] : memref<2x10000xi32, #tpu.memory_space<vmem>> -> memref<1x10000xi32, #tpu.memory_space<vmem>>
    %dma_start3A_10 = tpu.memref_squeeze %dma_start3A_9 : memref<1x10000xi32, #tpu.memory_space<vmem>> -> memref<10000xi32, #tpu.memory_space<vmem>>
    %dma_start3A_11 = arith.constant 0 : i32
    %dma_start3A_12 = tpu.memref_slice %arg3[%dma_start3A, %arg0, %dma_start3A_5, %dma_start3A_6, %dma_start3A_11] : memref<2x2x16x1x10000xi32, #tpu.memory_space<hbm>> -> memref<1x1x1x1x10000xi32, #tpu.memory_space<hbm>>
    %dma_start3A_13 = tpu.memref_squeeze %dma_start3A_12 : memref<1x1x1x1x10000xi32, #tpu.memory_space<hbm>> -> memref<10000xi32, #tpu.memory_space<hbm>>
    %dma_start3A_14 = arith.constant 0 : i32
    %dma_start3A_15 = tpu.memref_slice %arg7[%dma_start3A_7, %dma_start3A_14] : memref<2x10000xi32, #tpu.memory_space<vmem>> -> memref<1x10000xi32, #tpu.memory_space<vmem>>
    %dma_start3A_16 = tpu.memref_squeeze %dma_start3A_15 : memref<1x10000xi32, #tpu.memory_space<vmem>> -> memref<10000xi32, #tpu.memory_space<vmem>>
    %dma_start3A_17 = arith.constant 0 : i32
    %dma_start3A_18 = tpu.memref_slice %arg3[%dma_start3A, %arg0, %dma_start3A_5, %dma_start3A_6, %dma_start3A_17] : memref<2x2x16x1x10000xi32, #tpu.memory_space<hbm>> -> memref<1x1x1x1x10000xi32, #tpu.memory_space<hbm>>
    %dma_start3A_19 = tpu.memref_squeeze %dma_start3A_18 : memref<1x1x1x1x10000xi32, #tpu.memory_space<hbm>> -> memref<10000xi32, #tpu.memory_space<hbm>>
    tpu.enqueue_dma source(%dma_start3A_19 : memref<10000xi32, #tpu.memory_space<hbm>>) target(%dma_start3A_16 : memref<10000xi32, #tpu.memory_space<vmem>>) target_semaphore(%arg9 : memref<!tpu.dma_semaphore, #tpu.memory_space<semaphore_mem>>)
    %dma_start3A_20 = arith.constant 1 : i32
    %dma_start3A_21 = arith.constant 0 : i32
    %dma_start3A_22 = arith.constant 0 : i32
    %dma_start3A_23 = arith.constant 1 : i32
    %dma_start3A_24 = arith.constant 0 : i32
    %dma_start3A_25 = tpu.memref_slice %arg7[%dma_start3A_23, %dma_start3A_24] : memref<2x10000xi32, #tpu.memory_space<vmem>> -> memref<1x10000xi32, #tpu.memory_space<vmem>>
    %dma_start3A_26 = tpu.memref_squeeze %dma_start3A_25 : memref<1x10000xi32, #tpu.memory_space<vmem>> -> memref<10000xi32, #tpu.memory_space<vmem>>
    %dma_start3A_27 = arith.constant 0 : i32
    %dma_start3A_28 = tpu.memref_slice %arg3[%dma_start3A_20, %arg0, %dma_start3A_21, %dma_start3A_22, %dma_start3A_27] : memref<2x2x16x1x10000xi32, #tpu.memory_space<hbm>> -> memref<1x1x1x1x10000xi32, #tpu.memory_space<hbm>>
    %dma_start3A_29 = tpu.memref_squeeze %dma_start3A_28 : memref<1x1x1x1x10000xi32, #tpu.memory_space<hbm>> -> memref<10000xi32, #tpu.memory_space<hbm>>
    %dma_start3A_30 = arith.constant 0 : i32
    %dma_start3A_31 = tpu.memref_slice %arg7[%dma_start3A_23, %dma_start3A_30] : memref<2x10000xi32, #tpu.memory_space<vmem>> -> memref<1x10000xi32, #tpu.memory_space<vmem>>
    %dma_start3A_32 = tpu.memref_squeeze %dma_start3A_31 : memref<1x10000xi32, #tpu.memory_space<vmem>> -> memref<10000xi32, #tpu.memory_space<vmem>>
    %dma_start3A_33 = arith.constant 0 : i32
    %dma_start3A_34 = tpu.memref_slice %arg3[%dma_start3A_20, %arg0, %dma_start3A_21, %dma_start3A_22, %dma_start3A_33] : memref<2x2x16x1x10000xi32, #tpu.memory_space<hbm>> -> memref<1x1x1x1x10000xi32, #tpu.memory_space<hbm>>
    %dma_start3A_35 = tpu.memref_squeeze %dma_start3A_34 : memref<1x1x1x1x10000xi32, #tpu.memory_space<hbm>> -> memref<10000xi32, #tpu.memory_space<hbm>>
    tpu.enqueue_dma source(%dma_start3A_35 : memref<10000xi32, #tpu.memory_space<hbm>>) target(%dma_start3A_32 : memref<10000xi32, #tpu.memory_space<vmem>>) target_semaphore(%arg9 : memref<!tpu.dma_semaphore, #tpu.memory_space<semaphore_mem>>)
    %scan3A_36 = arith.constant 0 : i32
    %scan3A_37 = arith.constant 16 : i32
    %scan3A_38 = arith.addi %scan3A_36, %scan3A_37 : i32
    %scan3A_39 = arith.constant 1 : i32
    scf.for %scan3A_42 = %scan3A_36 to %scan3A_38 step %scan3A_39  : i32 {
      %jit3A = arith.constant 2 : i32
      %eq3A = arith.constant 0 : i32
      %eq3A_43 = arith.cmpi eq, %jit3A, %eq3A : i32
      %jit3A_44 = arith.constant 1 : i32
      %select_n3A = arith.select %eq3A_43, %jit3A_44, %jit3A : i32
      %rem3A = arith.remsi %scan3A_42, %select_n3A : i32
      %ne3A = arith.constant 0 : i32
      %ne3A_45 = arith.cmpi ne, %rem3A, %ne3A : i32
      %lt3A = arith.constant 0 : i32
      %lt3A_46 = arith.cmpi slt, %rem3A, %lt3A : i32
      %lt3A_47 = arith.constant 0 : i32
      %lt3A_48 = arith.cmpi slt, %select_n3A, %lt3A_47 : i32
      %ne3A_49 = arith.xori %lt3A_46, %lt3A_48 : i1
      %and3A = arith.andi %ne3A_49, %ne3A_45 : i1
      %add3A = arith.addi %rem3A, %select_n3A : i32
      %select_n3A_50 = arith.select %and3A, %add3A, %rem3A : i32
      %eq3A_51 = arith.constant 0 : i32
      %eq3A_52 = arith.cmpi eq, %select_n3A_50, %eq3A_51 : i32
      %convert_element_type3A = arith.extui %eq3A_52 : i1 to i32
      %cond3A = arith.constant 0 : i32
      %cond3A_53 = arith.cmpi ne, %convert_element_type3A, %cond3A : i32
      scf.if %cond3A_53 {
        %dma_wait3A = arith.constant 0 : i32
        %dma_wait3A_75 = arith.constant 0 : i32
        %dma_wait3A_76 = arith.constant 0 : i32
        %dma_wait3A_77 = arith.constant 0 : i32
        %dma_wait3A_78 = tpu.memref_slice %arg7[%dma_wait3A_76, %dma_wait3A_77] : memref<2x10000xi32, #tpu.memory_space<vmem>> -> memref<1x10000xi32, #tpu.memory_space<vmem>>
        %dma_wait3A_79 = tpu.memref_squeeze %dma_wait3A_78 : memref<1x10000xi32, #tpu.memory_space<vmem>> -> memref<10000xi32, #tpu.memory_space<vmem>>
        %dma_wait3A_80 = arith.constant 0 : i32
        %dma_wait3A_81 = tpu.memref_slice %arg3[%dma_wait3A, %arg0, %scan3A_42, %dma_wait3A_75, %dma_wait3A_80] : memref<2x2x16x1x10000xi32, #tpu.memory_space<hbm>> -> memref<1x1x1x1x10000xi32, #tpu.memory_space<hbm>>
        %dma_wait3A_82 = tpu.memref_squeeze %dma_wait3A_81 : memref<1x1x1x1x10000xi32, #tpu.memory_space<hbm>> -> memref<10000xi32, #tpu.memory_space<hbm>>
        %dma_wait3A_83 = arith.constant 0 : i32
        %dma_wait3A_84 = tpu.memref_slice %arg7[%dma_wait3A_76, %dma_wait3A_83] : memref<2x10000xi32, #tpu.memory_space<vmem>> -> memref<1x10000xi32, #tpu.memory_space<vmem>>
        %dma_wait3A_85 = tpu.memref_squeeze %dma_wait3A_84 : memref<1x10000xi32, #tpu.memory_space<vmem>> -> memref<10000xi32, #tpu.memory_space<vmem>>
        %dma_wait3A_86 = arith.constant 0 : i32
        %dma_wait3A_87 = tpu.memref_slice %arg3[%dma_wait3A, %arg0, %scan3A_42, %dma_wait3A_75, %dma_wait3A_86] : memref<2x2x16x1x10000xi32, #tpu.memory_space<hbm>> -> memref<1x1x1x1x10000xi32, #tpu.memory_space<hbm>>
        %dma_wait3A_88 = tpu.memref_squeeze %dma_wait3A_87 : memref<1x1x1x1x10000xi32, #tpu.memory_space<hbm>> -> memref<10000xi32, #tpu.memory_space<hbm>>
        tpu.wait_dma2 semaphore(%arg9 : memref<!tpu.dma_semaphore, #tpu.memory_space<semaphore_mem>>) src(%dma_wait3A_88 : memref<10000xi32, #tpu.memory_space<hbm>>) dst(%dma_wait3A_85 : memref<10000xi32, #tpu.memory_space<vmem>>)
        %dma_wait3A_89 = arith.constant 1 : i32
        %dma_wait3A_90 = arith.constant 0 : i32
        %dma_wait3A_91 = arith.constant 1 : i32
        %dma_wait3A_92 = arith.constant 0 : i32
        %dma_wait3A_93 = tpu.memref_slice %arg7[%dma_wait3A_91, %dma_wait3A_92] : memref<2x10000xi32, #tpu.memory_space<vmem>> -> memref<1x10000xi32, #tpu.memory_space<vmem>>
        %dma_wait3A_94 = tpu.memref_squeeze %dma_wait3A_93 : memref<1x10000xi32, #tpu.memory_space<vmem>> -> memref<10000xi32, #tpu.memory_space<vmem>>
        %dma_wait3A_95 = arith.constant 0 : i32
        %dma_wait3A_96 = tpu.memref_slice %arg3[%dma_wait3A_89, %arg0, %scan3A_42, %dma_wait3A_90, %dma_wait3A_95] : memref<2x2x16x1x10000xi32, #tpu.memory_space<hbm>> -> memref<1x1x1x1x10000xi32, #tpu.memory_space<hbm>>
        %dma_wait3A_97 = tpu.memref_squeeze %dma_wait3A_96 : memref<1x1x1x1x10000xi32, #tpu.memory_space<hbm>> -> memref<10000xi32, #tpu.memory_space<hbm>>
        %dma_wait3A_98 = arith.constant 0 : i32
        %dma_wait3A_99 = tpu.memref_slice %arg7[%dma_wait3A_91, %dma_wait3A_98] : memref<2x10000xi32, #tpu.memory_space<vmem>> -> memref<1x10000xi32, #tpu.memory_space<vmem>>
        %dma_wait3A_100 = tpu.memref_squeeze %dma_wait3A_99 : memref<1x10000xi32, #tpu.memory_space<vmem>> -> memref<10000xi32, #tpu.memory_space<vmem>>
        %dma_wait3A_101 = arith.constant 0 : i32
        %dma_wait3A_102 = tpu.memref_slice %arg3[%dma_wait3A_89, %arg0, %scan3A_42, %dma_wait3A_90, %dma_wait3A_101] : memref<2x2x16x1x10000xi32, #tpu.memory_space<hbm>> -> memref<1x1x1x1x10000xi32, #tpu.memory_space<hbm>>
        %dma_wait3A_103 = tpu.memref_squeeze %dma_wait3A_102 : memref<1x1x1x1x10000xi32, #tpu.memory_space<hbm>> -> memref<10000xi32, #tpu.memory_space<hbm>>
        tpu.wait_dma2 semaphore(%arg9 : memref<!tpu.dma_semaphore, #tpu.memory_space<semaphore_mem>>) src(%dma_wait3A_103 : memref<10000xi32, #tpu.memory_space<hbm>>) dst(%dma_wait3A_100 : memref<10000xi32, #tpu.memory_space<vmem>>)
        %lt3A_104 = arith.constant 15 : i32
        %lt3A_105 = arith.cmpi slt, %scan3A_42, %lt3A_104 : i32
        %convert_element_type3A_106 = arith.extui %lt3A_105 : i1 to i32
        %cond3A_107 = arith.constant 0 : i32
        %cond3A_108 = arith.cmpi ne, %convert_element_type3A_106, %cond3A_107 : i32
        scf.if %cond3A_108 {
          %add3A_111 = arith.constant 1 : i32
          %add3A_112 = arith.addi %scan3A_42, %add3A_111 : i32
          %dma_start3A_113 = arith.constant 0 : i32
          %dma_start3A_114 = arith.constant 0 : i32
          %dma_start3A_115 = arith.constant 0 : i32
          %dma_start3A_116 = arith.constant 0 : i32
          %dma_start3A_117 = tpu.memref_slice %arg8[%dma_start3A_115, %dma_start3A_116] : memref<2x10000xi32, #tpu.memory_space<vmem>> -> memref<1x10000xi32, #tpu.memory_space<vmem>>
          %dma_start3A_118 = tpu.memref_squeeze %dma_start3A_117 : memref<1x10000xi32, #tpu.memory_space<vmem>> -> memref<10000xi32, #tpu.memory_space<vmem>>
          %dma_start3A_119 = arith.constant 0 : i32
          %dma_start3A_120 = tpu.memref_slice %arg3[%dma_start3A_113, %arg0, %add3A_112, %dma_start3A_114, %dma_start3A_119] : memref<2x2x16x1x10000xi32, #tpu.memory_space<hbm>> -> memref<1x1x1x1x10000xi32, #tpu.memory_space<hbm>>
          %dma_start3A_121 = tpu.memref_squeeze %dma_start3A_120 : memref<1x1x1x1x10000xi32, #tpu.memory_space<hbm>> -> memref<10000xi32, #tpu.memory_space<hbm>>
          %dma_start3A_122 = arith.constant 0 : i32
          %dma_start3A_123 = tpu.memref_slice %arg8[%dma_start3A_115, %dma_start3A_122] : memref<2x10000xi32, #tpu.memory_space<vmem>> -> memref<1x10000xi32, #tpu.memory_space<vmem>>
          %dma_start3A_124 = tpu.memref_squeeze %dma_start3A_123 : memref<1x10000xi32, #tpu.memory_space<vmem>> -> memref<10000xi32, #tpu.memory_space<vmem>>
          %dma_start3A_125 = arith.constant 0 : i32
          %dma_start3A_126 = tpu.memref_slice %arg3[%dma_start3A_113, %arg0, %add3A_112, %dma_start3A_114, %dma_start3A_125] : memref<2x2x16x1x10000xi32, #tpu.memory_space<hbm>> -> memref<1x1x1x1x10000xi32, #tpu.memory_space<hbm>>
          %dma_start3A_127 = tpu.memref_squeeze %dma_start3A_126 : memref<1x1x1x1x10000xi32, #tpu.memory_space<hbm>> -> memref<10000xi32, #tpu.memory_space<hbm>>
          tpu.enqueue_dma source(%dma_start3A_127 : memref<10000xi32, #tpu.memory_space<hbm>>) target(%dma_start3A_124 : memref<10000xi32, #tpu.memory_space<vmem>>) target_semaphore(%arg10 : memref<!tpu.dma_semaphore, #tpu.memory_space<semaphore_mem>>)
          %add3A_128 = arith.constant 1 : i32
          %add3A_129 = arith.addi %scan3A_42, %add3A_128 : i32
          %dma_start3A_130 = arith.constant 1 : i32
          %dma_start3A_131 = arith.constant 0 : i32
          %dma_start3A_132 = arith.constant 1 : i32
          %dma_start3A_133 = arith.constant 0 : i32
          %dma_start3A_134 = tpu.memref_slice %arg8[%dma_start3A_132, %dma_start3A_133] : memref<2x10000xi32, #tpu.memory_space<vmem>> -> memref<1x10000xi32, #tpu.memory_space<vmem>>
          %dma_start3A_135 = tpu.memref_squeeze %dma_start3A_134 : memref<1x10000xi32, #tpu.memory_space<vmem>> -> memref<10000xi32, #tpu.memory_space<vmem>>
          %dma_start3A_136 = arith.constant 0 : i32
          %dma_start3A_137 = tpu.memref_slice %arg3[%dma_start3A_130, %arg0, %add3A_129, %dma_start3A_131, %dma_start3A_136] : memref<2x2x16x1x10000xi32, #tpu.memory_space<hbm>> -> memref<1x1x1x1x10000xi32, #tpu.memory_space<hbm>>
          %dma_start3A_138 = tpu.memref_squeeze %dma_start3A_137 : memref<1x1x1x1x10000xi32, #tpu.memory_space<hbm>> -> memref<10000xi32, #tpu.memory_space<hbm>>
          %dma_start3A_139 = arith.constant 0 : i32
          %dma_start3A_140 = tpu.memref_slice %arg8[%dma_start3A_132, %dma_start3A_139] : memref<2x10000xi32, #tpu.memory_space<vmem>> -> memref<1x10000xi32, #tpu.memory_space<vmem>>
          %dma_start3A_141 = tpu.memref_squeeze %dma_start3A_140 : memref<1x10000xi32, #tpu.memory_space<vmem>> -> memref<10000xi32, #tpu.memory_space<vmem>>
          %dma_start3A_142 = arith.constant 0 : i32
          %dma_start3A_143 = tpu.memref_slice %arg3[%dma_start3A_130, %arg0, %add3A_129, %dma_start3A_131, %dma_start3A_142] : memref<2x2x16x1x10000xi32, #tpu.memory_space<hbm>> -> memref<1x1x1x1x10000xi32, #tpu.memory_space<hbm>>
          %dma_start3A_144 = tpu.memref_squeeze %dma_start3A_143 : memref<1x1x1x1x10000xi32, #tpu.memory_space<hbm>> -> memref<10000xi32, #tpu.memory_space<hbm>>
          tpu.enqueue_dma source(%dma_start3A_144 : memref<10000xi32, #tpu.memory_space<hbm>>) target(%dma_start3A_141 : memref<10000xi32, #tpu.memory_space<vmem>>) target_semaphore(%arg10 : memref<!tpu.dma_semaphore, #tpu.memory_space<semaphore_mem>>)
        } else {
        }
        %parallel_loop3A = arith.constant 0 : i32
        %parallel_loop3A_109 = arith.constant 625 : i32
        %parallel_loop3A_110 = arith.constant 1 : i32
        scf.for %parallel_loop3A_111 = %parallel_loop3A to %parallel_loop3A_109 step %parallel_loop3A_110  : i32 {
          %parallel_loop3A_112 = arith.constant 16 : i32
          %parallel_loop3A_113 = arith.muli %parallel_loop3A_111, %parallel_loop3A_112 : i32
          %parallel_loop3A_114 = arith.constant 0 : i32
          %parallel_loop3A_115 = arith.index_cast %parallel_loop3A_114 : i32 to index
          %parallel_loop3A_116 = arith.index_cast %parallel_loop3A_113 : i32 to index
          %parallel_loop3A_117 = tpu.vector_load %arg7[%parallel_loop3A_115, %parallel_loop3A_116] {strides = array<i32>} : memref<2x10000xi32, #tpu.memory_space<vmem>>, vector<16xi32>,
          %parallel_loop3A_118 = arith.constant 16 : i32
          %parallel_loop3A_119 = arith.muli %parallel_loop3A_111, %parallel_loop3A_118 : i32
          %parallel_loop3A_120 = arith.constant 1 : i32
          %parallel_loop3A_121 = arith.index_cast %parallel_loop3A_120 : i32 to index
          %parallel_loop3A_122 = arith.index_cast %parallel_loop3A_119 : i32 to index
          %parallel_loop3A_123 = tpu.vector_load %arg7[%parallel_loop3A_121, %parallel_loop3A_122] {strides = array<i32>} : memref<2x10000xi32, #tpu.memory_space<vmem>>, vector<16xi32>,
          %parallel_loop3A_124 = tpu.vector_load_idx %arg5[%parallel_loop3A_117] : memref<10240xf32, #tpu.memory_space<vmem>>[vector<16xi32>], vector<16xf32>,
          tpu.vector_store_idx %arg6[%parallel_loop3A_123], %parallel_loop3A_124 {add = true} : memref<10240xf32, #tpu.memory_space<vmem>>[vector<16xi32>], vector<16xf32>,
        } {sc.loop_unroll_factor = 16 : i64, sc.parallel_access}
      } else {
      }
      %jit3A_54 = arith.constant 2 : i32
      %eq3A_55 = arith.constant 0 : i32
      %eq3A_56 = arith.cmpi eq, %jit3A_54, %eq3A_55 : i32
      %jit3A_57 = arith.constant 1 : i32
      %select_n3A_58 = arith.select %eq3A_56, %jit3A_57, %jit3A_54 : i32
      %rem3A_59 = arith.remsi %scan3A_42, %select_n3A_58 : i32
      %ne3A_60 = arith.constant 0 : i32
      %ne3A_61 = arith.cmpi ne, %rem3A_59, %ne3A_60 : i32
      %lt3A_62 = arith.constant 0 : i32
      %lt3A_63 = arith.cmpi slt, %rem3A_59, %lt3A_62 : i32
      %lt3A_64 = arith.constant 0 : i32
      %lt3A_65 = arith.cmpi slt, %select_n3A_58, %lt3A_64 : i32
      %ne3A_66 = arith.xori %lt3A_63, %lt3A_65 : i1
      %and3A_67 = arith.andi %ne3A_66, %ne3A_61 : i1
      %add3A_68 = arith.addi %rem3A_59, %select_n3A_58 : i32
      %select_n3A_69 = arith.select %and3A_67, %add3A_68, %rem3A_59 : i32
      %eq3A_70 = arith.constant 1 : i32
      %eq3A_71 = arith.cmpi eq, %select_n3A_69, %eq3A_70 : i32
      %convert_element_type3A_72 = arith.extui %eq3A_71 : i1 to i32
      %cond3A_73 = arith.constant 0 : i32
      %cond3A_74 = arith.cmpi ne, %convert_element_type3A_72, %cond3A_73 : i32
      scf.if %cond3A_74 {
        %dma_wait3A = arith.constant 0 : i32
        %dma_wait3A_75 = arith.constant 0 : i32
        %dma_wait3A_76 = arith.constant 0 : i32
        %dma_wait3A_77 = arith.constant 0 : i32
        %dma_wait3A_78 = tpu.memref_slice %arg8[%dma_wait3A_76, %dma_wait3A_77] : memref<2x10000xi32, #tpu.memory_space<vmem>> -> memref<1x10000xi32, #tpu.memory_space<vmem>>
        %dma_wait3A_79 = tpu.memref_squeeze %dma_wait3A_78 : memref<1x10000xi32, #tpu.memory_space<vmem>> -> memref<10000xi32, #tpu.memory_space<vmem>>
        %dma_wait3A_80 = arith.constant 0 : i32
        %dma_wait3A_81 = tpu.memref_slice %arg3[%dma_wait3A, %arg0, %scan3A_42, %dma_wait3A_75, %dma_wait3A_80] : memref<2x2x16x1x10000xi32, #tpu.memory_space<hbm>> -> memref<1x1x1x1x10000xi32, #tpu.memory_space<hbm>>
        %dma_wait3A_82 = tpu.memref_squeeze %dma_wait3A_81 : memref<1x1x1x1x10000xi32, #tpu.memory_space<hbm>> -> memref<10000xi32, #tpu.memory_space<hbm>>
        %dma_wait3A_83 = arith.constant 0 : i32
        %dma_wait3A_84 = tpu.memref_slice %arg8[%dma_wait3A_76, %dma_wait3A_83] : memref<2x10000xi32, #tpu.memory_space<vmem>> -> memref<1x10000xi32, #tpu.memory_space<vmem>>
        %dma_wait3A_85 = tpu.memref_squeeze %dma_wait3A_84 : memref<1x10000xi32, #tpu.memory_space<vmem>> -> memref<10000xi32, #tpu.memory_space<vmem>>
        %dma_wait3A_86 = arith.constant 0 : i32
        %dma_wait3A_87 = tpu.memref_slice %arg3[%dma_wait3A, %arg0, %scan3A_42, %dma_wait3A_75, %dma_wait3A_86] : memref<2x2x16x1x10000xi32, #tpu.memory_space<hbm>> -> memref<1x1x1x1x10000xi32, #tpu.memory_space<hbm>>
        %dma_wait3A_88 = tpu.memref_squeeze %dma_wait3A_87 : memref<1x1x1x1x10000xi32, #tpu.memory_space<hbm>> -> memref<10000xi32, #tpu.memory_space<hbm>>
        tpu.wait_dma2 semaphore(%arg10 : memref<!tpu.dma_semaphore, #tpu.memory_space<semaphore_mem>>) src(%dma_wait3A_88 : memref<10000xi32, #tpu.memory_space<hbm>>) dst(%dma_wait3A_85 : memref<10000xi32, #tpu.memory_space<vmem>>)
        %dma_wait3A_89 = arith.constant 1 : i32
        %dma_wait3A_90 = arith.constant 0 : i32
        %dma_wait3A_91 = arith.constant 1 : i32
        %dma_wait3A_92 = arith.constant 0 : i32
        %dma_wait3A_93 = tpu.memref_slice %arg8[%dma_wait3A_91, %dma_wait3A_92] : memref<2x10000xi32, #tpu.memory_space<vmem>> -> memref<1x10000xi32, #tpu.memory_space<vmem>>
        %dma_wait3A_94 = tpu.memref_squeeze %dma_wait3A_93 : memref<1x10000xi32, #tpu.memory_space<vmem>> -> memref<10000xi32, #tpu.memory_space<vmem>>
        %dma_wait3A_95 = arith.constant 0 : i32
        %dma_wait3A_96 = tpu.memref_slice %arg3[%dma_wait3A_89, %arg0, %scan3A_42, %dma_wait3A_90, %dma_wait3A_95] : memref<2x2x16x1x10000xi32, #tpu.memory_space<hbm>> -> memref<1x1x1x1x10000xi32, #tpu.memory_space<hbm>>
        %dma_wait3A_97 = tpu.memref_squeeze %dma_wait3A_96 : memref<1x1x1x1x10000xi32, #tpu.memory_space<hbm>> -> memref<10000xi32, #tpu.memory_space<hbm>>
        %dma_wait3A_98 = arith.constant 0 : i32
        %dma_wait3A_99 = tpu.memref_slice %arg8[%dma_wait3A_91, %dma_wait3A_98] : memref<2x10000xi32, #tpu.memory_space<vmem>> -> memref<1x10000xi32, #tpu.memory_space<vmem>>
        %dma_wait3A_100 = tpu.memref_squeeze %dma_wait3A_99 : memref<1x10000xi32, #tpu.memory_space<vmem>> -> memref<10000xi32, #tpu.memory_space<vmem>>
        %dma_wait3A_101 = arith.constant 0 : i32
        %dma_wait3A_102 = tpu.memref_slice %arg3[%dma_wait3A_89, %arg0, %scan3A_42, %dma_wait3A_90, %dma_wait3A_101] : memref<2x2x16x1x10000xi32, #tpu.memory_space<hbm>> -> memref<1x1x1x1x10000xi32, #tpu.memory_space<hbm>>
        %dma_wait3A_103 = tpu.memref_squeeze %dma_wait3A_102 : memref<1x1x1x1x10000xi32, #tpu.memory_space<hbm>> -> memref<10000xi32, #tpu.memory_space<hbm>>
        tpu.wait_dma2 semaphore(%arg10 : memref<!tpu.dma_semaphore, #tpu.memory_space<semaphore_mem>>) src(%dma_wait3A_103 : memref<10000xi32, #tpu.memory_space<hbm>>) dst(%dma_wait3A_100 : memref<10000xi32, #tpu.memory_space<vmem>>)
        %lt3A_104 = arith.constant 15 : i32
        %lt3A_105 = arith.cmpi slt, %scan3A_42, %lt3A_104 : i32
        %convert_element_type3A_106 = arith.extui %lt3A_105 : i1 to i32
        %cond3A_107 = arith.constant 0 : i32
        %cond3A_108 = arith.cmpi ne, %convert_element_type3A_106, %cond3A_107 : i32
        scf.if %cond3A_108 {
          %add3A_111 = arith.constant 1 : i32
          %add3A_112 = arith.addi %scan3A_42, %add3A_111 : i32
          %dma_start3A_113 = arith.constant 0 : i32
          %dma_start3A_114 = arith.constant 0 : i32
          %dma_start3A_115 = arith.constant 0 : i32
          %dma_start3A_116 = arith.constant 0 : i32
          %dma_start3A_117 = tpu.memref_slice %arg7[%dma_start3A_115, %dma_start3A_116] : memref<2x10000xi32, #tpu.memory_space<vmem>> -> memref<1x10000xi32, #tpu.memory_space<vmem>>
          %dma_start3A_118 = tpu.memref_squeeze %dma_start3A_117 : memref<1x10000xi32, #tpu.memory_space<vmem>> -> memref<10000xi32, #tpu.memory_space<vmem>>
          %dma_start3A_119 = arith.constant 0 : i32
          %dma_start3A_120 = tpu.memref_slice %arg3[%dma_start3A_113, %arg0, %add3A_112, %dma_start3A_114, %dma_start3A_119] : memref<2x2x16x1x10000xi32, #tpu.memory_space<hbm>> -> memref<1x1x1x1x10000xi32, #tpu.memory_space<hbm>>
          %dma_start3A_121 = tpu.memref_squeeze %dma_start3A_120 : memref<1x1x1x1x10000xi32, #tpu.memory_space<hbm>> -> memref<10000xi32, #tpu.memory_space<hbm>>
          %dma_start3A_122 = arith.constant 0 : i32
          %dma_start3A_123 = tpu.memref_slice %arg7[%dma_start3A_115, %dma_start3A_122] : memref<2x10000xi32, #tpu.memory_space<vmem>> -> memref<1x10000xi32, #tpu.memory_space<vmem>>
          %dma_start3A_124 = tpu.memref_squeeze %dma_start3A_123 : memref<1x10000xi32, #tpu.memory_space<vmem>> -> memref<10000xi32, #tpu.memory_space<vmem>>
          %dma_start3A_125 = arith.constant 0 : i32
          %dma_start3A_126 = tpu.memref_slice %arg3[%dma_start3A_113, %arg0, %add3A_112, %dma_start3A_114, %dma_start3A_125] : memref<2x2x16x1x10000xi32, #tpu.memory_space<hbm>> -> memref<1x1x1x1x10000xi32, #tpu.memory_space<hbm>>
          %dma_start3A_127 = tpu.memref_squeeze %dma_start3A_126 : memref<1x1x1x1x10000xi32, #tpu.memory_space<hbm>> -> memref<10000xi32, #tpu.memory_space<hbm>>
          tpu.enqueue_dma source(%dma_start3A_127 : memref<10000xi32, #tpu.memory_space<hbm>>) target(%dma_start3A_124 : memref<10000xi32, #tpu.memory_space<vmem>>) target_semaphore(%arg9 : memref<!tpu.dma_semaphore, #tpu.memory_space<semaphore_mem>>)
          %add3A_128 = arith.constant 1 : i32
          %add3A_129 = arith.addi %scan3A_42, %add3A_128 : i32
          %dma_start3A_130 = arith.constant 1 : i32
          %dma_start3A_131 = arith.constant 0 : i32
          %dma_start3A_132 = arith.constant 1 : i32
          %dma_start3A_133 = arith.constant 0 : i32
          %dma_start3A_134 = tpu.memref_slice %arg7[%dma_start3A_132, %dma_start3A_133] : memref<2x10000xi32, #tpu.memory_space<vmem>> -> memref<1x10000xi32, #tpu.memory_space<vmem>>
          %dma_start3A_135 = tpu.memref_squeeze %dma_start3A_134 : memref<1x10000xi32, #tpu.memory_space<vmem>> -> memref<10000xi32, #tpu.memory_space<vmem>>
          %dma_start3A_136 = arith.constant 0 : i32
          %dma_start3A_137 = tpu.memref_slice %arg3[%dma_start3A_130, %arg0, %add3A_129, %dma_start3A_131, %dma_start3A_136] : memref<2x2x16x1x10000xi32, #tpu.memory_space<hbm>> -> memref<1x1x1x1x10000xi32, #tpu.memory_space<hbm>>
          %dma_start3A_138 = tpu.memref_squeeze %dma_start3A_137 : memref<1x1x1x1x10000xi32, #tpu.memory_space<hbm>> -> memref<10000xi32, #tpu.memory_space<hbm>>
          %dma_start3A_139 = arith.constant 0 : i32
          %dma_start3A_140 = tpu.memref_slice %arg7[%dma_start3A_132, %dma_start3A_139] : memref<2x10000xi32, #tpu.memory_space<vmem>> -> memref<1x10000xi32, #tpu.memory_space<vmem>>
          %dma_start3A_141 = tpu.memref_squeeze %dma_start3A_140 : memref<1x10000xi32, #tpu.memory_space<vmem>> -> memref<10000xi32, #tpu.memory_space<vmem>>
          %dma_start3A_142 = arith.constant 0 : i32
          %dma_start3A_143 = tpu.memref_slice %arg3[%dma_start3A_130, %arg0, %add3A_129, %dma_start3A_131, %dma_start3A_142] : memref<2x2x16x1x10000xi32, #tpu.memory_space<hbm>> -> memref<1x1x1x1x10000xi32, #tpu.memory_space<hbm>>
          %dma_start3A_144 = tpu.memref_squeeze %dma_start3A_143 : memref<1x1x1x1x10000xi32, #tpu.memory_space<hbm>> -> memref<10000xi32, #tpu.memory_space<hbm>>
          tpu.enqueue_dma source(%dma_start3A_144 : memref<10000xi32, #tpu.memory_space<hbm>>) target(%dma_start3A_141 : memref<10000xi32, #tpu.memory_space<vmem>>) target_semaphore(%arg9 : memref<!tpu.dma_semaphore, #tpu.memory_space<semaphore_mem>>)
        } else {
        }
        %parallel_loop3A = arith.constant 0 : i32
        %parallel_loop3A_109 = arith.constant 625 : i32
        %parallel_loop3A_110 = arith.constant 1 : i32
        scf.for %parallel_loop3A_111 = %parallel_loop3A to %parallel_loop3A_109 step %parallel_loop3A_110  : i32 {
          %parallel_loop3A_112 = arith.constant 16 : i32
          %parallel_loop3A_113 = arith.muli %parallel_loop3A_111, %parallel_loop3A_112 : i32
          %parallel_loop3A_114 = arith.constant 0 : i32
          %parallel_loop3A_115 = arith.index_cast %parallel_loop3A_114 : i32 to index
          %parallel_loop3A_116 = arith.index_cast %parallel_loop3A_113 : i32 to index
          %parallel_loop3A_117 = tpu.vector_load %arg8[%parallel_loop3A_115, %parallel_loop3A_116] {strides = array<i32>} : memref<2x10000xi32, #tpu.memory_space<vmem>>, vector<16xi32>,
          %parallel_loop3A_118 = arith.constant 16 : i32
          %parallel_loop3A_119 = arith.muli %parallel_loop3A_111, %parallel_loop3A_118 : i32
          %parallel_loop3A_120 = arith.constant 1 : i32
          %parallel_loop3A_121 = arith.index_cast %parallel_loop3A_120 : i32 to index
          %parallel_loop3A_122 = arith.index_cast %parallel_loop3A_119 : i32 to index
          %parallel_loop3A_123 = tpu.vector_load %arg8[%parallel_loop3A_121, %parallel_loop3A_122] {strides = array<i32>} : memref<2x10000xi32, #tpu.memory_space<vmem>>, vector<16xi32>,
          %parallel_loop3A_124 = tpu.vector_load_idx %arg5[%parallel_loop3A_117] : memref<10240xf32, #tpu.memory_space<vmem>>[vector<16xi32>], vector<16xf32>,
          tpu.vector_store_idx %arg6[%parallel_loop3A_123], %parallel_loop3A_124 {add = true} : memref<10240xf32, #tpu.memory_space<vmem>>[vector<16xi32>], vector<16xf32>,
        } {sc.loop_unroll_factor = 16 : i64, sc.parallel_access}
      } else {
      }
    }
    %scan3A_40 = arith.constant 16 : i32
    %run_scoped3A_41 = arith.constant 0 : i32
    "tpu.region"() ({
      %run_scoped3A_42 = tpu.sem_alloc : memref<!tpu.dma_semaphore, #tpu.memory_space<semaphore_mem>>
      %dma_start3A_43 = arith.constant 0 : i32
      %dma_start3A_44 = tpu.memref_slice %arg4[%arg0, %arg1, %run_scoped3A_41, %dma_start3A_43] : memref<2x16x1x10240xf32, #tpu.memory_space<hbm>> -> memref<1x1x1x10240xf32, #tpu.memory_space<hbm>>
      %dma_start3A_45 = tpu.memref_squeeze %dma_start3A_44 : memref<1x1x1x10240xf32, #tpu.memory_space<hbm>> -> memref<10240xf32, #tpu.memory_space<hbm>>
      %dma_start3A_46 = arith.constant 0 : i32
      %dma_start3A_47 = tpu.memref_slice %arg4[%arg0, %arg1, %run_scoped3A_41, %dma_start3A_46] : memref<2x16x1x10240xf32, #tpu.memory_space<hbm>> -> memref<1x1x1x10240xf32, #tpu.memory_space<hbm>>
      %dma_start3A_48 = tpu.memref_squeeze %dma_start3A_47 : memref<1x1x1x10240xf32, #tpu.memory_space<hbm>> -> memref<10240xf32, #tpu.memory_space<hbm>>
      tpu.enqueue_dma source(%arg6 : memref<10240xf32, #tpu.memory_space<vmem>>) target(%dma_start3A_48 : memref<10240xf32, #tpu.memory_space<hbm>>) target_semaphore(%run_scoped3A_42 : memref<!tpu.dma_semaphore, #tpu.memory_space<semaphore_mem>>)
      %dma_wait3A = arith.constant 0 : i32
      %dma_wait3A_49 = tpu.memref_slice %arg4[%arg0, %arg1, %run_scoped3A_41, %dma_wait3A] : memref<2x16x1x10240xf32, #tpu.memory_space<hbm>> -> memref<1x1x1x10240xf32, #tpu.memory_space<hbm>>
      %dma_wait3A_50 = tpu.memref_squeeze %dma_wait3A_49 : memref<1x1x1x10240xf32, #tpu.memory_space<hbm>> -> memref<10240xf32, #tpu.memory_space<hbm>>
      %dma_wait3A_51 = arith.constant 0 : i32
      %dma_wait3A_52 = tpu.memref_slice %arg4[%arg0, %arg1, %run_scoped3A_41, %dma_wait3A_51] : memref<2x16x1x10240xf32, #tpu.memory_space<hbm>> -> memref<1x1x1x10240xf32, #tpu.memory_space<hbm>>
      %dma_wait3A_53 = tpu.memref_squeeze %dma_wait3A_52 : memref<1x1x1x10240xf32, #tpu.memory_space<hbm>> -> memref<10240xf32, #tpu.memory_space<hbm>>
      tpu.wait_dma2 semaphore(%run_scoped3A_42 : memref<!tpu.dma_semaphore, #tpu.memory_space<semaphore_mem>>) src(%arg6 : memref<10240xf32, #tpu.memory_space<vmem>>) dst(%dma_wait3A_53 : memref<10240xf32, #tpu.memory_space<hbm>>)
      tpu.yield
    }) : () -> ()
    return
  }
}

module attributes {stable_mosaic.version = 14 : i64} {
  func.func @body(%arg0: i32, %arg1: memref<1024x4xf32, #tpu.memory_space<vmem>>, %arg2: memref<1024x128xf32, #tpu.memory_space<vmem>>, %arg3: memref<128x128xf32, #tpu.memory_space<vmem>>, %arg4: memref<1024x128xf32, #tpu.memory_space<vmem>>) attributes {dimension_semantics = [#tpu.dimension_semantics<arbitrary>], iteration_bounds = array<i64: 10>, scalar_prefetch = 0 : i64, scratch_operands = 0 : i64, tpu.core_type = #tpu.core_type<tc>, window_params = [{transform_indices = @transform_0, window_bounds = array<i64: 1024, 4>}, {transform_indices = @transform_1, window_bounds = array<i64: 1024, 128>}, {pipeline_mode = #tpu.pipeline_mode<synchronous>, transform_indices = @transform_2, window_bounds = array<i64: 128, 128>}, {transform_indices = @transform_3, window_bounds = array<i64: 1024, 128>}]} {
    %get3A = arith.constant 0 : index
    %get3A_0 = arith.constant 0 : index
    %get3A_1 = vector.load %arg1[%get3A, %get3A_0] : memref<1024x4xf32, #tpu.memory_space<vmem>>, vector<1024x4xf32>
    %slice3A = vector.extract_strided_slice %get3A_1 {offsets = [0, 0], sizes = [1024, 2], strides = [1, 1]} : vector<1024x4xf32> to vector<1024x2xf32>
    %reduce_sum3A = arith.constant dense<0.000000e+00> : vector<1024xf32>
    %reduce_sum3A_2 = vector.multi_reduction <add>, %slice3A, %reduce_sum3A [1] : vector<1024x2xf32> to vector<1024xf32>
    %broadcast_in_dim3A = vector.shape_cast %reduce_sum3A_2 : vector<1024xf32> to vector<1024x1xf32>
    %max3A = arith.constant 1.000000e+00 : f32
    %max3A_3 = vector.broadcast %max3A : f32 to vector<1024x1xf32>
    %max3A_4 = arith.maximumf %broadcast_in_dim3A, %max3A_3 : vector<1024x1xf32>
    %rsqrt3A = math.rsqrt %max3A_4 : vector<1024x1xf32>
    %get3A_5 = arith.constant 0 : index
    %get3A_6 = arith.constant 0 : index
    %get3A_7 = vector.load %arg2[%get3A_5, %get3A_6] : memref<1024x128xf32, #tpu.memory_space<vmem>>, vector<1024x128xf32>
    %mul3A = vector.broadcast %rsqrt3A : vector<1024x1xf32> to vector<1024x128xf32>
    %mul3A_8 = arith.mulf %get3A_7, %mul3A : vector<1024x128xf32>
    %get3A_9 = arith.constant 0 : index
    %get3A_10 = arith.constant 0 : index
    %get3A_11 = vector.load %arg3[%get3A_9, %get3A_10] : memref<128x128xf32, #tpu.memory_space<vmem>>, vector<128x128xf32>
    %dot_general3A = arith.constant dense<0.000000e+00> : vector<1024x128xf32>
    %dot_general3A_12 = tpu.matmul %mul3A_8, %get3A_11, %dot_general3A {dimension_numbers = #tpu.dot_dimension_numbers<[1], [0], [0], [1], [0, 0, 1, 1], [], []>, transpose_lhs_hint = false} : vector<1024x128xf32>, vector<128x128xf32>, vector<1024x128xf32> -> vector<1024x128xf32>
    %swap3A = arith.constant 0 : index
    %swap3A_13 = arith.constant 0 : index
    %swap3A_14 = vector.load %arg4[%swap3A, %swap3A_13] : memref<1024x128xf32, #tpu.memory_space<vmem>>, vector<1024x128xf32>
    tpu.vector_store %arg4[%swap3A, %swap3A_13], %dot_general3A_12 {strides = array<i32>} : memref<1024x128xf32, #tpu.memory_space<vmem>>, vector<1024x128xf32>,
    return
  }
  func.func @transform_0(%arg0: i32) -> (i32, i32) {
    %c0_i32 = arith.constant 0 : i32
    %c0_i32_0 = arith.constant 0 : i32
    return %arg0, %c0_i32 : i32, i32
  }
  func.func @transform_1(%arg0: i32) -> (i32, i32) {
    %c0_i32 = arith.constant 0 : i32
    %c0_i32_0 = arith.constant 0 : i32
    return %arg0, %c0_i32 : i32, i32
  }
  func.func @transform_2(%arg0: i32) -> (i32, i32) {
    %c0_i32 = arith.constant 0 : i32
    %c0_i32_0 = arith.constant 0 : i32
    %c0_i32_1 = arith.constant 0 : i32
    return %c0_i32, %c0_i32_0 : i32, i32
  }
  func.func @transform_3(%arg0: i32) -> (i32, i32) {
    %c0_i32 = arith.constant 0 : i32
    %c0_i32_0 = arith.constant 0 : i32
    return %arg0, %c0_i32 : i32, i32
  }
}

module attributes {stable_mosaic.version = 14 : i64} {
  func.func @body(%arg0: i32, %arg1: memref<1024x4xf32, #tpu.memory_space<vmem>>, %arg2: memref<2x1024x128xf32, #tpu.memory_space<vmem>>, %arg3: memref<1x128xf32, #tpu.memory_space<vmem>>, %arg4: memref<128x16xf32, #tpu.memory_space<vmem>>, %arg5: memref<16x1024xf32, #tpu.memory_space<vmem>>) attributes {dimension_semantics = [#tpu.dimension_semantics<arbitrary>], iteration_bounds = array<i64: 10>, scalar_prefetch = 0 : i64, scratch_operands = 0 : i64, tpu.core_type = #tpu.core_type<tc>, window_params = [{transform_indices = @transform_0, window_bounds = array<i64: 1024, 4>}, {transform_indices = @transform_1, window_bounds = array<i64: 2, 1024, 128>}, {pipeline_mode = #tpu.pipeline_mode<synchronous>, transform_indices = @transform_2, window_bounds = array<i64: 1, 128>}, {pipeline_mode = #tpu.pipeline_mode<synchronous>, transform_indices = @transform_3, window_bounds = array<i64: 128, 16>}, {transform_indices = @transform_4, window_bounds = array<i64: 16, 1024>}]} {
    %get3A = arith.constant 0 : index
    %get3A_0 = arith.constant 0 : index
    %get3A_1 = vector.load %arg1[%get3A, %get3A_0] : memref<1024x4xf32, #tpu.memory_space<vmem>>, vector<1024x4xf32>
    %slice3A = vector.extract_strided_slice %get3A_1 {offsets = [0, 0], sizes = [1024, 2], strides = [1, 1]} : vector<1024x4xf32> to vector<1024x2xf32>
    %reduce_sum3A = arith.constant dense<0.000000e+00> : vector<1024xf32>
    %reduce_sum3A_2 = vector.multi_reduction <add>, %slice3A, %reduce_sum3A [1] : vector<1024x2xf32> to vector<1024xf32>
    %broadcast_in_dim3A = vector.shape_cast %reduce_sum3A_2 : vector<1024xf32> to vector<1024x1xf32>
    %slice3A_3 = vector.extract_strided_slice %get3A_1 {offsets = [0, 2], sizes = [1024, 2], strides = [1, 1]} : vector<1024x4xf32> to vector<1024x2xf32>
    %reduce_sum3A_4 = arith.constant dense<0.000000e+00> : vector<1024xf32>
    %reduce_sum3A_5 = vector.multi_reduction <add>, %slice3A_3, %reduce_sum3A_4 [1] : vector<1024x2xf32> to vector<1024xf32>
    %broadcast_in_dim3A_6 = vector.shape_cast %reduce_sum3A_5 : vector<1024xf32> to vector<1024x1xf32>
    %max3A = arith.constant 1.000000e+00 : f32
    %max3A_7 = vector.broadcast %max3A : f32 to vector<1024x1xf32>
    %max3A_8 = arith.maximumf %broadcast_in_dim3A, %max3A_7 : vector<1024x1xf32>
    %rsqrt3A = math.rsqrt %max3A_8 : vector<1024x1xf32>
    %max3A_9 = arith.constant 1.000000e+00 : f32
    %max3A_10 = vector.broadcast %max3A_9 : f32 to vector<1024x1xf32>
    %max3A_11 = arith.maximumf %broadcast_in_dim3A_6, %max3A_10 : vector<1024x1xf32>
    %rsqrt3A_12 = math.rsqrt %max3A_11 : vector<1024x1xf32>
    %get3A_13 = arith.constant 0 : index
    %get3A_14 = arith.constant 0 : index
    %get3A_15 = arith.constant 0 : index
    %get3A_16 = vector.load %arg2[%get3A_13, %get3A_14, %get3A_15] : memref<2x1024x128xf32, #tpu.memory_space<vmem>>, vector<1x1024x128xf32>
    %get3A_17 = vector.shape_cast %get3A_16 : vector<1x1024x128xf32> to vector<1024x128xf32>
    %get3A_18 = arith.constant 1 : index
    %get3A_19 = arith.constant 0 : index
    %get3A_20 = arith.constant 0 : index
    %get3A_21 = vector.load %arg2[%get3A_18, %get3A_19, %get3A_20] : memref<2x1024x128xf32, #tpu.memory_space<vmem>>, vector<1x1024x128xf32>
    %get3A_22 = vector.shape_cast %get3A_21 : vector<1x1024x128xf32> to vector<1024x128xf32>
    %add3A = arith.addf %get3A_17, %get3A_22 : vector<1024x128xf32>
    %mul3A = vector.broadcast %rsqrt3A_12 : vector<1024x1xf32> to vector<1024x128xf32>
    %mul3A_23 = arith.mulf %add3A, %mul3A : vector<1024x128xf32>
    %get3A_24 = arith.constant 0 : index
    %get3A_25 = arith.constant 0 : index
    %get3A_26 = vector.load %arg3[%get3A_24, %get3A_25] : memref<1x128xf32, #tpu.memory_space<vmem>>, vector<1x128xf32>
    %add3A_27 = vector.broadcast %get3A_26 : vector<1x128xf32> to vector<1024x128xf32>
    %add3A_28 = arith.addf %mul3A_23, %add3A_27 : vector<1024x128xf32>
    %max3A_29 = arith.constant 0.000000e+00 : f32
    %max3A_30 = vector.broadcast %max3A_29 : f32 to vector<1024x128xf32>
    %max3A_31 = arith.maximumf %add3A_28, %max3A_30 : vector<1024x128xf32>
    %get3A_32 = arith.constant 0 : index
    %get3A_33 = arith.constant 0 : index
    %get3A_34 = vector.load %arg4[%get3A_32, %get3A_33] : memref<128x16xf32, #tpu.memory_space<vmem>>, vector<128x16xf32>
    %dot_general3A = arith.constant dense<0.000000e+00> : vector<1024x16xf32>
    %dot_general3A_35 = tpu.matmul %max3A_31, %get3A_34, %dot_general3A {dimension_numbers = #tpu.dot_dimension_numbers<[1], [0], [0], [1], [0, 0, 1, 1], [], []>, transpose_lhs_hint = false} : vector<1024x128xf32>, vector<128x16xf32>, vector<1024x16xf32> -> vector<1024x16xf32>
    %mul3A_36 = vector.broadcast %rsqrt3A : vector<1024x1xf32> to vector<1024x16xf32>
    %mul3A_37 = arith.mulf %dot_general3A_35, %mul3A_36 : vector<1024x16xf32>
    %transpose3A = tpu.transpose %mul3A_37, [1, 0] : vector<1024x16xf32> -> vector<16x1024xf32>
    %swap3A = arith.constant 0 : index
    %swap3A_38 = arith.constant 0 : index
    %swap3A_39 = vector.load %arg5[%swap3A, %swap3A_38] : memref<16x1024xf32, #tpu.memory_space<vmem>>, vector<16x1024xf32>
    tpu.vector_store %arg5[%swap3A, %swap3A_38], %transpose3A {strides = array<i32>} : memref<16x1024xf32, #tpu.memory_space<vmem>>, vector<16x1024xf32>,
    return
  }
  func.func @transform_0(%arg0: i32) -> (i32, i32) {
    %c0_i32 = arith.constant 0 : i32
    %c0_i32_0 = arith.constant 0 : i32
    return %arg0, %c0_i32 : i32, i32
  }
  func.func @transform_1(%arg0: i32) -> (i32, i32, i32) {
    %c0_i32 = arith.constant 0 : i32
    %c0_i32_0 = arith.constant 0 : i32
    %c0_i32_1 = arith.constant 0 : i32
    return %c0_i32, %arg0, %c0_i32_0 : i32, i32, i32
  }
  func.func @transform_2(%arg0: i32) -> (i32, i32) {
    %c0_i32 = arith.constant 0 : i32
    %c0_i32_0 = arith.constant 0 : i32
    %c0_i32_1 = arith.constant 0 : i32
    return %c0_i32, %c0_i32_0 : i32, i32
  }
  func.func @transform_3(%arg0: i32) -> (i32, i32) {
    %c0_i32 = arith.constant 0 : i32
    %c0_i32_0 = arith.constant 0 : i32
    %c0_i32_1 = arith.constant 0 : i32
    return %c0_i32, %c0_i32_0 : i32, i32
  }
  func.func @transform_4(%arg0: i32) -> (i32, i32) {
    %c0_i32 = arith.constant 0 : i32
    %c0_i32_0 = arith.constant 0 : i32
    return %c0_i32, %arg0 : i32, i32
  }
}

module attributes {stable_mosaic.version = 14 : i64} {
  func.func @body(%arg0: i32, %arg1: memref<1024x4xf32, #tpu.memory_space<vmem>>, %arg2: memref<2x16x1x1024xf32, #tpu.memory_space<vmem>>, %arg3: memref<1x16xf32, #tpu.memory_space<vmem>>, %arg4: memref<1024x16xf32, #tpu.memory_space<vmem>>) attributes {dimension_semantics = [#tpu.dimension_semantics<arbitrary>], iteration_bounds = array<i64: 10>, scalar_prefetch = 0 : i64, scratch_operands = 0 : i64, tpu.core_type = #tpu.core_type<tc>, window_params = [{transform_indices = @transform_0, window_bounds = array<i64: 1024, 4>}, {transform_indices = @transform_1, window_bounds = array<i64: 2, 16, 1, 1024>}, {pipeline_mode = #tpu.pipeline_mode<synchronous>, transform_indices = @transform_2, window_bounds = array<i64: 1, 16>}, {transform_indices = @transform_3, window_bounds = array<i64: 1024, 16>}]} {
    %get3A = arith.constant 0 : index
    %get3A_0 = arith.constant 0 : index
    %get3A_1 = vector.load %arg1[%get3A, %get3A_0] : memref<1024x4xf32, #tpu.memory_space<vmem>>, vector<1024x4xf32>
    %slice3A = vector.extract_strided_slice %get3A_1 {offsets = [0, 2], sizes = [1024, 2], strides = [1, 1]} : vector<1024x4xf32> to vector<1024x2xf32>
    %reduce_sum3A = arith.constant dense<0.000000e+00> : vector<1024xf32>
    %reduce_sum3A_2 = vector.multi_reduction <add>, %slice3A, %reduce_sum3A [1] : vector<1024x2xf32> to vector<1024xf32>
    %broadcast_in_dim3A = vector.shape_cast %reduce_sum3A_2 : vector<1024xf32> to vector<1024x1xf32>
    %max3A = arith.constant 1.000000e+00 : f32
    %max3A_3 = vector.broadcast %max3A : f32 to vector<1024x1xf32>
    %max3A_4 = arith.maximumf %broadcast_in_dim3A, %max3A_3 : vector<1024x1xf32>
    %rsqrt3A = math.rsqrt %max3A_4 : vector<1024x1xf32>
    %get3A_5 = arith.constant 0 : index
    %get3A_6 = arith.constant 0 : index
    %get3A_7 = arith.constant 0 : index
    %get3A_8 = arith.constant 0 : index
    %get3A_9 = vector.load %arg2[%get3A_5, %get3A_6, %get3A_7, %get3A_8] : memref<2x16x1x1024xf32, #tpu.memory_space<vmem>>, vector<1x16x1x1024xf32>
    %get3A_10 = vector.shape_cast %get3A_9 : vector<1x16x1x1024xf32> to vector<16x1024xf32>
    %get3A_11 = arith.constant 1 : index
    %get3A_12 = arith.constant 0 : index
    %get3A_13 = arith.constant 0 : index
    %get3A_14 = arith.constant 0 : index
    %get3A_15 = vector.load %arg2[%get3A_11, %get3A_12, %get3A_13, %get3A_14] : memref<2x16x1x1024xf32, #tpu.memory_space<vmem>>, vector<1x16x1x1024xf32>
    %get3A_16 = vector.shape_cast %get3A_15 : vector<1x16x1x1024xf32> to vector<16x1024xf32>
    %add3A = arith.addf %get3A_10, %get3A_16 : vector<16x1024xf32>
    %transpose3A = tpu.transpose %add3A, [1, 0] : vector<16x1024xf32> -> vector<1024x16xf32>
    %mul3A = vector.broadcast %rsqrt3A : vector<1024x1xf32> to vector<1024x16xf32>
    %mul3A_17 = arith.mulf %transpose3A, %mul3A : vector<1024x16xf32>
    %get3A_18 = arith.constant 0 : index
    %get3A_19 = arith.constant 0 : index
    %get3A_20 = vector.load %arg3[%get3A_18, %get3A_19] : memref<1x16xf32, #tpu.memory_space<vmem>>, vector<1x16xf32>
    %add3A_21 = vector.broadcast %get3A_20 : vector<1x16xf32> to vector<1024x16xf32>
    %add3A_22 = arith.addf %mul3A_17, %add3A_21 : vector<1024x16xf32>
    %swap3A = arith.constant 0 : index
    %swap3A_23 = arith.constant 0 : index
    %swap3A_24 = vector.load %arg4[%swap3A, %swap3A_23] : memref<1024x16xf32, #tpu.memory_space<vmem>>, vector<1024x16xf32>
    tpu.vector_store %arg4[%swap3A, %swap3A_23], %add3A_22 {strides = array<i32>} : memref<1024x16xf32, #tpu.memory_space<vmem>>, vector<1024x16xf32>,
    return
  }
  func.func @transform_0(%arg0: i32) -> (i32, i32) {
    %c0_i32 = arith.constant 0 : i32
    %c0_i32_0 = arith.constant 0 : i32
    return %arg0, %c0_i32 : i32, i32
  }
  func.func @transform_1(%arg0: i32) -> (i32, i32, i32, i32) {
    %c0_i32 = arith.constant 0 : i32
    %c0_i32_0 = arith.constant 0 : i32
    %c0_i32_1 = arith.constant 0 : i32
    %c0_i32_2 = arith.constant 0 : i32
    return %c0_i32, %c0_i32_0, %c0_i32_1, %arg0 : i32, i32, i32, i32
  }
  func.func @transform_2(%arg0: i32) -> (i32, i32) {
    %c0_i32 = arith.constant 0 : i32
    %c0_i32_0 = arith.constant 0 : i32
    %c0_i32_1 = arith.constant 0 : i32
    return %c0_i32, %c0_i32_0 : i32, i32
  }
  func.func @transform_3(%arg0: i32) -> (i32, i32) {
    %c0_i32 = arith.constant 0 : i32
    %c0_i32_0 = arith.constant 0 : i32
    return %arg0, %c0_i32 : i32, i32
  }
}

</mosaic_0001>

<sc_bundles>
// kernel: kernel.11.cloned.1.call-start
scs
__scs_entry_jumppad:
0x0: {  	(pc) =	sbr.rel $0x88, $3  }
0x1: {  	(tag) =	ssettag $0x0;
	lr =	simm.s32 $0x1  }
0x2: {  	[smem:$0x3F9B] =	sst lr;
	_ =	strace $0xD0000000  }
0x3: {  	_ = 	snop  }
0x4: {  	_ = 	snop  }
0x5: {  	_ = 	snop  }
0x6: {  	_ = 	snop  }
0x7: {  	_ = 	snop  }
__scs_overlays_trampoline_lowered:
0x8: {  	[smem:$0x3FAA] =	sst s0  }
0x9: {  	[smem:$0x3FAB] =	sst s1  }
0xa: {  	[smem:$0x3FAC] =	sst s2  }
0xb: {  	[smem:$0x3FAD] =	sst s3  }
0xc: {  	[smem:$0x3FAE] =	sst s4  }
0xd: {  	[smem:$0x3FAF] =	sst s5  }
0xe: {  	[smem:$0x3FB0] =	sst s6  }
0xf: {  	[smem:$0x3FB1] =	sst s7  }
0x10: {  	[smem:$0x3FB2] =	sst s8  }
0x11: {  	[smem:$0x3FB3] =	sst s9;
	s0 =	simm.s32 @!p0 $0x0  }
0x12: {  	s1 =	sld [smem:$0x3F99];
	s0 =	simm.s32 @p0 $0x1  }
0x13: {  	[smem:$0x3FB4] =	sst s0;
	s0 =	simm.s32 @!p1 $0x0  }
0x14: {  	s2 =	sld [smem:$0x3F98];
	s0 =	simm.s32 @p1 $0x1  }
0x15: {  	[smem:$0x3FB5] =	sst s0;
	s0 =	simm.s32 @!p2 $0x0  }
0x16: {  	s3 =	sld [smem:$0x3FDB];
	s0 =	simm.s32 @p2 $0x1  }
0x17: {  	s4 =	simm.s32 $0x1BF5;
	[smem:$0x3FB7] =	sst s0  }
0x18: {  	s0 =	sld [smem:$0x3F9A];
	_ =	swait.ge [sflag:s4], $0x0  }
0x19: {  	s7 =	sld [smem:$0x3F9B]  }
0x1a: {  	s8 =	sadd.s32 $0xFFFFE003, lr  }
0x1b: {  	s9 =	sadd.s32 $0xFFFFFEF7, lr;
	s5 =	simm.s32 $0xFFFFFFFF;
	p2 =	slt.u32 s8, $0xFFFFF086  }
0x1c: {  	p1 =	slt.u32 s9, $0xF7A;
	s5 =	simm.s32 @!p2 $0x0  }
0x1d: {  	s5 =	simm.s32 @p1 $0x1;
	p0 =	seq.s32 s7, s2  }
0x1e: {  	s7 =	smul.u32 @!p0 $0xF7A, s2;
	p2 =	seq.s32 @!p0 s5, $0x0  }
0x1f: {  	s9 =	smul.u32 $0xF7A, s1;
	s8 =	simm.s32 @!p0 $0x1BF5;
	p2 =	por !p2, p0  }
0x20: {  	[sflag:s8] =	ssyncset.s32 @!p0 $0xFFFFF086;
	s6 =	sadd.s32 @!p0 s3, s7;
	s7 =	simm.s32 @!p0 $0x108  }
0x21: {  	s3 =	sadd.s32 s3, s9;
	s6 =	sadd.s32 @!p0 $0x88, s6;
	s7 =	simm.s32 @p2 $0x1082  }
0x22: {  	[simem:s7], [sflag:s8] =	dma.local @!p0 [hbm:s6], $0xF7A  }
0x23: {  	s9 =	sor.u32 $0xD0000000, s2;
	s6 =	simm.s32 $0x108;
	_ =	swait.ge @!p0 [sflag:s8], $0x0  }
0x24: {  	s3 =	sadd.s32 $0x88, s3;
	s6 =	simm.s32 @!p1 $0x1082;
	[sflag:s4] =	ssyncset.s32 $0xFFFFF086  }
0x25: {  	[simem:s6], [sflag:s4] =	dma.local [hbm:s3], $0xF7A  }
0x26: {  	[smem:$0x3F9B] =	sst s1;
	(tag) =	ssettag s2;
	_ =	strace s9  }
0x27: {  	s1 =	sld [smem:$0x3FAB]  }
0x28: {  	s2 =	sld [smem:$0x3FAC]  }
0x29: {  	s4 =	sld [smem:$0x3FAE]  }
0x2a: {  	p0 =	seq.s32 s5, $0x0;
	s5 =	sld [smem:$0x3FAF]  }
0x2b: {  	s6 =	sld [smem:$0x3FB0]  }
0x2c: {  	s7 =	sld [smem:$0x3FB1]  }
0x2d: {  	s3 =	simm.s32 $0x108;
	s8 =	sld [smem:$0x3FB2]  }
0x2e: {  	s3 =	simm.s32 @!p0 $0x1082;
	s9 =	sld [smem:$0x3FB3]  }
0x2f: {  	lr =	sadd.s32 s0, s3;
	s0 =	sld [smem:$0x3FAA]  }
0x30: {  	s3 =	sld [smem:$0x3FAD]  }
0x31: {  	[smem:$0x3FB6] =	sst s10  }
0x32: {  	s10 =	sld [smem:$0x3FB4];
	_ =	sdelay $0x3  }
0x33: {  	p0 =	seq.s32 s10, $0x1;
	s10 =	sld [smem:$0x3FB6];
	_ =	sdelay $0x3  }
0x34: {  	[smem:$0x3FB6] =	sst s10  }
0x35: {  	s10 =	sld [smem:$0x3FB5];
	_ =	sdelay $0x3  }
0x36: {  	p1 =	seq.s32 s10, $0x1;
	s10 =	sld [smem:$0x3FB6];
	_ =	sdelay $0x3  }
0x37: {  	[smem:$0x3FB6] =	sst s10  }
0x38: {  	s10 =	sld [smem:$0x3FB7]  }
0x39: {  	_ = 	snop;
	(pc) =	sbr.ind lr, $3  }
0x3a: {  	_ = 	snop  }
0x3b: {  	_ = 	snop  }
0x3c: {  	p2 =	seq.s32 s10, $0x1;
	s10 =	sld [smem:$0x3FB6]  }
0x3d: {  	_ =	shalt  }
0x3e: {  	_ =	shalt  }
0x3f: {  	_ =	shalt  }
0x40: {  	_ =	shalt  }
0x41: {  	_ =	shalt  }
0x42: {  	_ =	shalt  }
0x43: {  	_ =	shalt  }
0x44: {  	_ =	shalt  }
0x45: {  	_ =	shalt  }
0x46: {  	_ =	shalt  }
0x47: {  	_ =	shalt  }
0x48: {  	_ =	shalt  }
0x49: {  	_ =	shalt  }
0x4a: {  	_ =	shalt  }
0x4b: {  	_ =	shalt  }
0x4c: {  	_ =	shalt  }
0x4d: {  	_ =	shalt  }
0x4e: {  	_ =	shalt  }
0x4f: {  	_ =	shalt  }
0x50: {  	_ =	shalt  }
0x51: {  	_ =	shalt  }
0x52: {  	_ =	shalt  }
0x53: {  	_ =	shalt  }
0x54: {  	_ =	shalt  }
0x55: {  	_ =	shalt  }
0x56: {  	_ =	shalt  }
0x57: {  	_ =	shalt  }
0x58: {  	_ =	shalt  }
0x59: {  	_ =	shalt  }
0x5a: {  	_ =	shalt  }
0x5b: {  	_ =	shalt  }
0x5c: {  	_ =	shalt  }
0x5d: {  	_ =	shalt  }
0x5e: {  	_ =	shalt  }
0x5f: {  	_ =	shalt  }
0x60: {  	_ =	shalt  }
0x61: {  	_ =	shalt  }
0x62: {  	_ =	shalt  }
0x63: {  	_ =	shalt  }
0x64: {  	_ =	shalt  }
0x65: {  	_ =	shalt  }
0x66: {  	_ =	shalt  }
0x67: {  	_ =	shalt  }
0x68: {  	_ =	shalt  }
0x69: {  	_ =	shalt  }
0x6a: {  	_ =	shalt  }
0x6b: {  	_ =	shalt  }
0x6c: {  	_ =	shalt  }
0x6d: {  	_ =	shalt  }
0x6e: {  	_ =	shalt  }
0x6f: {  	_ =	shalt  }
0x70: {  	_ =	shalt  }
0x71: {  	_ =	shalt  }
0x72: {  	_ =	shalt  }
0x73: {  	_ =	shalt  }
0x74: {  	_ =	shalt  }
0x75: {  	_ =	shalt  }
0x76: {  	_ =	shalt  }
0x77: {  	_ =	shalt  }
0x78: {  	_ =	shalt  }
0x79: {  	_ =	shalt  }
0x7a: {  	_ =	shalt  }
0x7b: {  	_ =	shalt  }
0x7c: {  	_ =	shalt  }
0x7d: {  	_ =	shalt  }
0x7e: {  	_ =	shalt  }
0x7f: {  	_ =	shalt  }
0x80: {  	_ =	shalt  }
0x81: {  	_ =	shalt  }
0x82: {  	_ =	shalt  }
0x83: {  	_ =	shalt  }
0x84: {  	_ =	shalt  }
0x85: {  	_ =	shalt  }
0x86: {  	_ =	shalt  }
0x87: {  	_ =	shalt  }
.Lfunc_end0:
.L_simem_size_0:
called_computation.1_lowered:
.L_overlay_start_0:
0x88: {  	s2 =	sld [smem:$0x3FD9]  }
0x89: {  	s3 =	sld [smem:$0x3FFE];
	_ =	sdelay $0x1  }
0x8a: {  	s1 =	srdreg.scid  }
0x8b: {  	s0 =	sand.u32 $0x1, s1  }
0x8c: {  	s16 =	sshll.u32 s0, $0xA;
	s2 =	sadd.s32 s3, s2  }
0x8d: {  	s2 =	sadd.s32 s2, s16  }
0x8e: {  	[smem:$0x3FC2] =	sst s2  }
0x8f: {  	_ = 	snop  }
0x90: {  	(tm) =	ssettm $0x1  }
0x91: {  	s17 =	sld [smem:$0x3FFB];
	_ =	sdelay $0x3  }
0x92: {  	_ =	strace s17  }
0x93: {  	s2 =	sld [smem:$0x3FFC];
	_ =	sdelay $0x3  }
0x94: {  	_ =	strace s2  }
0x95: {  	s2 =	sld [smem:$0x3FFD];
	_ =	sdelay $0x3  }
0x96: {  	_ =	strace s2  }
0x97: {  	_ =	strace $0x8FFFFFFF  }
0x98: {  	s18 =	sld [smem:$0x3FDB];
	_ =	sdelay $0x1  }
0x99: {  	s19 =	simm.s32 $_scs_section_size  }
0x9a: {  	s4 =	simm.s32 $_size__tile_overlayer_lowered;
	s5 =	simm.s32 $_tile_overlayer_lowered  }
0x9b: {  	s22 =	simm.s32 $0x1BFF;
	s21 =	sshll.u32 s5, $0x1;
	s2 =	sadd.s32 s19, s18  }
0x9c: {  	s6 =	simm.s32 $0x0;
	s20 =	sshll.u32 s4, $0x1;
	s4 =	sadd.s32 s21, s2  }
0x9d: {  	[timem:s6], [sflag:s22] =	dma.local [hbm:s4], s20  }
0x9e: {  	_ =	swait.ge [sflag:s22], s20  }
0x9f: {  	s3 =	ssub.s32 $0x0, s20;
	[sflag:s22] =	ssyncset.done $0x0  }
0xa0: {  	[sflag:s22] =	ssyncadd.s32 s3;
	_ =	sdelay $0x1  }
0xa1: {  	s23 =	simm.s32 $0x1B8B  }
0xa2: {  	_ =	swait.ge [sflag:s23], $0x1  }
0xa3: {  	[sflag:s23] =	ssyncset.done $0x0  }
0xa4: {  	s25 =	simm.s32 $0x1B8E;
	s24 =	sld [smem:$0x3FFE];
	[sflag:s23] =	ssyncadd.s32 $0xFFFFFFFF  }
0xa5: {  	s26 =	simm.s32 $execute0_lowered;
	[smem:$0x3FD2] =	sst s25  }
0xa6: {  	s4 =	sshll.u32 s26, $0x1;
	_ =	strace $0x80000049;
	[dreg:$0x1] =	wrdreg $0xFFFFFFFF  }
0xa7: {  	s28 =	simm.s32 $_size_execute0_lowered;
	s2 =	sadd.s32 s2, s4;
	[dreg:$0x0] =	wrdreg $0x0  }
0xa8: {  	s4 =	sshll.u32 s28, $0x1;
	[dreg:$0x2] =	wrdreg s2  }
0xa9: {  	[dreg:$0x3] =	wrdreg s4  }
0xaa: {  	[dreg:$0x4] =	wrdreg $0xC0  }
0xab: {  	_ =	task [dreg:s6], $0x5FFFF  }
0xac: {  	[dreg:$0x1] =	wrdreg $0xFFFFFFFF  }
0xad: {  	[dreg:$0x0] =	wrdreg $0x60  }
0xae: {  	[dreg:$0x2] =	wrdreg s24  }
0xaf: {  	[dreg:$0x3] =	wrdreg $0x98000  }
0xb0: {  	[dreg:$0x4] =	wrdreg $0x9  }
0xb1: {  	_ =	task.clear_ibuf [dreg:s6], $0x5FFFF;
	_ =	strace $0x90000049  }
0xb2: {  	s29 =	simm.s32 $0x9;
	_ =	strace $0x8000004B  }
0xb3: {  	_ =	swait.ge [sflag:s29], $0x1  }
0xb4: {  	[sflag:s29] =	ssyncadd.s32 $0xFFFFFFFF  }
0xb5: {  	_ =	strace $0x9000004B  }
0xb6: {  	_ =	sfence  }
0xb7: {  	s30 =	sld [smem:$0x0];
	_ =	sdelay $0x2  }
0xb8: {  	s31 =	sshll.u32 s1, $0xD;
	s1 =	sshrl.u32 s1, $0x2  }
0xb9: {  	s3 =	sand.u32 $0x4000, s31;
	s1 =	sadd.s32 s1, s30  }
0xba: {  	s0 =	sor.u32 s3, s0;
	s1 =	sshll.u32 s1, $0x11  }
0xbb: {  	s0 =	sor.u32 s1, s0  }
0xbc: {  	s0 =	sadd.s32 $0x8F2B, s0  }
0xbd: {  	[sflag:s0] =	ssyncadd.remote.s32 $0x1  }
0xbe: {  	_ =	sfence.sel $0xFFFF  }
0xbf: {  	[dreg:$0x0] =	wrdreg $0xFFFFFFFF;
	(pc) =	sbr.abs _section_cstart, $3  }
0xc0: {  	[dreg:$0x1] =	wrdreg $0xFFFFFFFF  }
0xc1: {  	_ =	task.clear_ibuf [dreg:s6], $0x2FFFF;
	_ =	strace $0x9FFFFFFF  }
0xc2: {  	(tm) =	ssettm $0x7FFFFFFF  }
0xc3: {  	_ =	shalt  }
tec
execute0_lowered:
.L_overlay_start_1:
0x0: {  	(tag) =	ssettag $0x1  }
0x1: {  	s0 =	rddreg [dreg:$0x0]  }
0x2: {  	s1 =	rddreg [dreg:$0x1];
	s2 =	srdreg.scid  }
0x3: {  	s4 =	simm.s32 $0x0;
	s8 =	stileid.u32;
	s17 =	simm.s32 $0x2000  }
0x4: {  	s18 =	simm.s32 $0x7;
	s19 =	simm.s32 $0x50;
	s20 =	simm.s32 $0x80  }
0x5: {  	s21 =	simm.s32 $0x4800;
	s22 =	simm.s32 $0x3;
	s28 =	simm.s32 $0x2  }
0x6: {  	s29 =	simm.s32 $0x1;
	s30 =	simm.s32 $0x0;
	s31 =	simm.s32 $0x0  }
0x7: {  	s2 =	sand.u32 $0x1, s2;
	[smem:$0x7FF] =	sst s4;
	s6 =	smul.u32 $0x14000, s8  }
0x8: {  	s4 =	sadd.s32 $0x15C00, s0;
	s5 =	sadd.s32 $0x3DC00, s0;
	s7 =	smul.u32 $0x50000, s8  }
0x9: {  	s3 =	smul.u32 $0x140000, s2;
	_ =	strace $0x8000004A;
	s23 =	ssub.s32 $0x2, s2  }
0xa: {  	s2 =	sshll.u32 s2, $0x4;
	s24 =	sshrl.u32 s23, $0x1;
	s7 =	sshrl.u32 s7, $0x2  }
0xb: {  	s2 =	sor.u32 s8, s2;
	s3 =	sadd.s32 s6, s3;
	s8 =	sadd.s32 s7, s1  }
0xc: {  	s6 =	smul.u32 $0x5000, s2;
	s3 =	sshrl.u32 s3, $0x3;
	s26 =	sadd.s32 $0x2800, s8  }
0xd: {  	s11 =	sadd.s32 $0x5000, s8;
	s12 =	sadd.s32 $0x7800, s8;
	s13 =	sadd.s32 $0xA000, s8  }
.Ltmp0:
0xe: {  	s14 =	sadd.s32 $0xC800, s8;
	s15 =	sadd.s32 $0xF000, s8;
	(pc) =	sbr.rel .LBB2_1-.Ltmp0, $4  }
0xf: {  	s16 =	sadd.s32 $0x11800, s8;
	s0 =	sadd.s32 s3, s0;
	s3 =	ssub.s32 s23, s24  }
0x10: {  	[dreg:$0x5] =	wrdreg s26;
	s23 =	simm.s32 $0x7000;
	s0 =	sadd.s32 $0x64E00, s0  }
0x11: {  	s24 =	simm.s32 $0x5;
	s25 =	smax.u32 s3, $0x1;
	[dreg:$0x3] =	wrdreg s0  }
0x12: {  	v0 =	vimm.f32 $0.0e+00;
	s26 =	simm.s32 $0x4;
	[dreg:$0x4] =	wrdreg s25;
	s25 =	simm.s32 $0x6  }
.LBB2_12:
0x13: {  	s0 =	stileid.u32  }
0x14: {  	[bflag:$0x0] =	sbarrier.arrive $0xFFFF;
	s0 =	sshll.u32 s0, $0x6  }
0x15: {  	s2 =	sshrl.u32 s8, $0x3;
	s3 =	rddreg [dreg:$0x3];
	s0 =	sor.u32 $0x1C07, s0  }
0x16: {  	[hbm:s3], [sflag:s0] =	dma.local [spmem:s2], $0x2800  }
0x17: {  	_ =	swait.ge [sflag:s18], $0x2800  }
0x18: {  	s30 =	sadd.s32 $0x1, s30;
	s10 =	rddreg [dreg:$0x4]  }
0x19: {  	p0 =	sne.s32 s30, s10  }
.Ltmp1:
0x1a: {  	_ = 	snop;
	(pc) =	sbr.rel @!p0 .LBB2_13-.Ltmp1, $3  }
0x1b: {  	_ =	sdelay $0x1  }
0x1c: {  	[sflag:s18] =	ssyncset.done $0x0  }
0x1d: {  	[sflag:s18] =	ssyncadd.s32 $0xFFFFD800  }
.LBB2_1:
0x1e: {  	s2 =	simm.s32 $0x0  }
0x1f: {  	s0 =	sand.u32 $0xFE00, s2  }
0x20: {  	s2 =	sand.u32 $0x70, s2;
	s3 =	sshrl.u32 s0, $0x2  }
0x21: {  	s0 =	simm.s32 $0x40;
	s3 =	sor.u32 s2, s3;
	s2 =	simm.s32 $0x0  }
.LBB2_2:
0x22: {  	p0 =	sne.s32 s0, $0x9FC0  }
0x23: {  	[tilespmem:s3+$0x2000] =	vst v0;
	s2 =	sadd.s32 $0x10, s2;
	s3 =	smov.u32 s0;
	s0 =	sadd.s32 $0x40, s0  }
.Ltmp2:
0x24: {  	(pc) =	sbr.rel @p0 .LBB2_2-.Ltmp2, $4  }
0x25: {  	_ = 	snop  }
0x26: {  	s3 =	sand.u32 $0xFE00, s3  }
0x27: {  	s7 =	sand.u32 $0x70, s2;
	s3 =	sshrl.u32 s3, $0x2  }
0x28: {  	s3 =	sor.u32 s7, s3  }
0x29: {  	[tilespmem:s3+$0x2000] =	vst v0  }
0x2a: {  	[spmem:s8] =	stream.linear.scatter [tilespmem:s17], [sflag:$0x7], $0x2800, $0x38;
	[tilespmem:$0x1D800] =	vst v63  }
0x2b: {  	_ =	swait.ge [sflag:s18], $0x2800  }
0x2c: {  	[sflag:s18] =	ssyncset.done $0x0  }
0x2d: {  	s0 =	rddreg [dreg:$0x5];
	[sflag:s18] =	ssyncadd.s32 $0xFFFFD800  }
0x2e: {  	[spmem:s0] =	stream.linear.scatter [tilespmem:s17], [sflag:$0x7], $0x2800, $0x38;
	[tilespmem:$0x1D800] =	vst v63  }
0x2f: {  	_ =	swait.ge [sflag:s18], $0x2800  }
0x30: {  	[sflag:s18] =	ssyncset.done $0x0  }
0x31: {  	[sflag:s18] =	ssyncadd.s32 $0xFFFFD800  }
0x32: {  	[spmem:s11] =	stream.linear.scatter [tilespmem:s17], [sflag:$0x7], $0x2800, $0x38;
	[tilespmem:$0x1D800] =	vst v63  }
0x33: {  	_ =	swait.ge [sflag:s18], $0x2800  }
0x34: {  	[sflag:s18] =	ssyncset.done $0x0  }
0x35: {  	[sflag:s18] =	ssyncadd.s32 $0xFFFFD800  }
0x36: {  	[spmem:s12] =	stream.linear.scatter [tilespmem:s17], [sflag:$0x7], $0x2800, $0x38;
	[tilespmem:$0x1D800] =	vst v63  }
0x37: {  	_ =	swait.ge [sflag:s18], $0x2800  }
0x38: {  	[sflag:s18] =	ssyncset.done $0x0  }
0x39: {  	[sflag:s18] =	ssyncadd.s32 $0xFFFFD800  }
0x3a: {  	[spmem:s13] =	stream.linear.scatter [tilespmem:s17], [sflag:$0x7], $0x2800, $0x38;
	[tilespmem:$0x1D800] =	vst v63  }
0x3b: {  	_ =	swait.ge [sflag:s18], $0x2800  }
0x3c: {  	[sflag:s18] =	ssyncset.done $0x0  }
0x3d: {  	[sflag:s18] =	ssyncadd.s32 $0xFFFFD800  }
0x3e: {  	[spmem:s14] =	stream.linear.scatter [tilespmem:s17], [sflag:$0x7], $0x2800, $0x38;
	[tilespmem:$0x1D800] =	vst v63  }
0x3f: {  	_ =	swait.ge [sflag:s18], $0x2800  }
0x40: {  	[sflag:s18] =	ssyncset.done $0x0  }
0x41: {  	[sflag:s18] =	ssyncadd.s32 $0xFFFFD800  }
0x42: {  	[spmem:s15] =	stream.linear.scatter [tilespmem:s17], [sflag:$0x7], $0x2800, $0x38;
	[tilespmem:$0x1D800] =	vst v63  }
0x43: {  	_ =	swait.ge [sflag:s18], $0x2800  }
0x44: {  	[sflag:s18] =	ssyncset.done $0x0  }
0x45: {  	[sflag:s18] =	ssyncadd.s32 $0xFFFFD800  }
0x46: {  	[spmem:s16] =	stream.linear.scatter [tilespmem:s17], [sflag:$0x7], $0x2800, $0x38;
	[tilespmem:$0x1D800] =	vst v63  }
.Ltmp3:
0x47: {  	_ =	swait.ge [sflag:s18], $0x2800;
	(pc) =	sbr.rel .LBB2_4-.Ltmp3, $4  }
0x48: {  	[sflag:s18] =	ssyncset.done $0x0  }
0x49: {  	[sflag:s18] =	ssyncadd.s32 $0xFFFFD800  }
0x4a: {  	[bflag:$0x0] =	sbarrier.arrive $0xFFFF  }
0x4b: {  	s0 =	simm.s32 $0x0  }
.LBB2_11:
0x4c: {  	_ =	swait.ge [sflag:s24], $0x2800  }
0x4d: {  	[sflag:s24] =	ssyncset.done $0x0  }
0x4e: {  	s0 =	sadd.s32 $0x1, s0;
	[sflag:s24] =	ssyncadd.s32 $0xFFFFD800  }
0x4f: {  	p0 =	sne.s32 s0, $0x5;
	_ =	swait.ge [sflag:s25], $0x2800  }
.Ltmp4:
0x50: {  	[sflag:s25] =	ssyncset.done $0x0;
	(pc) =	sbr.rel @!p0 .LBB2_12-.Ltmp4, $4  }
0x51: {  	[sflag:s25] =	ssyncadd.s32 $0xFFFFD800  }
0x52: {  	_ =	swait.ge [sflag:s26], $0x2800  }
0x53: {  	[sflag:s26] =	ssyncset.done $0x0  }
0x54: {  	[sflag:s26] =	ssyncadd.s32 $0xFFFFD800  }
.LBB2_4:
0x55: {  	s2 =	sshll.u32 s0, $0xC  }
0x56: {  	s2 =	sadd.s32 s6, s2  }
0x57: {  	s2 =	sshrl.u32 s2, $0x3  }
0x58: {  	s2 =	sadd.s32 s4, s2  }
0x59: {  	[tilespmem:s31], [sflag:$0x7] =	stream.linear.gather [hbm4b:s2+s31], $0xC80, $0x38;
	[tilespmem:$0x1D800] =	vst v63  }
0x5a: {  	_ =	swait.ge [sflag:s18], $0xC80  }
0x5b: {  	[sflag:s18] =	ssyncset.done $0x0  }
0x5c: {  	s3 =	sadd.s32 $0x14000, s2;
	s2 =	simm.s32 $0x1000;
	[sflag:s18] =	ssyncadd.s32 $0xFFFFF380  }
0x5d: {  	[tilespmem:s2], [sflag:$0x7] =	stream.linear.gather [hbm4b:s3+s31], $0xC80, $0x38;
	[tilespmem:$0x1D800] =	vst v63  }
0x5e: {  	_ =	swait.ge [sflag:s18], $0xC80  }
.Ltmp5:
0x5f: {  	[sflag:s18] =	ssyncset.done $0x0;
	(pc) =	sbr.rel .LBB2_5-.Ltmp5, $4  }
0x60: {  	[sflag:s18] =	ssyncadd.s32 $0xFFFFF380  }
0x61: {  	[tilespmem:s17], [sflag:$0x1] =	stream.indirect.gather [hbm4b:s5+s19], $0x80, s31, s19, $0xb8;
	[tilespmem:$0x1D800] =	vst v63  }
0x62: {  	s7 =	simm.s32 $0x0;
	s3 =	simm.s32 $0x100  }
0x63: {  	[tilespmem:s21], [sflag:$0x2] =	stream.indirect.gather [hbm4b:s5+s19], $0x80, s20, s19, $0xb8;
	[tilespmem:$0x1D800] =	vst v63  }
.LBB2_9:
0x64: {  	_ =	swait.ge [sflag:s22], $0x2800  }
0x65: {  	p0 =	sgt.u32 s7, $0x16;
	[sflag:s22] =	ssyncset.done $0x0  }
0x66: {  	s9 =	simm.s32 @!p0 $0x5;
	[sflag:s22] =	ssyncadd.s32 $0xFFFFD800  }
0x67: {  	[spmem:s1] =	stream.indirect.scatter.add.f32 [tilespmem:s23], [sflag:$0x6], $0x80, s2, s19, $0xb8;
	[tilespmem:$0x1D800] =	vst v63  }
0x68: {  	_ =	swait.ge @!p0 [sflag:s9], $0x2800  }
0x69: {  	[sflag:s9] =	ssyncset.done @!p0 $0x0  }
0x6a: {  	s10 =	simm.s32 @!p0 $0x4800;
	[sflag:s9] =	ssyncadd.s32 @!p0 $0xFFFFD800;
	s9 =	simm.s32 @!p0 $0x50  }
0x6b: {  	[tilespmem:s10], [sflag:$0x2] =	stream.indirect.gather @!p0 [hbm4b:s5+s9], $0x80, s3, s9, $0xb8;
	[tilespmem:$0x1D800] =	vst v63  }
.LBB2_10:
0x6c: {  	s7 =	sadd.s32 $0x1, s7  }
0x6d: {  	p0 =	sne.s32 s7, $0x19  }
.Ltmp6:
0x6e: {  	_ = 	snop;
	(pc) =	sbr.rel @!p0 .LBB2_11-.Ltmp6, $2  }
0x6f: {  	_ =	sdelay $0x2  }
0x70: {  	s3 =	sadd.s32 $0x80, s3;
	s2 =	sadd.s32 $0x80, s2  }
.LBB2_5:
0x71: {  	s9 =	smul.u32 $0xAB, s7;
	_ =	sdelay $0x1  }
0x72: {  	s9 =	sshrl.u32 s9, $0x9  }
0x73: {  	s9 =	sand.u32 $0x7F, s9  }
0x74: {  	s9 =	smul.u32 $0x3, s9;
	_ =	sdelay $0x1  }
0x75: {  	s9 =	ssub.s32 s7, s9  }
0x76: {  	s9 =	sand.u32 $0xFF, s9  }
0x77: {  	p0 =	seq.s32 s9, $0x2  }
.Ltmp7:
0x78: {  	_ = 	snop;
	(pc) =	sbr.rel @p0 .LBB2_9-.Ltmp7, $1  }
0x79: {  	_ =	sdelay $0x3  }
0x7a: {  	p0 =	seq.s32 s9, $0x1  }
.Ltmp8:
0x7b: {  	_ = 	snop;
	(pc) =	sbr.rel @!p0 .LBB2_7-.Ltmp8, $1  }
0x7c: {  	_ =	sdelay $0x3  }
0x7d: {  	_ =	swait.ge [sflag:s28], $0x2800  }
0x7e: {  	[sflag:s28] =	ssyncset.done $0x0  }
0x7f: {  	p0 =	sgt.u32 s7, $0x16;
	[sflag:s28] =	ssyncadd.s32 $0xFFFFD800  }
0x80: {  	[spmem:s1] =	stream.indirect.scatter.add.f32 [tilespmem:s21], [sflag:$0x5], $0x80, s2, s19, $0xb8;
	[tilespmem:$0x1D800] =	vst v63  }
.Ltmp9:
0x81: {  	s9 =	simm.s32 @!p0 $0x4;
	(pc) =	sbr.rel .LBB2_10-.Ltmp9, $4  }
0x82: {  	_ =	swait.ge @!p0 [sflag:s9], $0x2800  }
0x83: {  	[sflag:s9] =	ssyncset.done @!p0 $0x0  }
0x84: {  	s10 =	simm.s32 @!p0 $0x2000;
	[sflag:s9] =	ssyncadd.s32 @!p0 $0xFFFFD800;
	s9 =	simm.s32 @!p0 $0x50  }
0x85: {  	[tilespmem:s10], [sflag:$0x1] =	stream.indirect.gather @!p0 [hbm4b:s5+s9], $0x80, s3, s9, $0xb8;
	[tilespmem:$0x1D800] =	vst v63  }
.LBB2_7:
0x86: {  	_ =	swait.ge [sflag:s29], $0x2800;
	p0 =	sgt.u32 s7, $0x16  }
0x87: {  	[sflag:s29] =	ssyncset.done $0x0;
	p1 =	seq.s32 @!p0 s7, $0x0  }
0x88: {  	[sflag:s29] =	ssyncadd.s32 $0xFFFFD800;
	p1 =	por p1, p0  }
0x89: {  	[spmem:s1] =	stream.indirect.scatter.add.f32 [tilespmem:s17], [sflag:$0x4], $0x80, s2, s19, $0xb8;
	[tilespmem:$0x1D800] =	vst v63  }
.Ltmp10:
0x8a: {  	s9 =	simm.s32 @!p1 $0x6;
	(pc) =	sbr.rel .LBB2_10-.Ltmp10, $4  }
0x8b: {  	_ =	swait.ge @!p1 [sflag:s9], $0x2800  }
0x8c: {  	[sflag:s9] =	ssyncset.done @!p1 $0x0  }
0x8d: {  	s10 =	simm.s32 @!p0 $0x7000;
	[sflag:s9] =	ssyncadd.s32 @!p1 $0xFFFFD800;
	s9 =	simm.s32 @!p0 $0x50  }
0x8e: {  	[tilespmem:s10], [sflag:$0x3] =	stream.indirect.gather @!p0 [hbm4b:s5+s9], $0x80, s3, s9, $0xb8;
	[tilespmem:$0x1D800] =	vst v63  }
.LBB2_13:
0x8f: {  	_ =	sfence.sel $0x180000  }
0x90: {  	[bflag:$0x0] =	sbarrier.arrive $0xFFFF  }
0x91: {  	_ =	strace $0x9000004A  }
0x92: {  	s0 =	stileid.u32;
	[bflag:$0x2] =	sbarrier.arrive $0xFFFF  }
0x93: {  	p0 =	sne.s32 s0, $0x0;
	s0 =	rddreg [dreg:$0x2]  }
0x94: {  	s0 =	sadd.s32 @!p0 $0x100000, s0  }
0x95: {  	[sflag:s0] =	ssyncadd.tile.s32 @!p0 $0x1;
	_ =	shalt  }
.Lfunc_end2:
_tile_overlayer_lowered:
.L_overlay_start_2:
0x96: {  	(tag) =	ssettag $0x2  }
0x97: {  	s0 =	rddreg [dreg:$0x0];
	s2 =	stileid.u32  }
0x98: {  	s1 =	rddreg [dreg:$0x1];
	p0 =	sne.s32 s2, $0x0  }
0x99: {  	s3 =	rddreg [dreg:$0x2];
	[bflag:$0x3] =	sbarrier.arrive $0xFFFF;
	s2 =	simm.s32 @!p0 $0x1C07  }
0x9a: {  	[timem:s3], [sflag:s2] =	dma.local @!p0 [hbm:s0], s1  }
0x9b: {  	s0 =	simm.s32 @!p0 $0x7  }
0x9c: {  	_ =	swait.ge @!p0 [sflag:s0], s1  }
0x9d: {  	s1 =	ssub.s32 @!p0 $0x0, s1;
	[sflag:s0] =	ssyncset.done @!p0 $0x0  }
0x9e: {  	[sflag:s0] =	ssyncadd.s32 @!p0 s1  }
0x9f: {  	[bflag:$0x3] =	sbarrier.arrive $0xFFFF  }
0xa0: {  	_ =	shalt  }

// kernel: kernel.14.cloned.1.call-start
scs
__scs_entry_jumppad:
0x0: {  	(pc) =	sbr.rel $0x88, $3  }
0x1: {  	(tag) =	ssettag $0x0;
	lr =	simm.s32 $0x1  }
0x2: {  	[smem:$0x3F9B] =	sst lr;
	_ =	strace $0xD0000000  }
0x3: {  	_ = 	snop  }
0x4: {  	_ = 	snop  }
0x5: {  	_ = 	snop  }
0x6: {  	_ = 	snop  }
0x7: {  	_ = 	snop  }
__scs_overlays_trampoline_lowered:
0x8: {  	[smem:$0x3FAA] =	sst s0  }
0x9: {  	[smem:$0x3FAB] =	sst s1  }
0xa: {  	[smem:$0x3FAC] =	sst s2  }
0xb: {  	[smem:$0x3FAD] =	sst s3  }
0xc: {  	[smem:$0x3FAE] =	sst s4  }
0xd: {  	[smem:$0x3FAF] =	sst s5  }
0xe: {  	[smem:$0x3FB0] =	sst s6  }
0xf: {  	[smem:$0x3FB1] =	sst s7  }
0x10: {  	[smem:$0x3FB2] =	sst s8  }
0x11: {  	[smem:$0x3FB3] =	sst s9;
	s0 =	simm.s32 @!p0 $0x0  }
0x12: {  	s1 =	sld [smem:$0x3F99];
	s0 =	simm.s32 @p0 $0x1  }
0x13: {  	[smem:$0x3FB4] =	sst s0;
	s0 =	simm.s32 @!p1 $0x0  }
0x14: {  	s2 =	sld [smem:$0x3F98];
	s0 =	simm.s32 @p1 $0x1  }
0x15: {  	[smem:$0x3FB5] =	sst s0;
	s0 =	simm.s32 @!p2 $0x0  }
0x16: {  	s3 =	sld [smem:$0x3FDB];
	s0 =	simm.s32 @p2 $0x1  }
0x17: {  	s4 =	simm.s32 $0x1BF5;
	[smem:$0x3FB7] =	sst s0  }
0x18: {  	s0 =	sld [smem:$0x3F9A];
	_ =	swait.ge [sflag:s4], $0x0  }
0x19: {  	s7 =	sld [smem:$0x3F9B]  }
0x1a: {  	s8 =	sadd.s32 $0xFFFFE003, lr  }
0x1b: {  	s9 =	sadd.s32 $0xFFFFFEF7, lr;
	s5 =	simm.s32 $0xFFFFFFFF;
	p2 =	slt.u32 s8, $0xFFFFF086  }
0x1c: {  	p1 =	slt.u32 s9, $0xF7A;
	s5 =	simm.s32 @!p2 $0x0  }
0x1d: {  	s5 =	simm.s32 @p1 $0x1;
	p0 =	seq.s32 s7, s2  }
0x1e: {  	s7 =	smul.u32 @!p0 $0xF7A, s2;
	p2 =	seq.s32 @!p0 s5, $0x0  }
0x1f: {  	s9 =	smul.u32 $0xF7A, s1;
	s8 =	simm.s32 @!p0 $0x1BF5;
	p2 =	por !p2, p0  }
0x20: {  	[sflag:s8] =	ssyncset.s32 @!p0 $0xFFFFF086;
	s6 =	sadd.s32 @!p0 s3, s7;
	s7 =	simm.s32 @!p0 $0x108  }
0x21: {  	s3 =	sadd.s32 s3, s9;
	s6 =	sadd.s32 @!p0 $0x88, s6;
	s7 =	simm.s32 @p2 $0x1082  }
0x22: {  	[simem:s7], [sflag:s8] =	dma.local @!p0 [hbm:s6], $0xF7A  }
0x23: {  	s9 =	sor.u32 $0xD0000000, s2;
	s6 =	simm.s32 $0x108;
	_ =	swait.ge @!p0 [sflag:s8], $0x0  }
0x24: {  	s3 =	sadd.s32 $0x88, s3;
	s6 =	simm.s32 @!p1 $0x1082;
	[sflag:s4] =	ssyncset.s32 $0xFFFFF086  }
0x25: {  	[simem:s6], [sflag:s4] =	dma.local [hbm:s3], $0xF7A  }
0x26: {  	[smem:$0x3F9B] =	sst s1;
	(tag) =	ssettag s2;
	_ =	strace s9  }
0x27: {  	s1 =	sld [smem:$0x3FAB]  }
0x28: {  	s2 =	sld [smem:$0x3FAC]  }
0x29: {  	s4 =	sld [smem:$0x3FAE]  }
0x2a: {  	p0 =	seq.s32 s5, $0x0;
	s5 =	sld [smem:$0x3FAF]  }
0x2b: {  	s6 =	sld [smem:$0x3FB0]  }
0x2c: {  	s7 =	sld [smem:$0x3FB1]  }
0x2d: {  	s3 =	simm.s32 $0x108;
	s8 =	sld [smem:$0x3FB2]  }
0x2e: {  	s3 =	simm.s32 @!p0 $0x1082;
	s9 =	sld [smem:$0x3FB3]  }
0x2f: {  	lr =	sadd.s32 s0, s3;
	s0 =	sld [smem:$0x3FAA]  }
0x30: {  	s3 =	sld [smem:$0x3FAD]  }
0x31: {  	[smem:$0x3FB6] =	sst s10  }
0x32: {  	s10 =	sld [smem:$0x3FB4];
	_ =	sdelay $0x3  }
0x33: {  	p0 =	seq.s32 s10, $0x1;
	s10 =	sld [smem:$0x3FB6];
	_ =	sdelay $0x3  }
0x34: {  	[smem:$0x3FB6] =	sst s10  }
0x35: {  	s10 =	sld [smem:$0x3FB5];
	_ =	sdelay $0x3  }
0x36: {  	p1 =	seq.s32 s10, $0x1;
	s10 =	sld [smem:$0x3FB6];
	_ =	sdelay $0x3  }
0x37: {  	[smem:$0x3FB6] =	sst s10  }
0x38: {  	s10 =	sld [smem:$0x3FB7]  }
0x39: {  	_ = 	snop;
	(pc) =	sbr.ind lr, $3  }
0x3a: {  	_ = 	snop  }
0x3b: {  	_ = 	snop  }
0x3c: {  	p2 =	seq.s32 s10, $0x1;
	s10 =	sld [smem:$0x3FB6]  }
0x3d: {  	_ =	shalt  }
0x3e: {  	_ =	shalt  }
0x3f: {  	_ =	shalt  }
0x40: {  	_ =	shalt  }
0x41: {  	_ =	shalt  }
0x42: {  	_ =	shalt  }
0x43: {  	_ =	shalt  }
0x44: {  	_ =	shalt  }
0x45: {  	_ =	shalt  }
0x46: {  	_ =	shalt  }
0x47: {  	_ =	shalt  }
0x48: {  	_ =	shalt  }
0x49: {  	_ =	shalt  }
0x4a: {  	_ =	shalt  }
0x4b: {  	_ =	shalt  }
0x4c: {  	_ =	shalt  }
0x4d: {  	_ =	shalt  }
0x4e: {  	_ =	shalt  }
0x4f: {  	_ =	shalt  }
0x50: {  	_ =	shalt  }
0x51: {  	_ =	shalt  }
0x52: {  	_ =	shalt  }
0x53: {  	_ =	shalt  }
0x54: {  	_ =	shalt  }
0x55: {  	_ =	shalt  }
0x56: {  	_ =	shalt  }
0x57: {  	_ =	shalt  }
0x58: {  	_ =	shalt  }
0x59: {  	_ =	shalt  }
0x5a: {  	_ =	shalt  }
0x5b: {  	_ =	shalt  }
0x5c: {  	_ =	shalt  }
0x5d: {  	_ =	shalt  }
0x5e: {  	_ =	shalt  }
0x5f: {  	_ =	shalt  }
0x60: {  	_ =	shalt  }
0x61: {  	_ =	shalt  }
0x62: {  	_ =	shalt  }
0x63: {  	_ =	shalt  }
0x64: {  	_ =	shalt  }
0x65: {  	_ =	shalt  }
0x66: {  	_ =	shalt  }
0x67: {  	_ =	shalt  }
0x68: {  	_ =	shalt  }
0x69: {  	_ =	shalt  }
0x6a: {  	_ =	shalt  }
0x6b: {  	_ =	shalt  }
0x6c: {  	_ =	shalt  }
0x6d: {  	_ =	shalt  }
0x6e: {  	_ =	shalt  }
0x6f: {  	_ =	shalt  }
0x70: {  	_ =	shalt  }
0x71: {  	_ =	shalt  }
0x72: {  	_ =	shalt  }
0x73: {  	_ =	shalt  }
0x74: {  	_ =	shalt  }
0x75: {  	_ =	shalt  }
0x76: {  	_ =	shalt  }
0x77: {  	_ =	shalt  }
0x78: {  	_ =	shalt  }
0x79: {  	_ =	shalt  }
0x7a: {  	_ =	shalt  }
0x7b: {  	_ =	shalt  }
0x7c: {  	_ =	shalt  }
0x7d: {  	_ =	shalt  }
0x7e: {  	_ =	shalt  }
0x7f: {  	_ =	shalt  }
0x80: {  	_ =	shalt  }
0x81: {  	_ =	shalt  }
0x82: {  	_ =	shalt  }
0x83: {  	_ =	shalt  }
0x84: {  	_ =	shalt  }
0x85: {  	_ =	shalt  }
0x86: {  	_ =	shalt  }
0x87: {  	_ =	shalt  }
.Lfunc_end0:
.L_simem_size_0:
called_computation.2_lowered:
.L_overlay_start_0:
0x88: {  	s2 =	sld [smem:$0x3FD9]  }
0x89: {  	s3 =	sld [smem:$0x3FFE];
	_ =	sdelay $0x1  }
0x8a: {  	s1 =	srdreg.scid  }
0x8b: {  	s0 =	sand.u32 $0x1, s1  }
0x8c: {  	s16 =	sshll.u32 s0, $0xA;
	s2 =	sadd.s32 s3, s2  }
0x8d: {  	s2 =	sadd.s32 s2, s16  }
0x8e: {  	[smem:$0x3FC2] =	sst s2  }
0x8f: {  	_ = 	snop  }
0x90: {  	(tm) =	ssettm $0x1  }
0x91: {  	s17 =	sld [smem:$0x3FFB];
	_ =	sdelay $0x3  }
0x92: {  	_ =	strace s17  }
0x93: {  	s2 =	sld [smem:$0x3FFC];
	_ =	sdelay $0x3  }
0x94: {  	_ =	strace s2  }
0x95: {  	s2 =	sld [smem:$0x3FFD];
	_ =	sdelay $0x3  }
0x96: {  	_ =	strace s2  }
0x97: {  	_ =	strace $0x8FFFFFFF  }
0x98: {  	s18 =	sld [smem:$0x3FDB];
	_ =	sdelay $0x1  }
0x99: {  	s19 =	simm.s32 $_scs_section_size  }
0x9a: {  	s4 =	simm.s32 $_size__tile_overlayer_lowered;
	s5 =	simm.s32 $_tile_overlayer_lowered  }
0x9b: {  	s22 =	simm.s32 $0x1BFF;
	s21 =	sshll.u32 s5, $0x1;
	s2 =	sadd.s32 s19, s18  }
0x9c: {  	s6 =	simm.s32 $0x0;
	s20 =	sshll.u32 s4, $0x1;
	s4 =	sadd.s32 s21, s2  }
0x9d: {  	[timem:s6], [sflag:s22] =	dma.local [hbm:s4], s20  }
0x9e: {  	_ =	swait.ge [sflag:s22], s20  }
0x9f: {  	s3 =	ssub.s32 $0x0, s20;
	[sflag:s22] =	ssyncset.done $0x0  }
0xa0: {  	[sflag:s22] =	ssyncadd.s32 s3;
	_ =	sdelay $0x1  }
0xa1: {  	s23 =	simm.s32 $0x1B8B  }
0xa2: {  	_ =	swait.ge [sflag:s23], $0x1  }
0xa3: {  	[sflag:s23] =	ssyncset.done $0x0  }
0xa4: {  	s25 =	simm.s32 $0x1B8E;
	s24 =	sld [smem:$0x3FFE];
	[sflag:s23] =	ssyncadd.s32 $0xFFFFFFFF  }
0xa5: {  	s26 =	simm.s32 $execute0_lowered;
	[smem:$0x3FD2] =	sst s25  }
0xa6: {  	s4 =	sshll.u32 s26, $0x1;
	_ =	strace $0x8000004C;
	[dreg:$0x1] =	wrdreg $0xFFFFFFFF  }
0xa7: {  	s28 =	simm.s32 $_size_execute0_lowered;
	s2 =	sadd.s32 s2, s4;
	[dreg:$0x0] =	wrdreg $0x0  }
0xa8: {  	s4 =	sshll.u32 s28, $0x1;
	[dreg:$0x2] =	wrdreg s2  }
0xa9: {  	[dreg:$0x3] =	wrdreg s4  }
0xaa: {  	[dreg:$0x4] =	wrdreg $0xC0  }
0xab: {  	_ =	task [dreg:s6], $0x5FFFF  }
0xac: {  	[dreg:$0x1] =	wrdreg $0xFFFFFFFF  }
0xad: {  	[dreg:$0x0] =	wrdreg $0x60  }
0xae: {  	[dreg:$0x2] =	wrdreg s24  }
0xaf: {  	[dreg:$0x3] =	wrdreg $0x9  }
0xb0: {  	_ =	task.clear_ibuf [dreg:s6], $0x4FFFF;
	_ =	strace $0x9000004C  }
0xb1: {  	s29 =	simm.s32 $0x9;
	_ =	strace $0x8000004E  }
0xb2: {  	_ =	swait.ge [sflag:s29], $0x1  }
0xb3: {  	[sflag:s29] =	ssyncadd.s32 $0xFFFFFFFF  }
0xb4: {  	_ =	strace $0x9000004E  }
0xb5: {  	_ =	sfence  }
0xb6: {  	s30 =	sld [smem:$0x0];
	_ =	sdelay $0x2  }
0xb7: {  	s31 =	sshll.u32 s1, $0xD;
	s1 =	sshrl.u32 s1, $0x2  }
0xb8: {  	s3 =	sand.u32 $0x4000, s31;
	s1 =	sadd.s32 s1, s30  }
0xb9: {  	s0 =	sor.u32 s3, s0;
	s1 =	sshll.u32 s1, $0x11  }
0xba: {  	s0 =	sor.u32 s1, s0  }
0xbb: {  	s0 =	sadd.s32 $0x8F2B, s0  }
0xbc: {  	[sflag:s0] =	ssyncadd.remote.s32 $0x1  }
0xbd: {  	_ =	sfence.sel $0xFFFF  }
0xbe: {  	[dreg:$0x0] =	wrdreg $0xFFFFFFFF;
	(pc) =	sbr.abs _section_cstart, $3  }
0xbf: {  	[dreg:$0x1] =	wrdreg $0xFFFFFFFF  }
0xc0: {  	_ =	task.clear_ibuf [dreg:s6], $0x2FFFF;
	_ =	strace $0x9FFFFFFF  }
0xc1: {  	(tm) =	ssettm $0x7FFFFFFF  }
tec
execute0_lowered:
.L_overlay_start_1:
0x0: {  	(tag) =	ssettag $0x1  }
0x1: {  	s4 =	rddreg [dreg:$0x0]  }
0x2: {  	s0 =	rddreg [dreg:$0x1];
	s1 =	stileid.u32  }
0x3: {  	s3 =	srdreg.scid;
	s2 =	simm.s32 $0x0;
	s11 =	simm.s32 $0x2  }
0x4: {  	s12 =	simm.s32 $0x2800;
	s5 =	smul.u32 $0x2800, s1;
	s6 =	sand.u32 $0x1, s3  }
0x5: {  	s13 =	simm.s32 $0x1;
	s14 =	simm.s32 $0x0;
	s3 =	smul.u32 $0x28000, s6  }
0x6: {  	[smem:$0x7FF] =	sst s2;
	s8 =	smul.u32 $0x27800, s6;
	s6 =	ssub.s32 $0x2, s6  }
0x7: {  	_ =	strace $0x8000004D;
	s7 =	sshrl.u32 s5, $0x3;
	s30 =	sshrl.u32 s6, $0x1  }
.Ltmp0:
0x8: {  	s7 =	sadd.s32 s7, s4;
	s5 =	sadd.s32 s5, s3;
	(pc) =	sbr.rel .LBB2_1-.Ltmp0, $4  }
0x9: {  	s3 =	sadd.s32 $0x2000, s4;
	s31 =	sshrl.u32 s8, $0x3;
	s5 =	sshrl.u32 s5, $0x3  }
0xa: {  	s10 =	ssub.s32 s6, s30;
	s9 =	sadd.s32 s5, s4;
	s5 =	sadd.s32 s3, s31  }
0xb: {  	s4 =	sadd.s32 $0x15C00, s7;
	s7 =	sadd.s32 $0x2780, s8;
	s6 =	sadd.s32 $0x9E00, s5  }
0xc: {  	v0 =	vimm.f32 $0.0e+00;
	s8 =	sadd.s32 $0x1AC00, s9;
	s9 =	smax.u32 s10, $0x1;
	s10 =	simm.s32 $0x3  }
.LBB2_26:
0xd: {  	s14 =	sadd.s32 $0x1, s14  }
0xe: {  	p0 =	sne.s32 s14, s9  }
.Ltmp1:
0xf: {  	_ = 	snop;
	(pc) =	sbr.rel @!p0 .LBB2_27-.Ltmp1, $4  }
0x10: {  	[hbm4b:s8+s2] =	stream.linear.scatter [tilespmem:s12], [sflag:$0x3], $0x2800, $0x38;
	[tilespmem:$0xEE00] =	vst v63  }
0x11: {  	_ =	swait.ge [sflag:s10], $0x2800  }
0x12: {  	[sflag:s10] =	ssyncset.done $0x0  }
0x13: {  	[sflag:s10] =	ssyncadd.s32 $0xFFFFD800  }
.LBB2_1:
0x14: {  	s15 =	simm.s32 $0x40;
	s16 =	simm.s32 $0x0  }
.LBB2_2:
0x15: {  	p0 =	sne.s32 s15, $0x9FC0;
	[tilespmem:s16+$0x2800] =	vst v0;
	s16 =	smov.u32 s15;
	s15 =	sadd.s32 $0x40, s15  }
.Ltmp2:
0x16: {  	(pc) =	sbr.rel @p0 .LBB2_2-.Ltmp2, $2  }
0x17: {  	_ =	sdelay $0x2  }
0x18: {  	s16 =	sshra.s32 s16, $0x2  }
0x19: {  	[tilespmem:s16+$0x2800] =	vst v0;
	s15 =	simm.s32 $0x0  }
0x1a: {  	[tilespmem:s15], [sflag:$0x3] =	stream.linear.gather [hbm4b:s4+s15], $0x2800, $0x38;
	[tilespmem:$0xEE00] =	vst v63  }
0x1b: {  	_ =	swait.ge [sflag:s10], $0x2800  }
0x1c: {  	s16 =	simm.s32 $0x10;
	s18 =	sadd.s32 $0x0, s5;
	[sflag:s10] =	ssyncset.done $0x0  }
0x1d: {  	s17 =	simm.s32 $0x5100;
	s15 =	simm.s32 $0x5000;
	[sflag:s10] =	ssyncadd.s32 $0xFFFFD800  }
.LBB2_4:
0x1e: {  	[tilespmem:s15], [sflag:$0x1] =	stream.linear.gather [hbm4b:s18+s2], $0x80, $0x38;
	[tilespmem:$0xEE00] =	vst v63  }
0x1f: {  	s18 =	smov.u32 s16;
	s15 =	smov.u32 s17;
	p0 =	sne.s32 s16, $0x4E0  }
.Ltmp3:
0x20: {  	s16 =	sadd.s32 $0x10, s16;
	(pc) =	sbr.rel @p0 .LBB2_4-.Ltmp3, $2  }
0x21: {  	_ =	sdelay $0x2  }
0x22: {  	s17 =	sadd.s32 $0x100, s17;
	s18 =	sadd.s32 s18, s5  }
0x23: {  	[tilespmem:s15], [sflag:$0x1] =	stream.linear.gather [hbm4b:s18+s2], $0x80, $0x38;
	[tilespmem:$0xEE00] =	vst v63  }
0x24: {  	s15 =	simm.s32 $0x0;
	s16 =	simm.s32 $0x5080  }
0x25: {  	s17 =	simm.s32 $0x10;
	s19 =	sadd.s32 $0x0, s6;
	s18 =	simm.s32 $0x5180  }
.LBB2_6:
0x26: {  	[tilespmem:s16], [sflag:$0x1] =	stream.linear.gather [hbm4b:s19+s15], $0x80, $0x38;
	[tilespmem:$0xEE00] =	vst v63  }
0x27: {  	s19 =	smov.u32 s17;
	s16 =	smov.u32 s18;
	p0 =	sne.s32 s17, $0x4E0  }
.Ltmp4:
0x28: {  	s17 =	sadd.s32 $0x10, s17;
	(pc) =	sbr.rel @p0 .LBB2_6-.Ltmp4, $2  }
0x29: {  	_ =	sdelay $0x2  }
0x2a: {  	s18 =	sadd.s32 $0x100, s18;
	s19 =	sadd.s32 s19, s6  }
.Ltmp5:
0x2b: {  	(pc) =	sbr.rel .LBB2_8-.Ltmp5, $2  }
0x2c: {  	_ =	sdelay $0x2  }
0x2d: {  	[tilespmem:s16], [sflag:$0x1] =	stream.linear.gather [hbm4b:s19+s15], $0x80, $0x38;
	[tilespmem:$0xEE00] =	vst v63  }
.LBB2_25:
0x2e: {  	s15 =	sadd.s32 $0x1, s15  }
0x2f: {  	p0 =	sne.s32 s15, $0x10  }
.Ltmp6:
0x30: {  	_ = 	snop;
	(pc) =	sbr.rel @!p0 .LBB2_26-.Ltmp6, $1  }
0x31: {  	_ =	sdelay $0x3  }
.LBB2_8:
0x32: {  	s16 =	sand.u32 $0x1, s15  }
0x33: {  	p0 =	seq.s32 s16, $0x1  }
.Ltmp7:
0x34: {  	_ = 	snop;
	(pc) =	sbr.rel @p0 .LBB2_16-.Ltmp7, $1  }
0x35: {  	_ =	sdelay $0x3  }
0x36: {  	_ =	swait.ge [sflag:s13], $0x2780;
	s17 =	smul.u32 $0x2780, s15  }
0x37: {  	[sflag:s13] =	ssyncset.done $0x0  }
0x38: {  	[sflag:s13] =	ssyncadd.s32 $0xFFFFD880;
	s17 =	sadd.s32 s17, s7  }
0x39: {  	s18 =	simm.s32 $0x9F00;
	_ =	swait.ge [sflag:s13], $0x2780;
	s17 =	sshrl.u32 s17, $0x3  }
0x3a: {  	s19 =	simm.s32 $0x10;
	[sflag:s13] =	ssyncset.done $0x0;
	s17 =	sadd.s32 s3, s17  }
0x3b: {  	s20 =	simm.s32 $0xA000;
	[sflag:s13] =	ssyncadd.s32 $0xFFFFD880;
	s21 =	sadd.s32 $0x0, s17  }
.LBB2_10:
0x3c: {  	[tilespmem:s18], [sflag:$0x2] =	stream.linear.gather [hbm4b:s21+s2], $0x80, $0x38;
	[tilespmem:$0xEE00] =	vst v63  }
0x3d: {  	s21 =	smov.u32 s19;
	s18 =	smov.u32 s20;
	p0 =	sne.s32 s19, $0x4E0  }
.Ltmp8:
0x3e: {  	s19 =	sadd.s32 $0x10, s19;
	(pc) =	sbr.rel @p0 .LBB2_10-.Ltmp8, $2  }
0x3f: {  	_ =	sdelay $0x2  }
0x40: {  	s20 =	sadd.s32 $0x100, s20;
	s21 =	sadd.s32 s21, s17  }
0x41: {  	[tilespmem:s18], [sflag:$0x2] =	stream.linear.gather [hbm4b:s21+s2], $0x80, $0x38;
	[tilespmem:$0xEE00] =	vst v63  }
0x42: {  	s17 =	sadd.s32 $0x9E00, s17;
	s18 =	simm.s32 $0x0;
	s19 =	simm.s32 $0x9F80  }
.LBB2_12:
0x43: {  	p0 =	sne.s32 s18, $0x4E0  }
.Ltmp9:
0x44: {  	_ = 	snop;
	(pc) =	sbr.rel @p0 .LBB2_12-.Ltmp9, $4  }
0x45: {  	_ = 	snop  }
0x46: {  	s20 =	sadd.s32 s18, s17  }
0x47: {  	[tilespmem:s19], [sflag:$0x2] =	stream.linear.gather [hbm4b:s20+s2], $0x80, $0x38;
	[tilespmem:$0xEE00] =	vst v63  }
0x48: {  	s18 =	sadd.s32 $0x10, s18;
	s19 =	sadd.s32 $0x100, s19  }
0x49: {  	s17 =	simm.s32 $0x5100  }
0x4a: {  	v1 =	vld [tilespmem:s17+$0xFFFFFFE0]  }
0x4b: {  	v2 =	vld [tilespmem:s17+$0xFFFFFFD0]  }
0x4c: {  	v3 =	vld [tilespmem:s17+$0xFFFFFFB0]  }
0x4d: {  	v4 =	vld [tilespmem:s17+$0xFFFFFF90]  }
0x4e: {  	v5 =	vld [tilespmem:s17+$0xFFFFFFF0]  }
0x4f: {  	v6 =	vld [tilespmem:s17+$0xFFFFFFA0]  }
0x50: {  	v7 =	vld [tilespmem:s17+$0xFFFFFF50]  }
0x51: {  	v8 =	vld [tilespmem:s17+$0x80]  }
0x52: {  	v15 =	vld [tilespmem:s17+$0x90]  }
0x53: {  	v16 =	vld [tilespmem:s17+$0xFFFFFFC0]  }
0x54: {  	v14 =	vld [tilespmem:s17+$0xC0]  }
0x55: {  	v12 =	vld [tilespmem:s17+$0xB0]  }
0x56: {  	v9 =	vld [tilespmem:s17+$0x40]  }
0x57: {  	v10 =	vld [tilespmem:s17+$0x50]  }
0x58: {  	v11 =	vld [tilespmem:s17+$0xF0]  }
0x59: {  	v13 =	vld [tilespmem:s17+$0xFFFFFF80]  }
0x5a: {  	v17 =	vld [tilespmem:s17+$0xFFFFFF00]  }
0x5b: {  	v18 =	vld [tilespmem:s17+$0x70]  }
0x5c: {  	v19 =	vld [tilespmem:s17+$0xA0]  }
0x5d: {  	v20 =	vld [tilespmem:s17+$0xE0]  }
0x5e: {  	v21 =	vld [tilespmem:s17+$0xFFFFFF40]  }
0x5f: {  	v22 =	vld [tilespmem:s17+$0xFFFFFF30]  }
0x60: {  	v23 =	vld [tilespmem:s17+$0xFFFFFF20]  }
0x61: {  	v24 =	vld [tilespmem:s17+$0xFFFFFF10]  }
0x62: {  	v25 =	vld [tilespmem:s17+$0xD0]  }
0x63: {  	v27 =	vld [tilespmem:s17+$0x60]  }
0x64: {  	v26 =	vld [tilespmem:s17+$0xFFFFFF60]  }
0x65: {  	v62 =	vld [tilespmem:s17+$0x10]  }
0x66: {  	v63 =	vld [tilespmem:s17+$0x0]  }
0x67: {  	v28 =	vld [tilespmem:s17+$0xFFFFFF70]  }
0x68: {  	v17 =	vld.idx.msk [tilespmem:v17+s2+$0x0], $0xffff  }
0x69: {  	v18 =	vld.idx.msk [tilespmem:v18+s2+$0x0], $0xffff  }
0x6a: {  	v21 =	vld.idx.msk [tilespmem:v21+s2+$0x0], $0xffff  }
0x6b: {  	v27 =	vld.idx.msk [tilespmem:v27+s2+$0x0], $0xffff  }
0x6c: {  	v29 =	vld.idx.msk [tilespmem:v10+s2+$0x0], $0xffff  }
0x6d: {  	v30 =	vld.idx.msk [tilespmem:v9+s2+$0x0], $0xffff  }
0x6e: {  	[tilespmem:v13+s12+$0x0] =	vst.idx.add.f32.msk $0xffff, v17  }
0x6f: {  	[tilespmem:v11+s12+$0x0] =	vst.idx.add.f32.msk $0xffff, v18  }
0x70: {  	v11 =	vld [tilespmem:s17+$0x30]  }
0x71: {  	v13 =	vld [tilespmem:s17+$0x20]  }
0x72: {  	v10 =	vld.idx.msk [tilespmem:v63+s2+$0x0], $0xffff  }
0x73: {  	v9 =	vld.idx.msk [tilespmem:v26+s2+$0x0], $0xffff  }
0x74: {  	v17 =	vld.idx.msk [tilespmem:v62+s2+$0x0], $0xffff  }
0x75: {  	[tilespmem:v20+s12+$0x0] =	vst.idx.add.f32.msk $0xffff, v27  }
0x76: {  	[tilespmem:v25+s12+$0x0] =	vst.idx.add.f32.msk $0xffff, v29  }
0x77: {  	[tilespmem:v14+s12+$0x0] =	vst.idx.add.f32.msk $0xffff, v30  }
0x78: {  	v31 =	vld.idx.msk [tilespmem:v11+s2+$0x0], $0xffff  }
0x79: {  	v11 =	vld.idx.msk [tilespmem:v13+s2+$0x0], $0xffff  }
0x7a: {  	v14 =	vld.idx.msk [tilespmem:v24+s2+$0x0], $0xffff  }
0x7b: {  	[tilespmem:v16+s12+$0x0] =	vst.idx.add.f32.msk $0xffff, v21  }
0x7c: {  	[tilespmem:v15+s12+$0x0] =	vst.idx.add.f32.msk $0xffff, v17  }
0x7d: {  	v13 =	vld.idx.msk [tilespmem:v23+s2+$0x0], $0xffff  }
0x7e: {  	[tilespmem:v19+s12+$0x0] =	vst.idx.add.f32.msk $0xffff, v11  }
0x7f: {  	v11 =	vld.idx.msk [tilespmem:v28+s2+$0x0], $0xffff  }
0x80: {  	[tilespmem:v12+s12+$0x0] =	vst.idx.add.f32.msk $0xffff, v31  }
0x81: {  	s18 =	simm.s32 $0x0;
	v12 =	vld.idx.msk [tilespmem:v22+s2+$0x0], $0xffff  }
.LBB2_14:
0x82: {  	s18 =	sadd.s32 $0x10, s18;
	[tilespmem:v8+s12+$0x0] =	vst.idx.add.f32.msk $0xffff, v10;
	s17 =	sadd.s32 $0x200, s17  }
0x83: {  	p0 =	slt.u32 s18, $0x260;
	v7 =	vld.idx.msk [tilespmem:v7+s2+$0x0], $0xffff  }
0x84: {  	[tilespmem:v6+s12+$0x0] =	vst.idx.add.f32.msk $0xffff, v13  }
0x85: {  	[tilespmem:v5+s12+$0x0] =	vst.idx.add.f32.msk $0xffff, v11  }
0x86: {  	[tilespmem:v4+s12+$0x0] =	vst.idx.add.f32.msk $0xffff, v14  }
0x87: {  	[tilespmem:v3+s12+$0x0] =	vst.idx.add.f32.msk $0xffff, v12  }
0x88: {  	[tilespmem:v1+s12+$0x0] =	vst.idx.add.f32.msk $0xffff, v9  }
0x89: {  	[tilespmem:v2+s12+$0x0] =	vst.idx.add.f32.msk $0xffff, v7  }
0x8a: {  	v1 =	vld [tilespmem:s17+$0xFFFFFFE0]  }
0x8b: {  	v2 =	vld [tilespmem:s17+$0xFFFFFFD0]  }
0x8c: {  	v3 =	vld [tilespmem:s17+$0xFFFFFFB0]  }
0x8d: {  	v4 =	vld [tilespmem:s17+$0xFFFFFF90]  }
0x8e: {  	v5 =	vld [tilespmem:s17+$0xFFFFFFF0]  }
0x8f: {  	v6 =	vld [tilespmem:s17+$0xFFFFFFA0]  }
0x90: {  	v7 =	vld [tilespmem:s17+$0xFFFFFF50]  }
0x91: {  	v8 =	vld [tilespmem:s17+$0x80]  }
0x92: {  	v15 =	vld [tilespmem:s17+$0x90]  }
0x93: {  	v16 =	vld [tilespmem:s17+$0xFFFFFFC0]  }
0x94: {  	v14 =	vld [tilespmem:s17+$0xC0]  }
0x95: {  	v12 =	vld [tilespmem:s17+$0xB0]  }
0x96: {  	v9 =	vld [tilespmem:s17+$0x40]  }
0x97: {  	v10 =	vld [tilespmem:s17+$0x50]  }
0x98: {  	v11 =	vld [tilespmem:s17+$0xF0]  }
0x99: {  	v13 =	vld [tilespmem:s17+$0xFFFFFF80]  }
0x9a: {  	v17 =	vld [tilespmem:s17+$0xFFFFFF00]  }
0x9b: {  	v18 =	vld [tilespmem:s17+$0x70]  }
0x9c: {  	v19 =	vld [tilespmem:s17+$0xA0]  }
0x9d: {  	v20 =	vld [tilespmem:s17+$0xE0]  }
0x9e: {  	v21 =	vld [tilespmem:s17+$0xFFFFFF40]  }
0x9f: {  	v22 =	vld [tilespmem:s17+$0xFFFFFF30]  }
0xa0: {  	v23 =	vld [tilespmem:s17+$0xFFFFFF20]  }
0xa1: {  	v24 =	vld [tilespmem:s17+$0xFFFFFF10]  }
0xa2: {  	v17 =	vld.idx.msk [tilespmem:v17+s2+$0x0], $0xffff  }
0xa3: {  	v18 =	vld.idx.msk [tilespmem:v18+s2+$0x0], $0xffff  }
0xa4: {  	v25 =	vld [tilespmem:s17+$0xD0]  }
0xa5: {  	v26 =	vld [tilespmem:s17+$0xFFFFFF60]  }
0xa6: {  	v21 =	vld.idx.msk [tilespmem:v21+s2+$0x0], $0xffff  }
0xa7: {  	v27 =	vld [tilespmem:s17+$0x60]  }
0xa8: {  	[tilespmem:v13+s12+$0x0] =	vst.idx.add.f32.msk $0xffff, v17  }
0xa9: {  	[tilespmem:v11+s12+$0x0] =	vst.idx.add.f32.msk $0xffff, v18  }
0xaa: {  	v11 =	vld [tilespmem:s17+$0x30]  }
0xab: {  	v13 =	vld [tilespmem:s17+$0x20]  }
0xac: {  	v17 =	vld [tilespmem:s17+$0x10]  }
0xad: {  	v18 =	vld [tilespmem:s17+$0x0]  }
0xae: {  	v28 =	vld [tilespmem:s17+$0xFFFFFF70]  }
0xaf: {  	v27 =	vld.idx.msk [tilespmem:v27+s2+$0x0], $0xffff  }
0xb0: {  	v29 =	vld.idx.msk [tilespmem:v10+s2+$0x0], $0xffff  }
0xb1: {  	v30 =	vld.idx.msk [tilespmem:v9+s2+$0x0], $0xffff  }
0xb2: {  	v31 =	vld.idx.msk [tilespmem:v11+s2+$0x0], $0xffff  }
0xb3: {  	v11 =	vld.idx.msk [tilespmem:v13+s2+$0x0], $0xffff  }
0xb4: {  	v17 =	vld.idx.msk [tilespmem:v17+s2+$0x0], $0xffff  }
0xb5: {  	[tilespmem:v20+s12+$0x0] =	vst.idx.add.f32.msk $0xffff, v27  }
0xb6: {  	v10 =	vld.idx.msk [tilespmem:v18+s2+$0x0], $0xffff  }
0xb7: {  	[tilespmem:v25+s12+$0x0] =	vst.idx.add.f32.msk $0xffff, v29  }
0xb8: {  	v9 =	vld.idx.msk [tilespmem:v26+s2+$0x0], $0xffff  }
0xb9: {  	[tilespmem:v19+s12+$0x0] =	vst.idx.add.f32.msk $0xffff, v11  }
0xba: {  	v11 =	vld.idx.msk [tilespmem:v28+s2+$0x0], $0xffff  }
0xbb: {  	[tilespmem:v12+s12+$0x0] =	vst.idx.add.f32.msk $0xffff, v31  }
0xbc: {  	v12 =	vld.idx.msk [tilespmem:v22+s2+$0x0], $0xffff  }
.Ltmp10:
0xbd: {  	v13 =	vld.idx.msk [tilespmem:v23+s2+$0x0], $0xffff;
	(pc) =	sbr.rel @p0 .LBB2_14-.Ltmp10, $4  }
0xbe: {  	[tilespmem:v14+s12+$0x0] =	vst.idx.add.f32.msk $0xffff, v30  }
0xbf: {  	v14 =	vld.idx.msk [tilespmem:v24+s2+$0x0], $0xffff  }
0xc0: {  	[tilespmem:v16+s12+$0x0] =	vst.idx.add.f32.msk $0xffff, v21  }
0xc1: {  	[tilespmem:v15+s12+$0x0] =	vst.idx.add.f32.msk $0xffff, v17  }
0xc2: {  	_ =	sdelay $0x3  }
0xc3: {  	[tilespmem:v8+s12+$0x0] =	vst.idx.add.f32.msk $0xffff, v10  }
0xc4: {  	v7 =	vld.idx.msk [tilespmem:v7+s2+$0x0], $0xffff  }
0xc5: {  	[tilespmem:v6+s12+$0x0] =	vst.idx.add.f32.msk $0xffff, v13  }
0xc6: {  	[tilespmem:v5+s12+$0x0] =	vst.idx.add.f32.msk $0xffff, v11  }
0xc7: {  	[tilespmem:v3+s12+$0x0] =	vst.idx.add.f32.msk $0xffff, v12  }
0xc8: {  	[tilespmem:v1+s12+$0x0] =	vst.idx.add.f32.msk $0xffff, v9  }
0xc9: {  	[tilespmem:v4+s12+$0x0] =	vst.idx.add.f32.msk $0xffff, v14  }
0xca: {  	[tilespmem:v2+s12+$0x0] =	vst.idx.add.f32.msk $0xffff, v7  }
0xcb: {  	v1 =	vld [tilespmem:$0x9E00];
	_ =	sdelay $0x4  }
0xcc: {  	v2 =	vld [tilespmem:$0x9E80];
	_ =	sdelay $0x2  }
0xcd: {  	p0 =	seq.s32 s16, $0x0;
	v1 =	vld.idx.msk [tilespmem:v1+s2+$0x0], $0xffff  }
.Ltmp11:
0xce: {  	_ = 	snop;
	(pc) =	sbr.rel @p0 .LBB2_25-.Ltmp11, $2  }
0xcf: {  	_ =	sdelay $0x2  }
0xd0: {  	[tilespmem:v2+s12+$0x0] =	vst.idx.add.f32.msk $0xffff, v1  }
.LBB2_16:
0xd1: {  	_ =	swait.ge [sflag:s11], $0x2780;
	p0 =	seq.s32 s15, $0xF  }
.Ltmp12:
0xd2: {  	[sflag:s11] =	ssyncset.done $0x0;
	(pc) =	sbr.rel @p0 .LBB2_22-.Ltmp12, $4  }
0xd3: {  	[sflag:s11] =	ssyncadd.s32 $0xFFFFD880  }
0xd4: {  	_ =	swait.ge [sflag:s11], $0x2780  }
0xd5: {  	[sflag:s11] =	ssyncset.done $0x0  }
0xd6: {  	[sflag:s11] =	ssyncadd.s32 $0xFFFFD880  }
0xd7: {  	s16 =	smul.u32 $0x2780, s15;
	_ =	sdelay $0x1  }
0xd8: {  	s16 =	sadd.s32 s16, s7  }
0xd9: {  	s16 =	sshrl.u32 s16, $0x3  }
0xda: {  	s17 =	simm.s32 $0x5000;
	s16 =	sadd.s32 s3, s16  }
0xdb: {  	s18 =	simm.s32 $0x10;
	s19 =	simm.s32 $0x5100;
	s20 =	sadd.s32 $0x0, s16  }
.LBB2_18:
0xdc: {  	[tilespmem:s17], [sflag:$0x1] =	stream.linear.gather [hbm4b:s20+s2], $0x80, $0x38;
	[tilespmem:$0xEE00] =	vst v63  }
0xdd: {  	s20 =	smov.u32 s18;
	s17 =	smov.u32 s19;
	p0 =	sne.s32 s18, $0x4E0  }
.Ltmp13:
0xde: {  	s18 =	sadd.s32 $0x10, s18;
	(pc) =	sbr.rel @p0 .LBB2_18-.Ltmp13, $2  }
0xdf: {  	_ =	sdelay $0x2  }
0xe0: {  	s19 =	sadd.s32 $0x100, s19;
	s20 =	sadd.s32 s20, s16  }
0xe1: {  	[tilespmem:s17], [sflag:$0x1] =	stream.linear.gather [hbm4b:s20+s2], $0x80, $0x38;
	[tilespmem:$0xEE00] =	vst v63  }
0xe2: {  	s16 =	sadd.s32 $0x9E00, s16;
	s17 =	simm.s32 $0x5080  }
0xe3: {  	s18 =	simm.s32 $0x10;
	s19 =	simm.s32 $0x5180;
	s20 =	sadd.s32 $0x0, s16  }
.LBB2_20:
0xe4: {  	[tilespmem:s17], [sflag:$0x1] =	stream.linear.gather [hbm4b:s20+s2], $0x80, $0x38;
	[tilespmem:$0xEE00] =	vst v63  }
0xe5: {  	s20 =	smov.u32 s18;
	s17 =	smov.u32 s19;
	p0 =	sne.s32 s18, $0x4E0  }
.Ltmp14:
0xe6: {  	s18 =	sadd.s32 $0x10, s18;
	(pc) =	sbr.rel @p0 .LBB2_20-.Ltmp14, $2  }
0xe7: {  	_ =	sdelay $0x2  }
0xe8: {  	s19 =	sadd.s32 $0x100, s19;
	s20 =	sadd.s32 s20, s16  }
0xe9: {  	[tilespmem:s17], [sflag:$0x1] =	stream.linear.gather [hbm4b:s20+s2], $0x80, $0x38;
	[tilespmem:$0xEE00] =	vst v63  }
.LBB2_22:
0xea: {  	s16 =	simm.s32 $0xA000  }
0xeb: {  	v1 =	vld [tilespmem:s16+$0xFFFFFFE0]  }
0xec: {  	v2 =	vld [tilespmem:s16+$0xFFFFFFD0]  }
0xed: {  	v3 =	vld [tilespmem:s16+$0xFFFFFFB0]  }
0xee: {  	v4 =	vld [tilespmem:s16+$0xFFFFFF90]  }
0xef: {  	v5 =	vld [tilespmem:s16+$0xFFFFFFF0]  }
0xf0: {  	v6 =	vld [tilespmem:s16+$0xFFFFFFA0]  }
0xf1: {  	v7 =	vld [tilespmem:s16+$0xFFFFFF50]  }
0xf2: {  	v8 =	vld [tilespmem:s16+$0x80]  }
0xf3: {  	v15 =	vld [tilespmem:s16+$0x90]  }
0xf4: {  	v16 =	vld [tilespmem:s16+$0xFFFFFFC0]  }
0xf5: {  	v14 =	vld [tilespmem:s16+$0xC0]  }
0xf6: {  	v12 =	vld [tilespmem:s16+$0xB0]  }
0xf7: {  	v9 =	vld [tilespmem:s16+$0x40]  }
0xf8: {  	v10 =	vld [tilespmem:s16+$0x50]  }
0xf9: {  	v11 =	vld [tilespmem:s16+$0xF0]  }
0xfa: {  	v13 =	vld [tilespmem:s16+$0xFFFFFF80]  }
0xfb: {  	v17 =	vld [tilespmem:s16+$0xFFFFFF00]  }
0xfc: {  	v18 =	vld [tilespmem:s16+$0x70]  }
0xfd: {  	v19 =	vld [tilespmem:s16+$0xA0]  }
0xfe: {  	v20 =	vld [tilespmem:s16+$0xE0]  }
0xff: {  	v21 =	vld [tilespmem:s16+$0xFFFFFF40]  }
0x100: {  	v22 =	vld [tilespmem:s16+$0xFFFFFF30]  }
0x101: {  	v23 =	vld [tilespmem:s16+$0xFFFFFF20]  }
0x102: {  	v24 =	vld [tilespmem:s16+$0xFFFFFF10]  }
0x103: {  	v25 =	vld [tilespmem:s16+$0xD0]  }
0x104: {  	v27 =	vld [tilespmem:s16+$0x60]  }
0x105: {  	v26 =	vld [tilespmem:s16+$0xFFFFFF60]  }
0x106: {  	v62 =	vld [tilespmem:s16+$0x10]  }
0x107: {  	v63 =	vld [tilespmem:s16+$0x0]  }
0x108: {  	v28 =	vld [tilespmem:s16+$0xFFFFFF70]  }
0x109: {  	v17 =	vld.idx.msk [tilespmem:v17+s2+$0x0], $0xffff  }
0x10a: {  	v18 =	vld.idx.msk [tilespmem:v18+s2+$0x0], $0xffff  }
0x10b: {  	v21 =	vld.idx.msk [tilespmem:v21+s2+$0x0], $0xffff  }
0x10c: {  	v27 =	vld.idx.msk [tilespmem:v27+s2+$0x0], $0xffff  }
0x10d: {  	v29 =	vld.idx.msk [tilespmem:v10+s2+$0x0], $0xffff  }
0x10e: {  	v30 =	vld.idx.msk [tilespmem:v9+s2+$0x0], $0xffff  }
0x10f: {  	[tilespmem:v13+s12+$0x0] =	vst.idx.add.f32.msk $0xffff, v17  }
0x110: {  	[tilespmem:v11+s12+$0x0] =	vst.idx.add.f32.msk $0xffff, v18  }
0x111: {  	v11 =	vld [tilespmem:s16+$0x30]  }
0x112: {  	v13 =	vld [tilespmem:s16+$0x20]  }
0x113: {  	v10 =	vld.idx.msk [tilespmem:v63+s2+$0x0], $0xffff  }
0x114: {  	v9 =	vld.idx.msk [tilespmem:v26+s2+$0x0], $0xffff  }
0x115: {  	v17 =	vld.idx.msk [tilespmem:v62+s2+$0x0], $0xffff  }
0x116: {  	[tilespmem:v20+s12+$0x0] =	vst.idx.add.f32.msk $0xffff, v27  }
0x117: {  	[tilespmem:v25+s12+$0x0] =	vst.idx.add.f32.msk $0xffff, v29  }
0x118: {  	[tilespmem:v14+s12+$0x0] =	vst.idx.add.f32.msk $0xffff, v30  }
0x119: {  	v31 =	vld.idx.msk [tilespmem:v11+s2+$0x0], $0xffff  }
0x11a: {  	v11 =	vld.idx.msk [tilespmem:v13+s2+$0x0], $0xffff  }
0x11b: {  	v14 =	vld.idx.msk [tilespmem:v24+s2+$0x0], $0xffff  }
0x11c: {  	[tilespmem:v16+s12+$0x0] =	vst.idx.add.f32.msk $0xffff, v21  }
0x11d: {  	[tilespmem:v15+s12+$0x0] =	vst.idx.add.f32.msk $0xffff, v17  }
0x11e: {  	v13 =	vld.idx.msk [tilespmem:v23+s2+$0x0], $0xffff  }
0x11f: {  	[tilespmem:v19+s12+$0x0] =	vst.idx.add.f32.msk $0xffff, v11  }
0x120: {  	v11 =	vld.idx.msk [tilespmem:v28+s2+$0x0], $0xffff  }
0x121: {  	[tilespmem:v12+s12+$0x0] =	vst.idx.add.f32.msk $0xffff, v31  }
0x122: {  	s17 =	simm.s32 $0x0;
	v12 =	vld.idx.msk [tilespmem:v22+s2+$0x0], $0xffff  }
.LBB2_23:
0x123: {  	s17 =	sadd.s32 $0x10, s17;
	[tilespmem:v8+s12+$0x0] =	vst.idx.add.f32.msk $0xffff, v10;
	s16 =	sadd.s32 $0x200, s16  }
0x124: {  	p0 =	slt.u32 s17, $0x260;
	v7 =	vld.idx.msk [tilespmem:v7+s2+$0x0], $0xffff  }
0x125: {  	[tilespmem:v6+s12+$0x0] =	vst.idx.add.f32.msk $0xffff, v13  }
0x126: {  	[tilespmem:v5+s12+$0x0] =	vst.idx.add.f32.msk $0xffff, v11  }
0x127: {  	[tilespmem:v4+s12+$0x0] =	vst.idx.add.f32.msk $0xffff, v14  }
0x128: {  	[tilespmem:v3+s12+$0x0] =	vst.idx.add.f32.msk $0xffff, v12  }
0x129: {  	[tilespmem:v1+s12+$0x0] =	vst.idx.add.f32.msk $0xffff, v9  }
0x12a: {  	[tilespmem:v2+s12+$0x0] =	vst.idx.add.f32.msk $0xffff, v7  }
0x12b: {  	v1 =	vld [tilespmem:s16+$0xFFFFFFE0]  }
0x12c: {  	v2 =	vld [tilespmem:s16+$0xFFFFFFD0]  }
0x12d: {  	v3 =	vld [tilespmem:s16+$0xFFFFFFB0]  }
0x12e: {  	v4 =	vld [tilespmem:s16+$0xFFFFFF90]  }
0x12f: {  	v5 =	vld [tilespmem:s16+$0xFFFFFFF0]  }
0x130: {  	v6 =	vld [tilespmem:s16+$0xFFFFFFA0]  }
0x131: {  	v7 =	vld [tilespmem:s16+$0xFFFFFF50]  }
0x132: {  	v8 =	vld [tilespmem:s16+$0x80]  }
0x133: {  	v15 =	vld [tilespmem:s16+$0x90]  }
0x134: {  	v16 =	vld [tilespmem:s16+$0xFFFFFFC0]  }
0x135: {  	v14 =	vld [tilespmem:s16+$0xC0]  }
0x136: {  	v12 =	vld [tilespmem:s16+$0xB0]  }
0x137: {  	v9 =	vld [tilespmem:s16+$0x40]  }
0x138: {  	v10 =	vld [tilespmem:s16+$0x50]  }
0x139: {  	v11 =	vld [tilespmem:s16+$0xF0]  }
0x13a: {  	v13 =	vld [tilespmem:s16+$0xFFFFFF80]  }
0x13b: {  	v17 =	vld [tilespmem:s16+$0xFFFFFF00]  }
0x13c: {  	v18 =	vld [tilespmem:s16+$0x70]  }
0x13d: {  	v19 =	vld [tilespmem:s16+$0xA0]  }
0x13e: {  	v20 =	vld [tilespmem:s16+$0xE0]  }
0x13f: {  	v21 =	vld [tilespmem:s16+$0xFFFFFF40]  }
0x140: {  	v22 =	vld [tilespmem:s16+$0xFFFFFF30]  }
0x141: {  	v23 =	vld [tilespmem:s16+$0xFFFFFF20]  }
0x142: {  	v24 =	vld [tilespmem:s16+$0xFFFFFF10]  }
0x143: {  	v17 =	vld.idx.msk [tilespmem:v17+s2+$0x0], $0xffff  }
0x144: {  	v18 =	vld.idx.msk [tilespmem:v18+s2+$0x0], $0xffff  }
0x145: {  	v25 =	vld [tilespmem:s16+$0xD0]  }
0x146: {  	v26 =	vld [tilespmem:s16+$0xFFFFFF60]  }
0x147: {  	v21 =	vld.idx.msk [tilespmem:v21+s2+$0x0], $0xffff  }
0x148: {  	v27 =	vld [tilespmem:s16+$0x60]  }
0x149: {  	[tilespmem:v13+s12+$0x0] =	vst.idx.add.f32.msk $0xffff, v17  }
0x14a: {  	[tilespmem:v11+s12+$0x0] =	vst.idx.add.f32.msk $0xffff, v18  }
0x14b: {  	v11 =	vld [tilespmem:s16+$0x30]  }
0x14c: {  	v13 =	vld [tilespmem:s16+$0x20]  }
0x14d: {  	v17 =	vld [tilespmem:s16+$0x10]  }
0x14e: {  	v18 =	vld [tilespmem:s16+$0x0]  }
0x14f: {  	v28 =	vld [tilespmem:s16+$0xFFFFFF70]  }
0x150: {  	v27 =	vld.idx.msk [tilespmem:v27+s2+$0x0], $0xffff  }
0x151: {  	v29 =	vld.idx.msk [tilespmem:v10+s2+$0x0], $0xffff  }
0x152: {  	v30 =	vld.idx.msk [tilespmem:v9+s2+$0x0], $0xffff  }
0x153: {  	v31 =	vld.idx.msk [tilespmem:v11+s2+$0x0], $0xffff  }
0x154: {  	v11 =	vld.idx.msk [tilespmem:v13+s2+$0x0], $0xffff  }
0x155: {  	v17 =	vld.idx.msk [tilespmem:v17+s2+$0x0], $0xffff  }
0x156: {  	[tilespmem:v20+s12+$0x0] =	vst.idx.add.f32.msk $0xffff, v27  }
0x157: {  	v10 =	vld.idx.msk [tilespmem:v18+s2+$0x0], $0xffff  }
0x158: {  	[tilespmem:v25+s12+$0x0] =	vst.idx.add.f32.msk $0xffff, v29  }
0x159: {  	v9 =	vld.idx.msk [tilespmem:v26+s2+$0x0], $0xffff  }
0x15a: {  	[tilespmem:v19+s12+$0x0] =	vst.idx.add.f32.msk $0xffff, v11  }
0x15b: {  	v11 =	vld.idx.msk [tilespmem:v28+s2+$0x0], $0xffff  }
0x15c: {  	[tilespmem:v12+s12+$0x0] =	vst.idx.add.f32.msk $0xffff, v31  }
0x15d: {  	v12 =	vld.idx.msk [tilespmem:v22+s2+$0x0], $0xffff  }
.Ltmp15:
0x15e: {  	v13 =	vld.idx.msk [tilespmem:v23+s2+$0x0], $0xffff;
	(pc) =	sbr.rel @p0 .LBB2_23-.Ltmp15, $4  }
0x15f: {  	[tilespmem:v14+s12+$0x0] =	vst.idx.add.f32.msk $0xffff, v30  }
0x160: {  	v14 =	vld.idx.msk [tilespmem:v24+s2+$0x0], $0xffff  }
0x161: {  	[tilespmem:v16+s12+$0x0] =	vst.idx.add.f32.msk $0xffff, v21  }
0x162: {  	[tilespmem:v15+s12+$0x0] =	vst.idx.add.f32.msk $0xffff, v17  }
0x163: {  	_ =	sdelay $0x3  }
0x164: {  	[tilespmem:v8+s12+$0x0] =	vst.idx.add.f32.msk $0xffff, v10  }
0x165: {  	v7 =	vld.idx.msk [tilespmem:v7+s2+$0x0], $0xffff  }
0x166: {  	[tilespmem:v6+s12+$0x0] =	vst.idx.add.f32.msk $0xffff, v13  }
0x167: {  	[tilespmem:v5+s12+$0x0] =	vst.idx.add.f32.msk $0xffff, v11  }
0x168: {  	[tilespmem:v3+s12+$0x0] =	vst.idx.add.f32.msk $0xffff, v12  }
0x169: {  	[tilespmem:v1+s12+$0x0] =	vst.idx.add.f32.msk $0xffff, v9  }
0x16a: {  	[tilespmem:v4+s12+$0x0] =	vst.idx.add.f32.msk $0xffff, v14  }
0x16b: {  	[tilespmem:v2+s12+$0x0] =	vst.idx.add.f32.msk $0xffff, v7  }
0x16c: {  	v1 =	vld [tilespmem:$0xED00];
	_ =	sdelay $0x4  }
0x16d: {  	v2 =	vld [tilespmem:$0xED80];
	_ =	sdelay $0x2  }
0x16e: {  	v1 =	vld.idx.msk [tilespmem:v1+s2+$0x0], $0xffff  }
.Ltmp16:
0x16f: {  	_ = 	snop;
	(pc) =	sbr.rel .LBB2_25-.Ltmp16, $2  }
0x170: {  	_ =	sdelay $0x2  }
0x171: {  	[tilespmem:v2+s12+$0x0] =	vst.idx.add.f32.msk $0xffff, v1  }
.LBB2_27:
0x172: {  	_ =	sfence.sel $0x180000  }
0x173: {  	[bflag:$0x0] =	sbarrier.arrive $0xFFFF  }
0x174: {  	p0 =	sne.s32 s1, $0x0;
	_ =	strace $0x9000004D  }
0x175: {  	s0 =	sadd.s32 @!p0 $0x100000, s0;
	[bflag:$0x2] =	sbarrier.arrive $0xFFFF  }
0x176: {  	[sflag:s0] =	ssyncadd.tile.s32 @!p0 $0x1;
	_ =	shalt  }
.Lfunc_end2:
_tile_overlayer_lowered:
.L_overlay_start_2:
0x177: {  	(tag) =	ssettag $0x2  }
0x178: {  	s0 =	rddreg [dreg:$0x0];
	s2 =	stileid.u32  }
0x179: {  	s1 =	rddreg [dreg:$0x1];
	p0 =	sne.s32 s2, $0x0  }
0x17a: {  	s3 =	rddreg [dreg:$0x2];
	[bflag:$0x3] =	sbarrier.arrive $0xFFFF;
	s2 =	simm.s32 @!p0 $0x1C03  }
0x17b: {  	[timem:s3], [sflag:s2] =	dma.local @!p0 [hbm:s0], s1  }
0x17c: {  	s0 =	simm.s32 @!p0 $0x3  }
0x17d: {  	_ =	swait.ge @!p0 [sflag:s0], s1  }
0x17e: {  	s1 =	ssub.s32 @!p0 $0x0, s1;
	[sflag:s0] =	ssyncset.done @!p0 $0x0  }
0x17f: {  	[sflag:s0] =	ssyncadd.s32 @!p0 s1  }
0x180: {  	[bflag:$0x3] =	sbarrier.arrive $0xFFFF  }
0x181: {  	_ =	shalt  }

// kernel: kernel.8.cloned.1.call-start
scs
__scs_entry_jumppad:
0x0: {  	(pc) =	sbr.rel $0x88, $3  }
0x1: {  	(tag) =	ssettag $0x0;
	lr =	simm.s32 $0x1  }
0x2: {  	[smem:$0x3F9B] =	sst lr;
	_ =	strace $0xD0000000  }
0x3: {  	_ = 	snop  }
0x4: {  	_ = 	snop  }
0x5: {  	_ = 	snop  }
0x6: {  	_ = 	snop  }
0x7: {  	_ = 	snop  }
__scs_overlays_trampoline_lowered:
0x8: {  	[smem:$0x3FAA] =	sst s0  }
0x9: {  	[smem:$0x3FAB] =	sst s1  }
0xa: {  	[smem:$0x3FAC] =	sst s2  }
0xb: {  	[smem:$0x3FAD] =	sst s3  }
0xc: {  	[smem:$0x3FAE] =	sst s4  }
0xd: {  	[smem:$0x3FAF] =	sst s5  }
0xe: {  	[smem:$0x3FB0] =	sst s6  }
0xf: {  	[smem:$0x3FB1] =	sst s7  }
0x10: {  	[smem:$0x3FB2] =	sst s8  }
0x11: {  	[smem:$0x3FB3] =	sst s9;
	s0 =	simm.s32 @!p0 $0x0  }
0x12: {  	s1 =	sld [smem:$0x3F99];
	s0 =	simm.s32 @p0 $0x1  }
0x13: {  	[smem:$0x3FB4] =	sst s0;
	s0 =	simm.s32 @!p1 $0x0  }
0x14: {  	s2 =	sld [smem:$0x3F98];
	s0 =	simm.s32 @p1 $0x1  }
0x15: {  	[smem:$0x3FB5] =	sst s0;
	s0 =	simm.s32 @!p2 $0x0  }
0x16: {  	s3 =	sld [smem:$0x3FDB];
	s0 =	simm.s32 @p2 $0x1  }
0x17: {  	s4 =	simm.s32 $0x1BF5;
	[smem:$0x3FB7] =	sst s0  }
0x18: {  	s0 =	sld [smem:$0x3F9A];
	_ =	swait.ge [sflag:s4], $0x0  }
0x19: {  	s7 =	sld [smem:$0x3F9B]  }
0x1a: {  	s8 =	sadd.s32 $0xFFFFE003, lr  }
0x1b: {  	s9 =	sadd.s32 $0xFFFFFEF7, lr;
	s5 =	simm.s32 $0xFFFFFFFF;
	p2 =	slt.u32 s8, $0xFFFFF086  }
0x1c: {  	p1 =	slt.u32 s9, $0xF7A;
	s5 =	simm.s32 @!p2 $0x0  }
0x1d: {  	s5 =	simm.s32 @p1 $0x1;
	p0 =	seq.s32 s7, s2  }
0x1e: {  	s7 =	smul.u32 @!p0 $0xF7A, s2;
	p2 =	seq.s32 @!p0 s5, $0x0  }
0x1f: {  	s9 =	smul.u32 $0xF7A, s1;
	s8 =	simm.s32 @!p0 $0x1BF5;
	p2 =	por !p2, p0  }
0x20: {  	[sflag:s8] =	ssyncset.s32 @!p0 $0xFFFFF086;
	s6 =	sadd.s32 @!p0 s3, s7;
	s7 =	simm.s32 @!p0 $0x108  }
0x21: {  	s3 =	sadd.s32 s3, s9;
	s6 =	sadd.s32 @!p0 $0x88, s6;
	s7 =	simm.s32 @p2 $0x1082  }
0x22: {  	[simem:s7], [sflag:s8] =	dma.local @!p0 [hbm:s6], $0xF7A  }
0x23: {  	s9 =	sor.u32 $0xD0000000, s2;
	s6 =	simm.s32 $0x108;
	_ =	swait.ge @!p0 [sflag:s8], $0x0  }
0x24: {  	s3 =	sadd.s32 $0x88, s3;
	s6 =	simm.s32 @!p1 $0x1082;
	[sflag:s4] =	ssyncset.s32 $0xFFFFF086  }
0x25: {  	[simem:s6], [sflag:s4] =	dma.local [hbm:s3], $0xF7A  }
0x26: {  	[smem:$0x3F9B] =	sst s1;
	(tag) =	ssettag s2;
	_ =	strace s9  }
0x27: {  	s1 =	sld [smem:$0x3FAB]  }
0x28: {  	s2 =	sld [smem:$0x3FAC]  }
0x29: {  	s4 =	sld [smem:$0x3FAE]  }
0x2a: {  	p0 =	seq.s32 s5, $0x0;
	s5 =	sld [smem:$0x3FAF]  }
0x2b: {  	s6 =	sld [smem:$0x3FB0]  }
0x2c: {  	s7 =	sld [smem:$0x3FB1]  }
0x2d: {  	s3 =	simm.s32 $0x108;
	s8 =	sld [smem:$0x3FB2]  }
0x2e: {  	s3 =	simm.s32 @!p0 $0x1082;
	s9 =	sld [smem:$0x3FB3]  }
0x2f: {  	lr =	sadd.s32 s0, s3;
	s0 =	sld [smem:$0x3FAA]  }
0x30: {  	s3 =	sld [smem:$0x3FAD]  }
0x31: {  	[smem:$0x3FB6] =	sst s10  }
0x32: {  	s10 =	sld [smem:$0x3FB4];
	_ =	sdelay $0x3  }
0x33: {  	p0 =	seq.s32 s10, $0x1;
	s10 =	sld [smem:$0x3FB6];
	_ =	sdelay $0x3  }
0x34: {  	[smem:$0x3FB6] =	sst s10  }
0x35: {  	s10 =	sld [smem:$0x3FB5];
	_ =	sdelay $0x3  }
0x36: {  	p1 =	seq.s32 s10, $0x1;
	s10 =	sld [smem:$0x3FB6];
	_ =	sdelay $0x3  }
0x37: {  	[smem:$0x3FB6] =	sst s10  }
0x38: {  	s10 =	sld [smem:$0x3FB7]  }
0x39: {  	_ = 	snop;
	(pc) =	sbr.ind lr, $3  }
0x3a: {  	_ = 	snop  }
0x3b: {  	_ = 	snop  }
0x3c: {  	p2 =	seq.s32 s10, $0x1;
	s10 =	sld [smem:$0x3FB6]  }
0x3d: {  	_ =	shalt  }
0x3e: {  	_ =	shalt  }
0x3f: {  	_ =	shalt  }
0x40: {  	_ =	shalt  }
0x41: {  	_ =	shalt  }
0x42: {  	_ =	shalt  }
0x43: {  	_ =	shalt  }
0x44: {  	_ =	shalt  }
0x45: {  	_ =	shalt  }
0x46: {  	_ =	shalt  }
0x47: {  	_ =	shalt  }
0x48: {  	_ =	shalt  }
0x49: {  	_ =	shalt  }
0x4a: {  	_ =	shalt  }
0x4b: {  	_ =	shalt  }
0x4c: {  	_ =	shalt  }
0x4d: {  	_ =	shalt  }
0x4e: {  	_ =	shalt  }
0x4f: {  	_ =	shalt  }
0x50: {  	_ =	shalt  }
0x51: {  	_ =	shalt  }
0x52: {  	_ =	shalt  }
0x53: {  	_ =	shalt  }
0x54: {  	_ =	shalt  }
0x55: {  	_ =	shalt  }
0x56: {  	_ =	shalt  }
0x57: {  	_ =	shalt  }
0x58: {  	_ =	shalt  }
0x59: {  	_ =	shalt  }
0x5a: {  	_ =	shalt  }
0x5b: {  	_ =	shalt  }
0x5c: {  	_ =	shalt  }
0x5d: {  	_ =	shalt  }
0x5e: {  	_ =	shalt  }
0x5f: {  	_ =	shalt  }
0x60: {  	_ =	shalt  }
0x61: {  	_ =	shalt  }
0x62: {  	_ =	shalt  }
0x63: {  	_ =	shalt  }
0x64: {  	_ =	shalt  }
0x65: {  	_ =	shalt  }
0x66: {  	_ =	shalt  }
0x67: {  	_ =	shalt  }
0x68: {  	_ =	shalt  }
0x69: {  	_ =	shalt  }
0x6a: {  	_ =	shalt  }
0x6b: {  	_ =	shalt  }
0x6c: {  	_ =	shalt  }
0x6d: {  	_ =	shalt  }
0x6e: {  	_ =	shalt  }
0x6f: {  	_ =	shalt  }
0x70: {  	_ =	shalt  }
0x71: {  	_ =	shalt  }
0x72: {  	_ =	shalt  }
0x73: {  	_ =	shalt  }
0x74: {  	_ =	shalt  }
0x75: {  	_ =	shalt  }
0x76: {  	_ =	shalt  }
0x77: {  	_ =	shalt  }
0x78: {  	_ =	shalt  }
0x79: {  	_ =	shalt  }
0x7a: {  	_ =	shalt  }
0x7b: {  	_ =	shalt  }
0x7c: {  	_ =	shalt  }
0x7d: {  	_ =	shalt  }
0x7e: {  	_ =	shalt  }
0x7f: {  	_ =	shalt  }
0x80: {  	_ =	shalt  }
0x81: {  	_ =	shalt  }
0x82: {  	_ =	shalt  }
0x83: {  	_ =	shalt  }
0x84: {  	_ =	shalt  }
0x85: {  	_ =	shalt  }
0x86: {  	_ =	shalt  }
0x87: {  	_ =	shalt  }
.Lfunc_end0:
.L_simem_size_0:
called_computation_lowered:
.L_overlay_start_0:
0x88: {  	s2 =	sld [smem:$0x3FD9]  }
0x89: {  	s3 =	sld [smem:$0x3FFE];
	_ =	sdelay $0x1  }
0x8a: {  	s1 =	srdreg.scid  }
0x8b: {  	s0 =	sand.u32 $0x1, s1  }
0x8c: {  	s17 =	sshll.u32 s0, $0xA;
	s2 =	sadd.s32 s3, s2  }
0x8d: {  	s2 =	sadd.s32 s2, s17  }
0x8e: {  	[smem:$0x3FC2] =	sst s2  }
0x8f: {  	_ = 	snop  }
0x90: {  	s2 =	sld [smem:$0x3FD0];
	(tm) =	ssettm $0x1  }
0x91: {  	s18 =	sld [smem:$0x3FFB];
	_ =	sdelay $0x3  }
0x92: {  	_ =	strace s18  }
0x93: {  	s3 =	sld [smem:$0x3FFC];
	_ =	sdelay $0x3  }
0x94: {  	_ =	strace s3  }
0x95: {  	s3 =	sld [smem:$0x3FFD];
	_ =	sdelay $0x3  }
0x96: {  	_ =	strace s3  }
0x97: {  	_ =	strace $0x8FFFFFFF  }
0x98: {  	s19 =	sld [smem:$0x3FDB];
	_ =	sdelay $0x1  }
0x99: {  	s4 =	simm.s32 $_scs_section_size  }
0x9a: {  	s5 =	simm.s32 $_size__tile_overlayer_lowered;
	s6 =	simm.s32 $_tile_overlayer_lowered  }
0x9b: {  	s22 =	simm.s32 $0x1BFF;
	s21 =	sshll.u32 s6, $0x1;
	s3 =	sadd.s32 s4, s19  }
0x9c: {  	s7 =	simm.s32 $0x0;
	s20 =	sshll.u32 s5, $0x1;
	s5 =	sadd.s32 s21, s3  }
0x9d: {  	[timem:s7], [sflag:s22] =	dma.local [hbm:s5], s20  }
0x9e: {  	_ =	swait.ge [sflag:s22], s20  }
0x9f: {  	s4 =	ssub.s32 $0x0, s20;
	[sflag:s22] =	ssyncset.done $0x0  }
0xa0: {  	[sflag:s22] =	ssyncadd.s32 s4;
	_ =	sdelay $0x1  }
0xa1: {  	s23 =	simm.s32 $0x1B8B  }
0xa2: {  	_ =	swait.ge [sflag:s23], $0x1  }
0xa3: {  	[sflag:s23] =	ssyncset.done $0x0  }
0xa4: {  	s25 =	simm.s32 $0x1B8E;
	s24 =	sld [smem:$0x3FFE];
	[sflag:s23] =	ssyncadd.s32 $0xFFFFFFFF  }
0xa5: {  	s26 =	simm.s32 $execute0_lowered;
	[smem:$0x3FD2] =	sst s25  }
0xa6: {  	s5 =	sshll.u32 s26, $0x1;
	_ =	strace $0x80000046;
	[dreg:$0x1] =	wrdreg $0xFFFFFFFF  }
0xa7: {  	s28 =	simm.s32 $_size_execute0_lowered;
	s3 =	sadd.s32 s3, s5;
	[dreg:$0x0] =	wrdreg $0x0  }
0xa8: {  	s5 =	sshll.u32 s28, $0x1;
	[dreg:$0x2] =	wrdreg s3  }
0xa9: {  	[dreg:$0x3] =	wrdreg s5  }
0xaa: {  	[dreg:$0x4] =	wrdreg $0xC0  }
0xab: {  	_ =	task [dreg:s7], $0x5FFFF  }
0xac: {  	[dreg:$0x1] =	wrdreg $0xFFFFFFFF  }
0xad: {  	[dreg:$0x0] =	wrdreg $0x60  }
0xae: {  	[dreg:$0x2] =	wrdreg s24  }
0xaf: {  	[dreg:$0x3] =	wrdreg s2  }
0xb0: {  	[dreg:$0x4] =	wrdreg $0xA9000  }
0xb1: {  	[dreg:$0x5] =	wrdreg $0x9  }
0xb2: {  	_ =	task.clear_ibuf [dreg:s7], $0x6FFFF;
	_ =	strace $0x90000046  }
0xb3: {  	s29 =	simm.s32 $0x9;
	_ =	strace $0x80000048  }
0xb4: {  	_ =	swait.ge [sflag:s29], $0x1  }
0xb5: {  	[sflag:s29] =	ssyncadd.s32 $0xFFFFFFFF  }
0xb6: {  	_ =	strace $0x90000048  }
0xb7: {  	_ =	sfence  }
0xb8: {  	s30 =	sld [smem:$0x0];
	_ =	sdelay $0x2  }
0xb9: {  	s31 =	sshll.u32 s1, $0xD;
	s1 =	sshrl.u32 s1, $0x2  }
0xba: {  	s3 =	sand.u32 $0x4000, s31;
	s1 =	sadd.s32 s1, s30  }
0xbb: {  	s0 =	sor.u32 s3, s0;
	s1 =	sshll.u32 s1, $0x11  }
0xbc: {  	s0 =	sor.u32 s1, s0  }
0xbd: {  	s0 =	sadd.s32 $0x8F2B, s0  }
0xbe: {  	[sflag:s0] =	ssyncadd.remote.s32 $0x1  }
0xbf: {  	_ =	sfence.sel $0xFFFF  }
0xc0: {  	[dreg:$0x0] =	wrdreg $0xFFFFFFFF;
	(pc) =	sbr.abs _section_cstart, $3  }
0xc1: {  	[dreg:$0x1] =	wrdreg $0xFFFFFFFF  }
0xc2: {  	_ =	task.clear_ibuf [dreg:s7], $0x2FFFF;
	_ =	strace $0x9FFFFFFF  }
0xc3: {  	(tm) =	ssettm $0x7FFFFFFF  }
tec
execute0_lowered:
.L_overlay_start_1:
0x0: {  	(tag) =	ssettag $0x1  }
0x1: {  	s3 =	rddreg [dreg:$0x0]  }
0x2: {  	s7 =	rddreg [dreg:$0x1]  }
0x3: {  	s6 =	rddreg [dreg:$0x2]  }
0x4: {  	s1 =	srdreg.scid;
	s0 =	rddreg [dreg:$0x3]  }
0x5: {  	s2 =	simm.s32 $0x0;
	s14 =	simm.s32 $0x9F00;
	s15 =	simm.s32 $0x0  }
0x6: {  	s4 =	sand.u32 $0x1, s1;
	s1 =	stileid.u32;
	[smem:$0x7FF] =	sst s2  }
0x7: {  	s8 =	sadd.s32 $0x2000, s3;
	s5 =	sshll.u32 s4, $0x4;
	s12 =	smul.u32 $0xA000, s1  }
0x8: {  	_ =	strace $0x80000047;
	s24 =	sshll.u32 s1, $0x7;
	s13 =	smul.u32 $0x5000, s4  }
0x9: {  	s9 =	sshrl.u32 s1, $0x3;
	s10 =	ssub.s32 $0x2, s4;
	s28 =	smul.u32 $0x500, s1  }
0xa: {  	s5 =	sor.u32 s1, s5;
	s9 =	smul.u32 $0xA0000, s9;
	s11 =	sshrl.u32 s10, $0x1  }
0xb: {  	s23 =	sshrl.u32 s5, $0x3;
	s5 =	sand.u32 $0x380, s24;
	s10 =	ssub.s32 s10, s11  }
0xc: {  	s30 =	sshrl.u32 s12, $0x2;
	s11 =	sadd.s32 s28, s13;
	s3 =	smul.u32 $0x13C00, s23  }
0xd: {  	s12 =	simm.s32 $0x400;
	s13 =	simm.s32 $0xA400;
	s29 =	sshrl.u32 s9, $0x2  }
0xe: {  	s31 =	sshrl.u32 s11, $0x3;
	s9 =	simm.s32 $0x1;
	s3 =	sor.u32 s5, s3  }
0xf: {  	s11 =	simm.s32 $0x80;
	s25 =	sadd.s32 $0x4F000, s3;
	s3 =	sshrl.u32 s3, $0x3  }
0x10: {  	s7 =	sadd.s32 s7, s31;
	s26 =	sshrl.u32 s25, $0x3;
	s3 =	sadd.s32 s8, s3  }
0x11: {  	s4 =	sadd.s32 s8, s26;
	s8 =	sadd.s32 s29, s6;
	s6 =	sadd.s32 s30, s6  }
0x12: {  	v0 =	vimm.f32 $0.0e+00;
	v1 =	vimm.f32 $1.000000000e+00;
	s5 =	sadd.s32 s5, s8;
	s8 =	smax.u32 s10, $0x1;
	s10 =	simm.s32 $0x4F00  }
.LBB2_1:
0x13: {  	s16 =	simm.s32 $0x0  }
.LBB2_2:
0x14: {  	p0 =	sne.s32 s16, $0x13FC0  }
.Ltmp0:
0x15: {  	_ = 	snop;
	(pc) =	sbr.rel @p0 .LBB2_2-.Ltmp0, $3  }
0x16: {  	_ =	sdelay $0x1  }
0x17: {  	s17 =	sshra.s32 s16, $0x2  }
0x18: {  	s16 =	sadd.s32 $0x40, s16;
	[tilespmem:s17+$0x4F00] =	vst v0  }
0x19: {  	s16 =	simm.s32 $0x0  }
0x1a: {  	s17 =	simm.s32 $0x80;
	s19 =	sadd.s32 $0x0, s3;
	s18 =	simm.s32 $0x100  }
.LBB2_4:
0x1b: {  	[tilespmem:s16], [sflag:$0x1] =	stream.linear.gather [hbm4b:s19+s2], $0x80, $0x38;
	[tilespmem:$0xF900] =	vst v63  }
0x1c: {  	s19 =	smov.u32 s17;
	s16 =	smov.u32 s18;
	p0 =	sne.s32 s17, $0x2700  }
.Ltmp1:
0x1d: {  	s17 =	sadd.s32 $0x80, s17;
	(pc) =	sbr.rel @p0 .LBB2_4-.Ltmp1, $2  }
0x1e: {  	_ =	sdelay $0x2  }
0x1f: {  	s18 =	sadd.s32 $0x100, s18;
	s19 =	sadd.s32 s19, s3  }
0x20: {  	[tilespmem:s16], [sflag:$0x1] =	stream.linear.gather [hbm4b:s19+s2], $0x80, $0x38;
	[tilespmem:$0xF900] =	vst v63  }
0x21: {  	_ =	swait.ge [sflag:s9], $0x2780  }
0x22: {  	s16 =	simm.s32 $0x80;
	s17 =	simm.s32 $0x80;
	[sflag:s9] =	ssyncset.done $0x0  }
0x23: {  	s19 =	sadd.s32 $0x0, s4;
	s18 =	simm.s32 $0x180;
	[sflag:s9] =	ssyncadd.s32 $0xFFFFD880  }
.LBB2_6:
0x24: {  	[tilespmem:s16], [sflag:$0x1] =	stream.linear.gather [hbm4b:s19+s2], $0x80, $0x38;
	[tilespmem:$0xF900] =	vst v63  }
0x25: {  	s19 =	smov.u32 s17;
	s16 =	smov.u32 s18;
	p0 =	sne.s32 s17, $0x2700  }
.Ltmp2:
0x26: {  	s17 =	sadd.s32 $0x80, s17;
	(pc) =	sbr.rel @p0 .LBB2_6-.Ltmp2, $2  }
0x27: {  	_ =	sdelay $0x2  }
0x28: {  	s18 =	sadd.s32 $0x100, s18;
	s19 =	sadd.s32 s19, s4  }
0x29: {  	[tilespmem:s16], [sflag:$0x1] =	stream.linear.gather [hbm4b:s19+s2], $0x80, $0x38;
	[tilespmem:$0xF900] =	vst v63  }
0x2a: {  	_ =	swait.ge [sflag:s9], $0x2780  }
0x2b: {  	[sflag:s9] =	ssyncset.done $0x0  }
0x2c: {  	s16 =	simm.s32 $0x80;
	[sflag:s9] =	ssyncadd.s32 $0xFFFFD880  }
0x2d: {  	v2 =	vld [tilespmem:s16+$0x10]  }
0x2e: {  	v3 =	vld [tilespmem:s16+$0x30]  }
0x2f: {  	v4 =	vld [tilespmem:s16+$0x20]  }
0x30: {  	v5 =	vld [tilespmem:s16+$0x40]  }
0x31: {  	v6 =	vld [tilespmem:s16+$0xFFFFFF80]  }
0x32: {  	v7 =	vld [tilespmem:s16+$0xFFFFFFF0]  }
0x33: {  	v8 =	vld [tilespmem:s16+$0xFFFFFFE0]  }
0x34: {  	v9 =	vld [tilespmem:s16+$0x60]  }
0x35: {  	v10 =	vld [tilespmem:s16+$0xFFFFFFB0]  }
0x36: {  	v11 =	vld [tilespmem:s16+$0xFFFFFFD0]  }
0x37: {  	v12 =	vld [tilespmem:s16+$0xFFFFFFC0]  }
0x38: {  	v13 =	vld [tilespmem:s16+$0xFFFFFFA0]  }
0x39: {  	v14 =	vld [tilespmem:s16+$0x70]  }
0x3a: {  	v59 =	vld [tilespmem:s16+$0xFFFFFF90]  }
0x3b: {  	v60 =	vld [tilespmem:s16+$0x50]  }
0x3c: {  	v62 =	vld [tilespmem:s16+$0x0]  }
0x3d: {  	[tilespmem:v7+s10+$0x0] =	vst.idx.add.f32.msk $0xffff, v1  }
0x3e: {  	[tilespmem:v8+s10+$0x0] =	vst.idx.add.f32.msk $0xffff, v1  }
0x3f: {  	[tilespmem:v11+s10+$0x0] =	vst.idx.add.f32.msk $0xffff, v1  }
0x40: {  	v61 =	vadd.s32 $0x2800, v14;
	[tilespmem:v12+s10+$0x0] =	vst.idx.add.f32.msk $0xffff, v1  }
0x41: {  	v9 =	vadd.s32 $0x2800, v9;
	[tilespmem:v13+s10+$0x0] =	vst.idx.add.f32.msk $0xffff, v1  }
0x42: {  	v5 =	vadd.s32 $0x2800, v5;
	[tilespmem:v10+s10+$0x0] =	vst.idx.add.f32.msk $0xffff, v1  }
0x43: {  	v3 =	vadd.s32 $0x2800, v3;
	[tilespmem:v6+s10+$0x0] =	vst.idx.add.f32.msk $0xffff, v1  }
0x44: {  	v4 =	vadd.s32 $0x2800, v4;
	[tilespmem:v59+s10+$0x0] =	vst.idx.add.f32.msk $0xffff, v1  }
0x45: {  	v63 =	vadd.s32 $0x2800, v2;
	[tilespmem:v61+s10+$0x0] =	vst.idx.add.f32.msk $0xffff, v1  }
0x46: {  	v8 =	vadd.s32 $0x2800, v60;
	[tilespmem:v9+s10+$0x0] =	vst.idx.add.f32.msk $0xffff, v1  }
0x47: {  	v2 =	vadd.s32 $0x2800, v62;
	[tilespmem:v5+s10+$0x0] =	vst.idx.add.f32.msk $0xffff, v1  }
0x48: {  	[tilespmem:v3+s10+$0x0] =	vst.idx.add.f32.msk $0xffff, v1  }
0x49: {  	[tilespmem:v4+s10+$0x0] =	vst.idx.add.f32.msk $0xffff, v1  }
0x4a: {  	[tilespmem:v63+s10+$0x0] =	vst.idx.add.f32.msk $0xffff, v1  }
0x4b: {  	s17 =	simm.s32 $0x0;
	[tilespmem:v8+s10+$0x0] =	vst.idx.add.f32.msk $0xffff, v1  }
.LBB2_8:
0x4c: {  	s17 =	sadd.s32 $0x8, s17;
	[tilespmem:v2+s10+$0x0] =	vst.idx.add.f32.msk $0xffff, v1;
	s16 =	sadd.s32 $0x100, s16  }
0x4d: {  	v2 =	vld [tilespmem:s16+$0x10];
	p0 =	slt.u32 s17, $0x268  }
0x4e: {  	v3 =	vld [tilespmem:s16+$0x30]  }
0x4f: {  	v4 =	vld [tilespmem:s16+$0x20]  }
0x50: {  	v5 =	vld [tilespmem:s16+$0x40]  }
0x51: {  	v6 =	vld [tilespmem:s16+$0xFFFFFF80]  }
0x52: {  	v7 =	vld [tilespmem:s16+$0xFFFFFFF0]  }
0x53: {  	v8 =	vld [tilespmem:s16+$0xFFFFFFE0]  }
0x54: {  	v9 =	vld [tilespmem:s16+$0x60]  }
0x55: {  	v10 =	vld [tilespmem:s16+$0xFFFFFFB0]  }
0x56: {  	v11 =	vld [tilespmem:s16+$0xFFFFFFD0]  }
0x57: {  	v12 =	vld [tilespmem:s16+$0xFFFFFFC0]  }
0x58: {  	v13 =	vld [tilespmem:s16+$0xFFFFFFA0]  }
0x59: {  	v14 =	vld [tilespmem:s16+$0x70]  }
0x5a: {  	[tilespmem:v7+s10+$0x0] =	vst.idx.add.f32.msk $0xffff, v1  }
0x5b: {  	[tilespmem:v8+s10+$0x0] =	vst.idx.add.f32.msk $0xffff, v1  }
0x5c: {  	v7 =	vld [tilespmem:s16+$0xFFFFFF90]  }
0x5d: {  	v8 =	vld [tilespmem:s16+$0x50]  }
0x5e: {  	[tilespmem:v11+s10+$0x0] =	vst.idx.add.f32.msk $0xffff, v1;
	v11 =	vadd.s32 $0x2800, v14  }
0x5f: {  	v9 =	vadd.s32 $0x2800, v9;
	[tilespmem:v12+s10+$0x0] =	vst.idx.add.f32.msk $0xffff, v1  }
0x60: {  	[tilespmem:v13+s10+$0x0] =	vst.idx.add.f32.msk $0xffff, v1  }
0x61: {  	[tilespmem:v10+s10+$0x0] =	vst.idx.add.f32.msk $0xffff, v1  }
0x62: {  	v10 =	vld [tilespmem:s16+$0x0];
	v8 =	vadd.s32 $0x2800, v8  }
0x63: {  	v5 =	vadd.s32 $0x2800, v5;
	[tilespmem:v6+s10+$0x0] =	vst.idx.add.f32.msk $0xffff, v1  }
0x64: {  	v3 =	vadd.s32 $0x2800, v3;
	[tilespmem:v7+s10+$0x0] =	vst.idx.add.f32.msk $0xffff, v1  }
0x65: {  	v4 =	vadd.s32 $0x2800, v4;
	[tilespmem:v11+s10+$0x0] =	vst.idx.add.f32.msk $0xffff, v1  }
0x66: {  	v6 =	vadd.s32 $0x2800, v2;
	[tilespmem:v9+s10+$0x0] =	vst.idx.add.f32.msk $0xffff, v1  }
.Ltmp3:
0x67: {  	v2 =	vadd.s32 $0x2800, v10;
	[tilespmem:v8+s10+$0x0] =	vst.idx.add.f32.msk $0xffff, v1;
	(pc) =	sbr.rel @p0 .LBB2_8-.Ltmp3, $4  }
0x68: {  	[tilespmem:v5+s10+$0x0] =	vst.idx.add.f32.msk $0xffff, v1  }
0x69: {  	[tilespmem:v3+s10+$0x0] =	vst.idx.add.f32.msk $0xffff, v1  }
0x6a: {  	[tilespmem:v4+s10+$0x0] =	vst.idx.add.f32.msk $0xffff, v1  }
0x6b: {  	[tilespmem:v6+s10+$0x0] =	vst.idx.add.f32.msk $0xffff, v1  }
0x6c: {  	_ =	sdelay $0x3  }
0x6d: {  	[tilespmem:v2+s10+$0x0] =	vst.idx.add.f32.msk $0xffff, v1  }
0x6e: {  	v2 =	vld [tilespmem:$0x4E80]  }
0x6f: {  	v3 =	vld [tilespmem:$0x4E00];
	_ =	sdelay $0x3  }
0x70: {  	v2 =	vadd.s32 $0x2800, v2;
	_ =	sdelay $0x3  }
0x71: {  	[tilespmem:v3+s10+$0x0] =	vst.idx.add.f32.msk $0xffff, v1  }
0x72: {  	[tilespmem:v2+s10+$0x0] =	vst.idx.add.f32.msk $0xffff, v1  }
0x73: {  	[spmem:s5] =	stream.strided.scatter [tilespmem:s10], [sflag:$0x1], $0x5000, s12, s11, $0x38;
	[tilespmem:$0xF900] =	vst v63  }
0x74: {  	_ =	swait.ge [sflag:s9], $0x5000  }
0x75: {  	[sflag:s9] =	ssyncset.done $0x0  }
0x76: {  	s16 =	simm.s32 $0x0;
	[sflag:s9] =	ssyncadd.s32 $0xFFFFB000  }
0x77: {  	s17 =	simm.s32 $0x40;
	s18 =	simm.s32 $0x0;
	[bflag:$0x0] =	sbarrier.arrive $0xFFFF  }
.LBB2_10:
0x78: {  	p0 =	sne.s32 s17, $0x13C0;
	[tilespmem:s18+$0x9F00] =	vst v0;
	s18 =	smov.u32 s17;
	s17 =	sadd.s32 $0x40, s17  }
.Ltmp4:
0x79: {  	(pc) =	sbr.rel @p0 .LBB2_10-.Ltmp4, $2  }
0x7a: {  	_ =	sdelay $0x2  }
0x7b: {  	s18 =	sshra.s32 s18, $0x2  }
0x7c: {  	[tilespmem:s18+$0x9F00] =	vst v0  }
.LBB2_12:
0x7d: {  	s17 =	sshrl.u32 s16, $0x3  }
0x7e: {  	s17 =	smul.u32 $0xA0000, s17;
	_ =	sdelay $0x1  }
0x7f: {  	s18 =	sshll.u32 s16, $0x7;
	s17 =	sshra.s32 s17, $0x2  }
0x80: {  	s18 =	sand.u32 $0x380, s18;
	s17 =	sadd.s32 s17, s6  }
0x81: {  	s17 =	sadd.s32 s18, s17  }
0x82: {  	[tilespmem:s13], [sflag:$0x1] =	stream.strided.gather [spmem:s17], $0x500, s12, s11, $0x38;
	[tilespmem:$0xF900] =	vst v63  }
0x83: {  	_ =	swait.ge [sflag:s9], $0x500  }
0x84: {  	[sflag:s9] =	ssyncset.done $0x0  }
0x85: {  	s17 =	simm.s32 $0x9F40;
	[sflag:s9] =	ssyncadd.s32 $0xFFFFFB00  }
0x86: {  	s18 =	simm.s32 $0xA440;
	v3 =	vld [tilespmem:s17+$0x30]  }
0x87: {  	v4 =	vld [tilespmem:s18+$0x30]  }
0x88: {  	v2 =	vld [tilespmem:s18+$0xFFFFFFC0]  }
0x89: {  	v5 =	vld [tilespmem:s17+$0xFFFFFFD0]  }
0x8a: {  	v6 =	vld [tilespmem:s18+$0xFFFFFFD0]  }
0x8b: {  	v7 =	vld [tilespmem:s17+$0xFFFFFFE0]  }
0x8c: {  	v8 =	vld [tilespmem:s18+$0xFFFFFFE0]  }
0x8d: {  	v9 =	vld [tilespmem:s17+$0xFFFFFFF0]  }
0x8e: {  	v10 =	vld [tilespmem:s18+$0xFFFFFFF0]  }
0x8f: {  	v11 =	vld [tilespmem:s17+$0x0]  }
0x90: {  	v12 =	vld [tilespmem:s18+$0x0];
	v4 =	vadd.f32 v4, v3  }
0x91: {  	v6 =	vadd.f32 v6, v5;
	v3 =	vld [tilespmem:s17+$0x10]  }
0x92: {  	v7 =	vadd.f32 v8, v7;
	v5 =	vld [tilespmem:s18+$0x10];
	[tilespmem:s17+$0x30] =	vst v4  }
0x93: {  	v8 =	vadd.f32 v10, v9;
	[tilespmem:s17+$0xFFFFFFD0] =	vst v6;
	v4 =	vld [tilespmem:s17+$0x20]  }
0x94: {  	[tilespmem:s17+$0xFFFFFFE0] =	vst v7;
	v7 =	vld [tilespmem:s18+$0x20]  }
0x95: {  	s19 =	simm.s32 $0x0;
	s20 =	simm.s32 $0x9FC0;
	v6 =	vld [tilespmem:s17+$0xFFFFFFC0];
	[tilespmem:s17+$0xFFFFFFF0] =	vst v8;
	v8 =	vadd.f32 v12, v11  }
.LBB2_13:
0x96: {  	v9 =	vld [tilespmem:s20+$0x30];
	s18 =	sadd.s32 $0x80, s18  }
0x97: {  	s19 =	sadd.s32 $0x8, s19;
	v10 =	vld [tilespmem:s18+$0x30];
	[tilespmem:s17+$0x0] =	vst v8;
	v3 =	vadd.f32 v5, v3  }
0x98: {  	p0 =	slt.u32 s19, $0x48;
	v5 =	vld [tilespmem:s18+$0xFFFFFFC0]  }
0x99: {  	v8 =	vld [tilespmem:s20+$0xFFFFFFD0];
	[tilespmem:s17+$0x10] =	vst v3;
	v3 =	vadd.f32 v7, v4  }
0x9a: {  	v4 =	vld [tilespmem:s18+$0xFFFFFFD0];
	v11 =	vadd.f32 v2, v6  }
0x9b: {  	v6 =	vld [tilespmem:s20+$0xFFFFFFE0];
	[tilespmem:s17+$0x20] =	vst v3  }
0x9c: {  	v3 =	vld [tilespmem:s18+$0xFFFFFFE0];
	v7 =	vadd.f32 v10, v9;
	[tilespmem:s17+$0xFFFFFFC0] =	vst v11;
	s17 =	smov.u32 s20  }
0x9d: {  	v9 =	vld [tilespmem:s20+$0xFFFFFFF0];
	v2 =	vmov v5  }
0x9e: {  	v10 =	vld [tilespmem:s18+$0xFFFFFFF0];
	[tilespmem:s20+$0x30] =	vst v7  }
0x9f: {  	v4 =	vadd.f32 v4, v8;
	v8 =	vld [tilespmem:s20+$0x0]  }
0xa0: {  	v11 =	vld [tilespmem:s18+$0x0]  }
.Ltmp5:
0xa1: {  	[tilespmem:s20+$0xFFFFFFD0] =	vst v4;
	v4 =	vadd.f32 v3, v6;
	v3 =	vld [tilespmem:s20+$0x10];
	(pc) =	sbr.rel @p0 .LBB2_13-.Ltmp5, $4  }
0xa2: {  	v5 =	vld [tilespmem:s18+$0x10]  }
0xa3: {  	[tilespmem:s20+$0xFFFFFFE0] =	vst v4;
	v9 =	vadd.f32 v10, v9;
	v4 =	vld [tilespmem:s20+$0x20]  }
0xa4: {  	v7 =	vld [tilespmem:s18+$0x20]  }
0xa5: {  	s20 =	sadd.s32 $0x80, s20;
	v6 =	vld [tilespmem:s17+$0xFFFFFFC0];
	[tilespmem:s17+$0xFFFFFFF0] =	vst v9;
	v8 =	vadd.f32 v11, v8  }
0xa6: {  	s16 =	sadd.s32 $0x1, s16  }
0xa7: {  	p0 =	sne.s32 s16, $0x10  }
.Ltmp6:
0xa8: {  	v3 =	vadd.f32 v5, v3;
	(pc) =	sbr.rel @p0 .LBB2_12-.Ltmp6, $4  }
0xa9: {  	[tilespmem:s17+$0x0] =	vst v8;
	v4 =	vadd.f32 v7, v4  }
0xaa: {  	[tilespmem:s17+$0x10] =	vst v3;
	v2 =	vadd.f32 v2, v6  }
0xab: {  	[tilespmem:s17+$0x20] =	vst v4  }
0xac: {  	[tilespmem:s17+$0xFFFFFFC0] =	vst v2  }
0xad: {  	s15 =	sadd.s32 $0x1, s15  }
0xae: {  	p0 =	sne.s32 s15, s8  }
.Ltmp7:
0xaf: {  	_ = 	snop;
	(pc) =	sbr.rel @p0 .LBB2_1-.Ltmp7, $4  }
0xb0: {  	[hbm4b:s7+s2] =	stream.linear.scatter [tilespmem:s14], [sflag:$0x1], $0x500, $0x38;
	[tilespmem:$0xF900] =	vst v63  }
0xb1: {  	_ =	swait.ge [sflag:s9], $0x500  }
0xb2: {  	[sflag:s9] =	ssyncset.done $0x0  }
0xb3: {  	[sflag:s9] =	ssyncadd.s32 $0xFFFFFB00  }
0xb4: {  	_ =	sfence.sel $0x180000  }
0xb5: {  	[bflag:$0x0] =	sbarrier.arrive $0xFFFF  }
0xb6: {  	p0 =	sne.s32 s1, $0x0;
	_ =	strace $0x90000047  }
0xb7: {  	s0 =	sadd.s32 @!p0 $0x100000, s0;
	[bflag:$0x2] =	sbarrier.arrive $0xFFFF  }
0xb8: {  	[sflag:s0] =	ssyncadd.tile.s32 @!p0 $0x1;
	_ =	shalt  }
.Lfunc_end2:
_tile_overlayer_lowered:
.L_overlay_start_2:
0xb9: {  	(tag) =	ssettag $0x2  }
0xba: {  	s0 =	rddreg [dreg:$0x0];
	s2 =	stileid.u32  }
0xbb: {  	s1 =	rddreg [dreg:$0x1];
	p0 =	sne.s32 s2, $0x0  }
0xbc: {  	s3 =	rddreg [dreg:$0x2];
	[bflag:$0x3] =	sbarrier.arrive $0xFFFF;
	s2 =	simm.s32 @!p0 $0x1C01  }
0xbd: {  	[timem:s3], [sflag:s2] =	dma.local @!p0 [hbm:s0], s1  }
0xbe: {  	s0 =	simm.s32 @!p0 $0x1  }
0xbf: {  	_ =	swait.ge @!p0 [sflag:s0], s1  }
0xc0: {  	s1 =	ssub.s32 @!p0 $0x0, s1;
	[sflag:s0] =	ssyncset.done @!p0 $0x0  }
0xc1: {  	[sflag:s0] =	ssyncadd.s32 @!p0 s1  }
0xc2: {  	[bflag:$0x3] =	sbarrier.arrive $0xFFFF  }
0xc3: {  	_ =	shalt  }

</sc_bundles>
